<compile_context>
chip_gen: v7x
topology: tpu7x:2x2x1
jax: 0.10.2.dev20260603
libtpu: 0.0.44.dev20260713+nightly
codegen_flags: <defaults>
</compile_context>

<pallas_src>
import jax
import jax.numpy as jnp
from jax import lax
from jax.experimental import pallas as pl
from jax.experimental.pallas import tpu as pltpu
from jax.experimental.pallas import tpu_sc as plsc

N_ITEMS = 100000
D = 128
BATCH = 4096
HIST = 50
NC = 2
NS = 16
NW = NC * NS
CHUNK = BATCH // NW
NBUF = 7


def _emb_body(xt_hbm, tab_hbm, out_hbm, idx_v, bufs, gsems, wsems):
    wid = lax.axis_index("s") * NC + lax.axis_index("c")
    col0 = wid * CHUNK

    pltpu.sync_copy(xt_hbm.at[:, pl.ds(col0, CHUNK)], idx_v)

    zeros16 = jnp.zeros((16,), jnp.float32)

    def gather(j, b):
        return pltpu.make_async_copy(
            tab_hbm.at[idx_v.at[j]], bufs.at[b], gsems.at[b])

    def write(j, b):
        return pltpu.make_async_copy(
            bufs.at[b], out_hbm.at[j, pl.ds(col0, CHUNK)], wsems.at[b])

    def fixup(b, j):
        buf = bufs.at[b]
        vmin = idx_v[j, pl.ds(0, 16)]
        for g in range(1, CHUNK // 16):
            vmin = jnp.minimum(vmin, idx_v[j, pl.ds(g * 16, 16)])
        m = vmin[0]
        for l in range(1, 16):
            m = jnp.minimum(m, vmin[l])

        @pl.when(m == 0)
        def _():
            def group_body(g, carry):
                iv = idx_v[j, pl.ds(g * 16, 16)]
                for l in range(16):
                    @pl.when(iv[l] == 0)
                    def _(l=l):
                        for cblk in range(D // 16):
                            buf[g * 16 + l, pl.ds(cblk * 16, 16)] = zeros16
                return carry

            lax.fori_loop(0, CHUNK // 16, group_body, 0)

    for b in range(NBUF - 2):
        gather(b, b).start()

    def chunk_body(j, carry):
        b = lax.rem(j, NBUF)
        nj = j + NBUF - 2
        nb = lax.rem(nj, NBUF)

        @pl.when(nj < HIST)
        def _():
            @pl.when(j >= 2)
            def _():
                write(nj - NBUF, nb).wait()

            gather(nj, nb).start()

        gather(j, b).wait()
        fixup(b, j)
        write(j, b).start()
        return carry

    lax.fori_loop(0, HIST, chunk_body, 0)

    for b in range(NBUF):
        j = HIST - NBUF + b
        write(j, j % NBUF).wait()


def kernel(X, table):
    xt = jnp.transpose(X)
    mesh = plsc.VectorSubcoreMesh(core_axis_name="c", subcore_axis_name="s")
    out = pl.kernel(
        _emb_body,
        out_type=jax.ShapeDtypeStruct((HIST, BATCH, D), jnp.float32),
        mesh=mesh,
        scratch_types=[
            pltpu.VMEM((HIST, CHUNK), jnp.int32),
            pltpu.VMEM((NBUF, CHUNK, D), jnp.float32),
            pltpu.SemaphoreType.DMA((NBUF,)),
            pltpu.SemaphoreType.DMA((NBUF,)),
        ],
    )(xt, table)
    return jnp.transpose(out, (1, 0, 2))

# --- scband reference (transcript-rebuilt; emitter-appended) ---
"""Pipeline reference for scband-embedding-layer-47047071761144 (READ-ONLY COPY).

The authoritative reference and input builder live on the scoring server;
editing this copy changes nothing except your own understanding.
"""

import jax, jax.numpy as jnp
import numpy as np

N_ITEMS = 100000
D = 128
BATCH = 4096
HIST = 50

def setup_inputs(seed: int = 0) -> dict:
    key = jax.random.key(seed)
    k_idx, k_tab = jax.random.split(key)
    X = jax.random.randint(k_idx, (BATCH, HIST), 0, N_ITEMS, dtype=jnp.int32)
    table = jax.random.normal(k_tab, (N_ITEMS, D), dtype=jnp.float32)
    return {"X": X, "table": table}

def reference(X, table):
    # nn.Embedding with padding_idx=0: row 0 acts as a zero (padding) row
    t = table.at[0].set(0.0)
    embed = jnp.take(t, X, axis=0)
    # dropout is identity in eval mode
    return embed

if __name__ == "__main__":
    import jax
    _d = setup_inputs()
    print(jax.jit(kernel)(*tuple(_d.values())))

</pallas_src>

<mosaic_0001>
#map = affine_map<(d0, d1) -> (0, 0)>
#map1 = affine_map<(d0, d1) -> (0, 0, 0)>
module attributes {stable_mosaic.version = 14 : i64} {
  func.func @_emb_body(%arg0: i32, %arg1: i32, %arg2: memref<50x4096xi32, #tpu.memory_space<hbm>>, %arg3: memref<100000x128xf32, #tpu.memory_space<hbm>>, %arg4: memref<50x4096x128xf32, #tpu.memory_space<hbm>>, %arg5: memref<50x128xi32, #tpu.memory_space<vmem>>, %arg6: memref<7x128x128xf32, #tpu.memory_space<vmem>>, %arg7: memref<7x!tpu.dma_semaphore, #tpu.memory_space<semaphore_mem>>, %arg8: memref<7x!tpu.dma_semaphore, #tpu.memory_space<semaphore_mem>>) attributes {dimension_semantics = [#tpu.dimension_semantics<core_parallel>, #tpu.dimension_semantics<subcore_parallel>], iteration_bounds = array<i64: 2, 16>, scalar_prefetch = 0 : i64, scratch_operands = 4 : i64, tpu.core_type = #tpu.core_type<sc_vector_subcore>, window_params = [{transform_indices = #map}, {transform_indices = #map}, {transform_indices = #map1}]} {
    %mul3A = arith.constant 2 : i32
    %mul3A_0 = arith.muli %arg1, %mul3A : i32
    %add3A = arith.addi %mul3A_0, %arg0 : i32
    %mul3A_1 = arith.constant 128 : i32
    %mul3A_2 = arith.muli %add3A, %mul3A_1 : i32
    "tpu.region"() ({
      %run_scoped3A = tpu.sem_alloc : memref<!tpu.dma_semaphore, #tpu.memory_space<semaphore_mem>>
      %dma_start3A_215 = arith.constant 0 : i32
      %dma_start3A_216 = tpu.memref_slice %arg2[%dma_start3A_215, %mul3A_2] : memref<50x4096xi32, #tpu.memory_space<hbm>> -> memref<50x128xi32, #tpu.memory_space<hbm>>
      %dma_start3A_217 = arith.constant 0 : i32
      %dma_start3A_218 = tpu.memref_slice %arg2[%dma_start3A_217, %mul3A_2] : memref<50x4096xi32, #tpu.memory_space<hbm>> -> memref<50x128xi32, #tpu.memory_space<hbm>>
      tpu.enqueue_dma source(%dma_start3A_218 : memref<50x128xi32, #tpu.memory_space<hbm>>) target(%arg5 : memref<50x128xi32, #tpu.memory_space<vmem>>) target_semaphore(%run_scoped3A : memref<!tpu.dma_semaphore, #tpu.memory_space<semaphore_mem>>)
      %dma_wait3A_219 = arith.constant 0 : i32
      %dma_wait3A_220 = tpu.memref_slice %arg2[%dma_wait3A_219, %mul3A_2] : memref<50x4096xi32, #tpu.memory_space<hbm>> -> memref<50x128xi32, #tpu.memory_space<hbm>>
      %dma_wait3A_221 = arith.constant 0 : i32
      %dma_wait3A_222 = tpu.memref_slice %arg2[%dma_wait3A_221, %mul3A_2] : memref<50x4096xi32, #tpu.memory_space<hbm>> -> memref<50x128xi32, #tpu.memory_space<hbm>>
      tpu.wait_dma2 semaphore(%run_scoped3A : memref<!tpu.dma_semaphore, #tpu.memory_space<semaphore_mem>>) src(%dma_wait3A_222 : memref<50x128xi32, #tpu.memory_space<hbm>>) dst(%arg5 : memref<50x128xi32, #tpu.memory_space<vmem>>)
      tpu.yield
    }) : () -> ()
    %broadcast_in_dim3A = arith.constant 0.000000e+00 : f32
    %broadcast_in_dim3A_3 = vector.broadcast %broadcast_in_dim3A : f32 to vector<16xf32>
    %dma_start3A = arith.constant 0 : i32
    %dma_start3A_4 = arith.constant 0 : i32
    %dma_start3A_5 = arith.constant 0 : i32
    %dma_start3A_6 = arith.constant 0 : i32
    %dma_start3A_7 = arith.constant 0 : i32
    %dma_start3A_8 = tpu.memref_slice %arg6[%dma_start3A_4, %dma_start3A_6, %dma_start3A_7] : memref<7x128x128xf32, #tpu.memory_space<vmem>> -> memref<1x128x128xf32, #tpu.memory_space<vmem>>
    %dma_start3A_9 = tpu.memref_squeeze %dma_start3A_8 : memref<1x128x128xf32, #tpu.memory_space<vmem>> -> memref<128x128xf32, #tpu.memory_space<vmem>>
    %dma_start3A_10 = arith.constant 0 : i32
    %dma_start3A_11 = tpu.memref_slice %arg5[%dma_start3A, %dma_start3A_10] : memref<50x128xi32, #tpu.memory_space<vmem>> -> memref<1x128xi32, #tpu.memory_space<vmem>>
    %dma_start3A_12 = tpu.memref_squeeze %dma_start3A_11 : memref<1x128xi32, #tpu.memory_space<vmem>> -> memref<128xi32, #tpu.memory_space<vmem>>
    %dma_start3A_13 = arith.constant 0 : i32
    %dma_start3A_14 = arith.constant 0 : i32
    %dma_start3A_15 = tpu.memref_slice %arg3[%dma_start3A_13, %dma_start3A_14] : memref<100000x128xf32, #tpu.memory_space<hbm>> -> memref<100000x128xf32, #tpu.memory_space<hbm>>
    %dma_start3A_16 = tpu.memref_slice %arg7[%dma_start3A_5] : memref<7x!tpu.dma_semaphore, #tpu.memory_space<semaphore_mem>> -> memref<1x!tpu.dma_semaphore, #tpu.memory_space<semaphore_mem>>
    %dma_start3A_17 = tpu.memref_squeeze %dma_start3A_16 : memref<1x!tpu.dma_semaphore, #tpu.memory_space<semaphore_mem>> -> memref<!tpu.dma_semaphore, #tpu.memory_space<semaphore_mem>>
    tpu.enqueue_indirect_dma source(%dma_start3A_15 : memref<100000x128xf32, #tpu.memory_space<hbm>>) target(%dma_start3A_9 : memref<128x128xf32, #tpu.memory_space<vmem>>) offsets(%dma_start3A_12 : memref<128xi32, #tpu.memory_space<vmem>>) semaphore(%dma_start3A_17 : memref<!tpu.dma_semaphore, #tpu.memory_space<semaphore_mem>>)
    %dma_start3A_18 = arith.constant 1 : i32
    %dma_start3A_19 = arith.constant 1 : i32
    %dma_start3A_20 = arith.constant 1 : i32
    %dma_start3A_21 = arith.constant 0 : i32
    %dma_start3A_22 = arith.constant 0 : i32
    %dma_start3A_23 = tpu.memref_slice %arg6[%dma_start3A_19, %dma_start3A_21, %dma_start3A_22] : memref<7x128x128xf32, #tpu.memory_space<vmem>> -> memref<1x128x128xf32, #tpu.memory_space<vmem>>
    %dma_start3A_24 = tpu.memref_squeeze %dma_start3A_23 : memref<1x128x128xf32, #tpu.memory_space<vmem>> -> memref<128x128xf32, #tpu.memory_space<vmem>>
    %dma_start3A_25 = arith.constant 0 : i32
    %dma_start3A_26 = tpu.memref_slice %arg5[%dma_start3A_18, %dma_start3A_25] : memref<50x128xi32, #tpu.memory_space<vmem>> -> memref<1x128xi32, #tpu.memory_space<vmem>>
    %dma_start3A_27 = tpu.memref_squeeze %dma_start3A_26 : memref<1x128xi32, #tpu.memory_space<vmem>> -> memref<128xi32, #tpu.memory_space<vmem>>
    %dma_start3A_28 = arith.constant 0 : i32
    %dma_start3A_29 = arith.constant 0 : i32
    %dma_start3A_30 = tpu.memref_slice %arg3[%dma_start3A_28, %dma_start3A_29] : memref<100000x128xf32, #tpu.memory_space<hbm>> -> memref<100000x128xf32, #tpu.memory_space<hbm>>
    %dma_start3A_31 = tpu.memref_slice %arg7[%dma_start3A_20] : memref<7x!tpu.dma_semaphore, #tpu.memory_space<semaphore_mem>> -> memref<1x!tpu.dma_semaphore, #tpu.memory_space<semaphore_mem>>
    %dma_start3A_32 = tpu.memref_squeeze %dma_start3A_31 : memref<1x!tpu.dma_semaphore, #tpu.memory_space<semaphore_mem>> -> memref<!tpu.dma_semaphore, #tpu.memory_space<semaphore_mem>>
    tpu.enqueue_indirect_dma source(%dma_start3A_30 : memref<100000x128xf32, #tpu.memory_space<hbm>>) target(%dma_start3A_24 : memref<128x128xf32, #tpu.memory_space<vmem>>) offsets(%dma_start3A_27 : memref<128xi32, #tpu.memory_space<vmem>>) semaphore(%dma_start3A_32 : memref<!tpu.dma_semaphore, #tpu.memory_space<semaphore_mem>>)
    %dma_start3A_33 = arith.constant 2 : i32
    %dma_start3A_34 = arith.constant 2 : i32
    %dma_start3A_35 = arith.constant 2 : i32
    %dma_start3A_36 = arith.constant 0 : i32
    %dma_start3A_37 = arith.constant 0 : i32
    %dma_start3A_38 = tpu.memref_slice %arg6[%dma_start3A_34, %dma_start3A_36, %dma_start3A_37] : memref<7x128x128xf32, #tpu.memory_space<vmem>> -> memref<1x128x128xf32, #tpu.memory_space<vmem>>
    %dma_start3A_39 = tpu.memref_squeeze %dma_start3A_38 : memref<1x128x128xf32, #tpu.memory_space<vmem>> -> memref<128x128xf32, #tpu.memory_space<vmem>>
    %dma_start3A_40 = arith.constant 0 : i32
    %dma_start3A_41 = tpu.memref_slice %arg5[%dma_start3A_33, %dma_start3A_40] : memref<50x128xi32, #tpu.memory_space<vmem>> -> memref<1x128xi32, #tpu.memory_space<vmem>>
    %dma_start3A_42 = tpu.memref_squeeze %dma_start3A_41 : memref<1x128xi32, #tpu.memory_space<vmem>> -> memref<128xi32, #tpu.memory_space<vmem>>
    %dma_start3A_43 = arith.constant 0 : i32
    %dma_start3A_44 = arith.constant 0 : i32
    %dma_start3A_45 = tpu.memref_slice %arg3[%dma_start3A_43, %dma_start3A_44] : memref<100000x128xf32, #tpu.memory_space<hbm>> -> memref<100000x128xf32, #tpu.memory_space<hbm>>
    %dma_start3A_46 = tpu.memref_slice %arg7[%dma_start3A_35] : memref<7x!tpu.dma_semaphore, #tpu.memory_space<semaphore_mem>> -> memref<1x!tpu.dma_semaphore, #tpu.memory_space<semaphore_mem>>
    %dma_start3A_47 = tpu.memref_squeeze %dma_start3A_46 : memref<1x!tpu.dma_semaphore, #tpu.memory_space<semaphore_mem>> -> memref<!tpu.dma_semaphore, #tpu.memory_space<semaphore_mem>>
    tpu.enqueue_indirect_dma source(%dma_start3A_45 : memref<100000x128xf32, #tpu.memory_space<hbm>>) target(%dma_start3A_39 : memref<128x128xf32, #tpu.memory_space<vmem>>) offsets(%dma_start3A_42 : memref<128xi32, #tpu.memory_space<vmem>>) semaphore(%dma_start3A_47 : memref<!tpu.dma_semaphore, #tpu.memory_space<semaphore_mem>>)
    %dma_start3A_48 = arith.constant 3 : i32
    %dma_start3A_49 = arith.constant 3 : i32
    %dma_start3A_50 = arith.constant 3 : i32
    %dma_start3A_51 = arith.constant 0 : i32
    %dma_start3A_52 = arith.constant 0 : i32
    %dma_start3A_53 = tpu.memref_slice %arg6[%dma_start3A_49, %dma_start3A_51, %dma_start3A_52] : memref<7x128x128xf32, #tpu.memory_space<vmem>> -> memref<1x128x128xf32, #tpu.memory_space<vmem>>
    %dma_start3A_54 = tpu.memref_squeeze %dma_start3A_53 : memref<1x128x128xf32, #tpu.memory_space<vmem>> -> memref<128x128xf32, #tpu.memory_space<vmem>>
    %dma_start3A_55 = arith.constant 0 : i32
    %dma_start3A_56 = tpu.memref_slice %arg5[%dma_start3A_48, %dma_start3A_55] : memref<50x128xi32, #tpu.memory_space<vmem>> -> memref<1x128xi32, #tpu.memory_space<vmem>>
    %dma_start3A_57 = tpu.memref_squeeze %dma_start3A_56 : memref<1x128xi32, #tpu.memory_space<vmem>> -> memref<128xi32, #tpu.memory_space<vmem>>
    %dma_start3A_58 = arith.constant 0 : i32
    %dma_start3A_59 = arith.constant 0 : i32
    %dma_start3A_60 = tpu.memref_slice %arg3[%dma_start3A_58, %dma_start3A_59] : memref<100000x128xf32, #tpu.memory_space<hbm>> -> memref<100000x128xf32, #tpu.memory_space<hbm>>
    %dma_start3A_61 = tpu.memref_slice %arg7[%dma_start3A_50] : memref<7x!tpu.dma_semaphore, #tpu.memory_space<semaphore_mem>> -> memref<1x!tpu.dma_semaphore, #tpu.memory_space<semaphore_mem>>
    %dma_start3A_62 = tpu.memref_squeeze %dma_start3A_61 : memref<1x!tpu.dma_semaphore, #tpu.memory_space<semaphore_mem>> -> memref<!tpu.dma_semaphore, #tpu.memory_space<semaphore_mem>>
    tpu.enqueue_indirect_dma source(%dma_start3A_60 : memref<100000x128xf32, #tpu.memory_space<hbm>>) target(%dma_start3A_54 : memref<128x128xf32, #tpu.memory_space<vmem>>) offsets(%dma_start3A_57 : memref<128xi32, #tpu.memory_space<vmem>>) semaphore(%dma_start3A_62 : memref<!tpu.dma_semaphore, #tpu.memory_space<semaphore_mem>>)
    %dma_start3A_63 = arith.constant 4 : i32
    %dma_start3A_64 = arith.constant 4 : i32
    %dma_start3A_65 = arith.constant 4 : i32
    %dma_start3A_66 = arith.constant 0 : i32
    %dma_start3A_67 = arith.constant 0 : i32
    %dma_start3A_68 = tpu.memref_slice %arg6[%dma_start3A_64, %dma_start3A_66, %dma_start3A_67] : memref<7x128x128xf32, #tpu.memory_space<vmem>> -> memref<1x128x128xf32, #tpu.memory_space<vmem>>
    %dma_start3A_69 = tpu.memref_squeeze %dma_start3A_68 : memref<1x128x128xf32, #tpu.memory_space<vmem>> -> memref<128x128xf32, #tpu.memory_space<vmem>>
    %dma_start3A_70 = arith.constant 0 : i32
    %dma_start3A_71 = tpu.memref_slice %arg5[%dma_start3A_63, %dma_start3A_70] : memref<50x128xi32, #tpu.memory_space<vmem>> -> memref<1x128xi32, #tpu.memory_space<vmem>>
    %dma_start3A_72 = tpu.memref_squeeze %dma_start3A_71 : memref<1x128xi32, #tpu.memory_space<vmem>> -> memref<128xi32, #tpu.memory_space<vmem>>
    %dma_start3A_73 = arith.constant 0 : i32
    %dma_start3A_74 = arith.constant 0 : i32
    %dma_start3A_75 = tpu.memref_slice %arg3[%dma_start3A_73, %dma_start3A_74] : memref<100000x128xf32, #tpu.memory_space<hbm>> -> memref<100000x128xf32, #tpu.memory_space<hbm>>
    %dma_start3A_76 = tpu.memref_slice %arg7[%dma_start3A_65] : memref<7x!tpu.dma_semaphore, #tpu.memory_space<semaphore_mem>> -> memref<1x!tpu.dma_semaphore, #tpu.memory_space<semaphore_mem>>
    %dma_start3A_77 = tpu.memref_squeeze %dma_start3A_76 : memref<1x!tpu.dma_semaphore, #tpu.memory_space<semaphore_mem>> -> memref<!tpu.dma_semaphore, #tpu.memory_space<semaphore_mem>>
    tpu.enqueue_indirect_dma source(%dma_start3A_75 : memref<100000x128xf32, #tpu.memory_space<hbm>>) target(%dma_start3A_69 : memref<128x128xf32, #tpu.memory_space<vmem>>) offsets(%dma_start3A_72 : memref<128xi32, #tpu.memory_space<vmem>>) semaphore(%dma_start3A_77 : memref<!tpu.dma_semaphore, #tpu.memory_space<semaphore_mem>>)
    %scan3A = arith.constant 0 : i32
    %scan3A_78 = arith.constant 0 : i32
    %scan3A_79 = arith.constant 50 : i32
    %scan3A_80 = arith.addi %scan3A_78, %scan3A_79 : i32
    %scan3A_81 = arith.constant 1 : i32
    scf.for %scan3A_215 = %scan3A_78 to %scan3A_80 step %scan3A_81  : i32 {
      %rem3A = arith.constant 7 : i32
      %rem3A_216 = arith.remsi %scan3A_215, %rem3A : i32
      %add3A_217 = arith.constant 7 : i32
      %add3A_218 = arith.addi %scan3A_215, %add3A_217 : i32
      %sub3A = arith.constant 2 : i32
      %sub3A_219 = arith.subi %add3A_218, %sub3A : i32
      %rem3A_220 = arith.constant 7 : i32
      %rem3A_221 = arith.remsi %sub3A_219, %rem3A_220 : i32
      %lt3A = arith.constant 50 : i32
      %lt3A_222 = arith.cmpi slt, %sub3A_219, %lt3A : i32
      %convert_element_type3A = arith.extui %lt3A_222 : i1 to i32
      %cond3A = arith.constant 0 : i32
      %cond3A_223 = arith.cmpi ne, %convert_element_type3A, %cond3A : i32
      scf.if %cond3A_223 {
        %ge3A = arith.constant 2 : i32
        %ge3A_338 = arith.cmpi sge, %scan3A_215, %ge3A : i32
        %convert_element_type3A_339 = arith.extui %ge3A_338 : i1 to i32
        %cond3A_340 = arith.constant 0 : i32
        %cond3A_341 = arith.cmpi ne, %convert_element_type3A_339, %cond3A_340 : i32
        scf.if %cond3A_341 {
          %sub3A_354 = arith.constant 7 : i32
          %sub3A_355 = arith.subi %sub3A_219, %sub3A_354 : i32
          %dma_wait3A_356 = arith.constant 0 : i32
          %dma_wait3A_357 = arith.constant 0 : i32
          %dma_wait3A_358 = tpu.memref_slice %arg6[%rem3A_221, %dma_wait3A_356, %dma_wait3A_357] : memref<7x128x128xf32, #tpu.memory_space<vmem>> -> memref<1x128x128xf32, #tpu.memory_space<vmem>>
          %dma_wait3A_359 = tpu.memref_squeeze %dma_wait3A_358 : memref<1x128x128xf32, #tpu.memory_space<vmem>> -> memref<128x128xf32, #tpu.memory_space<vmem>>
          %dma_wait3A_360 = arith.constant 0 : i32
          %dma_wait3A_361 = tpu.memref_slice %arg4[%sub3A_355, %mul3A_2, %dma_wait3A_360] : memref<50x4096x128xf32, #tpu.memory_space<hbm>> -> memref<1x128x128xf32, #tpu.memory_space<hbm>>
          %dma_wait3A_362 = tpu.memref_squeeze %dma_wait3A_361 : memref<1x128x128xf32, #tpu.memory_space<hbm>> -> memref<128x128xf32, #tpu.memory_space<hbm>>
          %dma_wait3A_363 = tpu.memref_slice %arg8[%rem3A_221] : memref<7x!tpu.dma_semaphore, #tpu.memory_space<semaphore_mem>> -> memref<1x!tpu.dma_semaphore, #tpu.memory_space<semaphore_mem>>
          %dma_wait3A_364 = tpu.memref_squeeze %dma_wait3A_363 : memref<1x!tpu.dma_semaphore, #tpu.memory_space<semaphore_mem>> -> memref<!tpu.dma_semaphore, #tpu.memory_space<semaphore_mem>>
          %dma_wait3A_365 = arith.constant 0 : i32
          %dma_wait3A_366 = tpu.memref_slice %arg4[%sub3A_355, %mul3A_2, %dma_wait3A_365] : memref<50x4096x128xf32, #tpu.memory_space<hbm>> -> memref<1x128x128xf32, #tpu.memory_space<hbm>>
          %dma_wait3A_367 = tpu.memref_squeeze %dma_wait3A_366 : memref<1x128x128xf32, #tpu.memory_space<hbm>> -> memref<128x128xf32, #tpu.memory_space<hbm>>
          %dma_wait3A_368 = arith.constant 0 : i32
          %dma_wait3A_369 = arith.constant 0 : i32
          %dma_wait3A_370 = tpu.memref_slice %arg6[%rem3A_221, %dma_wait3A_368, %dma_wait3A_369] : memref<7x128x128xf32, #tpu.memory_space<vmem>> -> memref<1x128x128xf32, #tpu.memory_space<vmem>>
          %dma_wait3A_371 = tpu.memref_squeeze %dma_wait3A_370 : memref<1x128x128xf32, #tpu.memory_space<vmem>> -> memref<128x128xf32, #tpu.memory_space<vmem>>
          tpu.wait_dma2 semaphore(%dma_wait3A_364 : memref<!tpu.dma_semaphore, #tpu.memory_space<semaphore_mem>>) src(%dma_wait3A_371 : memref<128x128xf32, #tpu.memory_space<vmem>>) dst(%dma_wait3A_367 : memref<128x128xf32, #tpu.memory_space<hbm>>)
        } else {
        }
        %dma_start3A_342 = arith.constant 0 : i32
        %dma_start3A_343 = arith.constant 0 : i32
        %dma_start3A_344 = tpu.memref_slice %arg6[%rem3A_221, %dma_start3A_342, %dma_start3A_343] : memref<7x128x128xf32, #tpu.memory_space<vmem>> -> memref<1x128x128xf32, #tpu.memory_space<vmem>>
        %dma_start3A_345 = tpu.memref_squeeze %dma_start3A_344 : memref<1x128x128xf32, #tpu.memory_space<vmem>> -> memref<128x128xf32, #tpu.memory_space<vmem>>
        %dma_start3A_346 = arith.constant 0 : i32
        %dma_start3A_347 = tpu.memref_slice %arg5[%sub3A_219, %dma_start3A_346] : memref<50x128xi32, #tpu.memory_space<vmem>> -> memref<1x128xi32, #tpu.memory_space<vmem>>
        %dma_start3A_348 = tpu.memref_squeeze %dma_start3A_347 : memref<1x128xi32, #tpu.memory_space<vmem>> -> memref<128xi32, #tpu.memory_space<vmem>>
        %dma_start3A_349 = arith.constant 0 : i32
        %dma_start3A_350 = arith.constant 0 : i32
        %dma_start3A_351 = tpu.memref_slice %arg3[%dma_start3A_349, %dma_start3A_350] : memref<100000x128xf32, #tpu.memory_space<hbm>> -> memref<100000x128xf32, #tpu.memory_space<hbm>>
        %dma_start3A_352 = tpu.memref_slice %arg7[%rem3A_221] : memref<7x!tpu.dma_semaphore, #tpu.memory_space<semaphore_mem>> -> memref<1x!tpu.dma_semaphore, #tpu.memory_space<semaphore_mem>>
        %dma_start3A_353 = tpu.memref_squeeze %dma_start3A_352 : memref<1x!tpu.dma_semaphore, #tpu.memory_space<semaphore_mem>> -> memref<!tpu.dma_semaphore, #tpu.memory_space<semaphore_mem>>
        tpu.enqueue_indirect_dma source(%dma_start3A_351 : memref<100000x128xf32, #tpu.memory_space<hbm>>) target(%dma_start3A_345 : memref<128x128xf32, #tpu.memory_space<vmem>>) offsets(%dma_start3A_348 : memref<128xi32, #tpu.memory_space<vmem>>) semaphore(%dma_start3A_353 : memref<!tpu.dma_semaphore, #tpu.memory_space<semaphore_mem>>)
      } else {
      }
      %dma_wait3A_224 = arith.constant 0 : i32
      %dma_wait3A_225 = arith.constant 0 : i32
      %dma_wait3A_226 = tpu.memref_slice %arg6[%rem3A_216, %dma_wait3A_224, %dma_wait3A_225] : memref<7x128x128xf32, #tpu.memory_space<vmem>> -> memref<1x128x128xf32, #tpu.memory_space<vmem>>
      %dma_wait3A_227 = tpu.memref_squeeze %dma_wait3A_226 : memref<1x128x128xf32, #tpu.memory_space<vmem>> -> memref<128x128xf32, #tpu.memory_space<vmem>>
      %dma_wait3A_228 = arith.constant 0 : i32
      %dma_wait3A_229 = tpu.memref_slice %arg5[%scan3A_215, %dma_wait3A_228] : memref<50x128xi32, #tpu.memory_space<vmem>> -> memref<1x128xi32, #tpu.memory_space<vmem>>
      %dma_wait3A_230 = tpu.memref_squeeze %dma_wait3A_229 : memref<1x128xi32, #tpu.memory_space<vmem>> -> memref<128xi32, #tpu.memory_space<vmem>>
      %dma_wait3A_231 = arith.constant 0 : i32
      %dma_wait3A_232 = arith.constant 0 : i32
      %dma_wait3A_233 = tpu.memref_slice %arg3[%dma_wait3A_231, %dma_wait3A_232] : memref<100000x128xf32, #tpu.memory_space<hbm>> -> memref<100000x128xf32, #tpu.memory_space<hbm>>
      %dma_wait3A_234 = tpu.memref_slice %arg7[%rem3A_216] : memref<7x!tpu.dma_semaphore, #tpu.memory_space<semaphore_mem>> -> memref<1x!tpu.dma_semaphore, #tpu.memory_space<semaphore_mem>>
      %dma_wait3A_235 = tpu.memref_squeeze %dma_wait3A_234 : memref<1x!tpu.dma_semaphore, #tpu.memory_space<semaphore_mem>> -> memref<!tpu.dma_semaphore, #tpu.memory_space<semaphore_mem>>
      tpu.wait_indirect_dma semaphore(%dma_wait3A_235 : memref<!tpu.dma_semaphore, #tpu.memory_space<semaphore_mem>>) src(%dma_wait3A_233 : memref<100000x128xf32, #tpu.memory_space<hbm>>) dst(%dma_wait3A_227 : memref<128x128xf32, #tpu.memory_space<vmem>>)
      %get3A = arith.index_cast %scan3A_215 : i32 to index
      %get3A_236 = arith.constant 0 : index
      %get3A_237 = tpu.vector_load %arg5[%get3A, %get3A_236] {strides = array<i32>} : memref<50x128xi32, #tpu.memory_space<vmem>>, vector<1x16xi32>,
      %get3A_238 = vector.shape_cast %get3A_237 : vector<1x16xi32> to vector<16xi32>
      %get3A_239 = arith.index_cast %scan3A_215 : i32 to index
      %get3A_240 = arith.constant 16 : index
      %get3A_241 = tpu.vector_load %arg5[%get3A_239, %get3A_240] {strides = array<i32>} : memref<50x128xi32, #tpu.memory_space<vmem>>, vector<1x16xi32>,
      %get3A_242 = vector.shape_cast %get3A_241 : vector<1x16xi32> to vector<16xi32>
      %min3A = arith.minsi %get3A_238, %get3A_242 : vector<16xi32>
      %get3A_243 = arith.index_cast %scan3A_215 : i32 to index
      %get3A_244 = arith.constant 32 : index
      %get3A_245 = tpu.vector_load %arg5[%get3A_243, %get3A_244] {strides = array<i32>} : memref<50x128xi32, #tpu.memory_space<vmem>>, vector<1x16xi32>,
      %get3A_246 = vector.shape_cast %get3A_245 : vector<1x16xi32> to vector<16xi32>
      %min3A_247 = arith.minsi %min3A, %get3A_246 : vector<16xi32>
      %get3A_248 = arith.index_cast %scan3A_215 : i32 to index
      %get3A_249 = arith.constant 48 : index
      %get3A_250 = tpu.vector_load %arg5[%get3A_248, %get3A_249] {strides = array<i32>} : memref<50x128xi32, #tpu.memory_space<vmem>>, vector<1x16xi32>,
      %get3A_251 = vector.shape_cast %get3A_250 : vector<1x16xi32> to vector<16xi32>
      %min3A_252 = arith.minsi %min3A_247, %get3A_251 : vector<16xi32>
      %get3A_253 = arith.index_cast %scan3A_215 : i32 to index
      %get3A_254 = arith.constant 64 : index
      %get3A_255 = tpu.vector_load %arg5[%get3A_253, %get3A_254] {strides = array<i32>} : memref<50x128xi32, #tpu.memory_space<vmem>>, vector<1x16xi32>,
      %get3A_256 = vector.shape_cast %get3A_255 : vector<1x16xi32> to vector<16xi32>
      %min3A_257 = arith.minsi %min3A_252, %get3A_256 : vector<16xi32>
      %get3A_258 = arith.index_cast %scan3A_215 : i32 to index
      %get3A_259 = arith.constant 80 : index
      %get3A_260 = tpu.vector_load %arg5[%get3A_258, %get3A_259] {strides = array<i32>} : memref<50x128xi32, #tpu.memory_space<vmem>>, vector<1x16xi32>,
      %get3A_261 = vector.shape_cast %get3A_260 : vector<1x16xi32> to vector<16xi32>
      %min3A_262 = arith.minsi %min3A_257, %get3A_261 : vector<16xi32>
      %get3A_263 = arith.index_cast %scan3A_215 : i32 to index
      %get3A_264 = arith.constant 96 : index
      %get3A_265 = tpu.vector_load %arg5[%get3A_263, %get3A_264] {strides = array<i32>} : memref<50x128xi32, #tpu.memory_space<vmem>>, vector<1x16xi32>,
      %get3A_266 = vector.shape_cast %get3A_265 : vector<1x16xi32> to vector<16xi32>
      %min3A_267 = arith.minsi %min3A_262, %get3A_266 : vector<16xi32>
      %get3A_268 = arith.index_cast %scan3A_215 : i32 to index
      %get3A_269 = arith.constant 112 : index
      %get3A_270 = tpu.vector_load %arg5[%get3A_268, %get3A_269] {strides = array<i32>} : memref<50x128xi32, #tpu.memory_space<vmem>>, vector<1x16xi32>,
      %get3A_271 = vector.shape_cast %get3A_270 : vector<1x16xi32> to vector<16xi32>
      %min3A_272 = arith.minsi %min3A_267, %get3A_271 : vector<16xi32>
      %slice3A = vector.extract_strided_slice %min3A_272 {offsets = [0], sizes = [1], strides = [1]} : vector<16xi32> to vector<1xi32>
      %squeeze3A = vector.extract %slice3A[0] : i32 from vector<1xi32>
      %slice3A_273 = vector.extract_strided_slice %min3A_272 {offsets = [1], sizes = [1], strides = [1]} : vector<16xi32> to vector<1xi32>
      %squeeze3A_274 = vector.extract %slice3A_273[0] : i32 from vector<1xi32>
      %min3A_275 = arith.minsi %squeeze3A, %squeeze3A_274 : i32
      %slice3A_276 = vector.extract_strided_slice %min3A_272 {offsets = [2], sizes = [1], strides = [1]} : vector<16xi32> to vector<1xi32>
      %squeeze3A_277 = vector.extract %slice3A_276[0] : i32 from vector<1xi32>
      %min3A_278 = arith.minsi %min3A_275, %squeeze3A_277 : i32
      %slice3A_279 = vector.extract_strided_slice %min3A_272 {offsets = [3], sizes = [1], strides = [1]} : vector<16xi32> to vector<1xi32>
      %squeeze3A_280 = vector.extract %slice3A_279[0] : i32 from vector<1xi32>
      %min3A_281 = arith.minsi %min3A_278, %squeeze3A_280 : i32
      %slice3A_282 = vector.extract_strided_slice %min3A_272 {offsets = [4], sizes = [1], strides = [1]} : vector<16xi32> to vector<1xi32>
      %squeeze3A_283 = vector.extract %slice3A_282[0] : i32 from vector<1xi32>
      %min3A_284 = arith.minsi %min3A_281, %squeeze3A_283 : i32
      %slice3A_285 = vector.extract_strided_slice %min3A_272 {offsets = [5], sizes = [1], strides = [1]} : vector<16xi32> to vector<1xi32>
      %squeeze3A_286 = vector.extract %slice3A_285[0] : i32 from vector<1xi32>
      %min3A_287 = arith.minsi %min3A_284, %squeeze3A_286 : i32
      %slice3A_288 = vector.extract_strided_slice %min3A_272 {offsets = [6], sizes = [1], strides = [1]} : vector<16xi32> to vector<1xi32>
      %squeeze3A_289 = vector.extract %slice3A_288[0] : i32 from vector<1xi32>
      %min3A_290 = arith.minsi %min3A_287, %squeeze3A_289 : i32
      %slice3A_291 = vector.extract_strided_slice %min3A_272 {offsets = [7], sizes = [1], strides = [1]} : vector<16xi32> to vector<1xi32>
      %squeeze3A_292 = vector.extract %slice3A_291[0] : i32 from vector<1xi32>
      %min3A_293 = arith.minsi %min3A_290, %squeeze3A_292 : i32
      %slice3A_294 = vector.extract_strided_slice %min3A_272 {offsets = [8], sizes = [1], strides = [1]} : vector<16xi32> to vector<1xi32>
      %squeeze3A_295 = vector.extract %slice3A_294[0] : i32 from vector<1xi32>
      %min3A_296 = arith.minsi %min3A_293, %squeeze3A_295 : i32
      %slice3A_297 = vector.extract_strided_slice %min3A_272 {offsets = [9], sizes = [1], strides = [1]} : vector<16xi32> to vector<1xi32>
      %squeeze3A_298 = vector.extract %slice3A_297[0] : i32 from vector<1xi32>
      %min3A_299 = arith.minsi %min3A_296, %squeeze3A_298 : i32
      %slice3A_300 = vector.extract_strided_slice %min3A_272 {offsets = [10], sizes = [1], strides = [1]} : vector<16xi32> to vector<1xi32>
      %squeeze3A_301 = vector.extract %slice3A_300[0] : i32 from vector<1xi32>
      %min3A_302 = arith.minsi %min3A_299, %squeeze3A_301 : i32
      %slice3A_303 = vector.extract_strided_slice %min3A_272 {offsets = [11], sizes = [1], strides = [1]} : vector<16xi32> to vector<1xi32>
      %squeeze3A_304 = vector.extract %slice3A_303[0] : i32 from vector<1xi32>
      %min3A_305 = arith.minsi %min3A_302, %squeeze3A_304 : i32
      %slice3A_306 = vector.extract_strided_slice %min3A_272 {offsets = [12], sizes = [1], strides = [1]} : vector<16xi32> to vector<1xi32>
      %squeeze3A_307 = vector.extract %slice3A_306[0] : i32 from vector<1xi32>
      %min3A_308 = arith.minsi %min3A_305, %squeeze3A_307 : i32
      %slice3A_309 = vector.extract_strided_slice %min3A_272 {offsets = [13], sizes = [1], strides = [1]} : vector<16xi32> to vector<1xi32>
      %squeeze3A_310 = vector.extract %slice3A_309[0] : i32 from vector<1xi32>
      %min3A_311 = arith.minsi %min3A_308, %squeeze3A_310 : i32
      %slice3A_312 = vector.extract_strided_slice %min3A_272 {offsets = [14], sizes = [1], strides = [1]} : vector<16xi32> to vector<1xi32>
      %squeeze3A_313 = vector.extract %slice3A_312[0] : i32 from vector<1xi32>
      %min3A_314 = arith.minsi %min3A_311, %squeeze3A_313 : i32
      %slice3A_315 = vector.extract_strided_slice %min3A_272 {offsets = [15], sizes = [1], strides = [1]} : vector<16xi32> to vector<1xi32>
      %squeeze3A_316 = vector.extract %slice3A_315[0] : i32 from vector<1xi32>
      %min3A_317 = arith.minsi %min3A_314, %squeeze3A_316 : i32
      %eq3A = arith.constant 0 : i32
      %eq3A_318 = arith.cmpi eq, %min3A_317, %eq3A : i32
      %convert_element_type3A_319 = arith.extui %eq3A_318 : i1 to i32
      %cond3A_320 = arith.constant 0 : i32
      %cond3A_321 = arith.cmpi ne, %convert_element_type3A_319, %cond3A_320 : i32
      scf.if %cond3A_321 {
        %scan3A_338 = arith.constant 0 : i32
        %scan3A_339 = arith.constant 0 : i32
        %scan3A_340 = arith.constant 8 : i32
        %scan3A_341 = arith.addi %scan3A_339, %scan3A_340 : i32
        %scan3A_342 = arith.constant 1 : i32
        scf.for %scan3A_344 = %scan3A_339 to %scan3A_341 step %scan3A_342  : i32 {
          %mul3A_345 = arith.constant 16 : i32
          %mul3A_346 = arith.muli %scan3A_344, %mul3A_345 : i32
          %get3A_347 = arith.index_cast %scan3A_215 : i32 to index
          %get3A_348 = arith.index_cast %mul3A_346 : i32 to index
          %get3A_349 = tpu.vector_load %arg5[%get3A_347, %get3A_348] {strides = array<i32>} : memref<50x128xi32, #tpu.memory_space<vmem>>, vector<1x16xi32>,
          %get3A_350 = vector.shape_cast %get3A_349 : vector<1x16xi32> to vector<16xi32>
          %slice3A_351 = vector.extract_strided_slice %get3A_350 {offsets = [0], sizes = [1], strides = [1]} : vector<16xi32> to vector<1xi32>
          %squeeze3A_352 = vector.extract %slice3A_351[0] : i32 from vector<1xi32>
          %eq3A_353 = arith.constant 0 : i32
          %eq3A_354 = arith.cmpi eq, %squeeze3A_352, %eq3A_353 : i32
          %convert_element_type3A_355 = arith.extui %eq3A_354 : i1 to i32
          %cond3A_356 = arith.constant 0 : i32
          %cond3A_357 = arith.cmpi ne, %convert_element_type3A_355, %cond3A_356 : i32
          scf.if %cond3A_357 {
            %mul3A_463 = arith.constant 16 : i32
            %mul3A_464 = arith.muli %scan3A_344, %mul3A_463 : i32
            %add3A_465 = arith.constant 0 : i32
            %add3A_466 = arith.addi %mul3A_464, %add3A_465 : i32
            %swap3A = arith.constant 0 : i32
            %swap3A_467 = arith.constant 0 : i32
            %swap3A_468 = tpu.memref_slice %arg6[%rem3A_216, %swap3A, %swap3A_467] : memref<7x128x128xf32, #tpu.memory_space<vmem>> -> memref<1x128x128xf32, #tpu.memory_space<vmem>>
            %swap3A_469 = tpu.memref_squeeze %swap3A_468 : memref<1x128x128xf32, #tpu.memory_space<vmem>> -> memref<128x128xf32, #tpu.memory_space<vmem>>
            %swap3A_470 = arith.index_cast %add3A_466 : i32 to index
            %swap3A_471 = arith.constant 0 : index
            %swap3A_472 = tpu.vector_load %swap3A_469[%swap3A_470, %swap3A_471] {strides = array<i32>} : memref<128x128xf32, #tpu.memory_space<vmem>>, vector<1x16xf32>,
            %swap3A_473 = vector.shape_cast %swap3A_472 : vector<1x16xf32> to vector<16xf32>
            %swap3A_474 = vector.shape_cast %broadcast_in_dim3A_3 : vector<16xf32> to vector<1x16xf32>
            tpu.vector_store %swap3A_469[%swap3A_470, %swap3A_471], %swap3A_474 {strides = array<i32>} : memref<128x128xf32, #tpu.memory_space<vmem>>, vector<1x16xf32>,
            %mul3A_475 = arith.constant 16 : i32
            %mul3A_476 = arith.muli %scan3A_344, %mul3A_475 : i32
            %add3A_477 = arith.constant 0 : i32
            %add3A_478 = arith.addi %mul3A_476, %add3A_477 : i32
            %swap3A_479 = arith.constant 0 : i32
            %swap3A_480 = arith.constant 0 : i32
            %swap3A_481 = tpu.memref_slice %arg6[%rem3A_216, %swap3A_479, %swap3A_480] : memref<7x128x128xf32, #tpu.memory_space<vmem>> -> memref<1x128x128xf32, #tpu.memory_space<vmem>>
            %swap3A_482 = tpu.memref_squeeze %swap3A_481 : memref<1x128x128xf32, #tpu.memory_space<vmem>> -> memref<128x128xf32, #tpu.memory_space<vmem>>
            %swap3A_483 = arith.index_cast %add3A_478 : i32 to index
            %swap3A_484 = arith.constant 16 : index
            %swap3A_485 = tpu.vector_load %swap3A_482[%swap3A_483, %swap3A_484] {strides = array<i32>} : memref<128x128xf32, #tpu.memory_space<vmem>>, vector<1x16xf32>,
            %swap3A_486 = vector.shape_cast %swap3A_485 : vector<1x16xf32> to vector<16xf32>
            %swap3A_487 = vector.shape_cast %broadcast_in_dim3A_3 : vector<16xf32> to vector<1x16xf32>
            tpu.vector_store %swap3A_482[%swap3A_483, %swap3A_484], %swap3A_487 {strides = array<i32>} : memref<128x128xf32, #tpu.memory_space<vmem>>, vector<1x16xf32>,
            %mul3A_488 = arith.constant 16 : i32
            %mul3A_489 = arith.muli %scan3A_344, %mul3A_488 : i32
            %add3A_490 = arith.constant 0 : i32
            %add3A_491 = arith.addi %mul3A_489, %add3A_490 : i32
            %swap3A_492 = arith.constant 0 : i32
            %swap3A_493 = arith.constant 0 : i32
            %swap3A_494 = tpu.memref_slice %arg6[%rem3A_216, %swap3A_492, %swap3A_493] : memref<7x128x128xf32, #tpu.memory_space<vmem>> -> memref<1x128x128xf32, #tpu.memory_space<vmem>>
            %swap3A_495 = tpu.memref_squeeze %swap3A_494 : memref<1x128x128xf32, #tpu.memory_space<vmem>> -> memref<128x128xf32, #tpu.memory_space<vmem>>
            %swap3A_496 = arith.index_cast %add3A_491 : i32 to index
            %swap3A_497 = arith.constant 32 : index
            %swap3A_498 = tpu.vector_load %swap3A_495[%swap3A_496, %swap3A_497] {strides = array<i32>} : memref<128x128xf32, #tpu.memory_space<vmem>>, vector<1x16xf32>,
            %swap3A_499 = vector.shape_cast %swap3A_498 : vector<1x16xf32> to vector<16xf32>
            %swap3A_500 = vector.shape_cast %broadcast_in_dim3A_3 : vector<16xf32> to vector<1x16xf32>
            tpu.vector_store %swap3A_495[%swap3A_496, %swap3A_497], %swap3A_500 {strides = array<i32>} : memref<128x128xf32, #tpu.memory_space<vmem>>, vector<1x16xf32>,
            %mul3A_501 = arith.constant 16 : i32
            %mul3A_502 = arith.muli %scan3A_344, %mul3A_501 : i32
            %add3A_503 = arith.constant 0 : i32
            %add3A_504 = arith.addi %mul3A_502, %add3A_503 : i32
            %swap3A_505 = arith.constant 0 : i32
            %swap3A_506 = arith.constant 0 : i32
            %swap3A_507 = tpu.memref_slice %arg6[%rem3A_216, %swap3A_505, %swap3A_506] : memref<7x128x128xf32, #tpu.memory_space<vmem>> -> memref<1x128x128xf32, #tpu.memory_space<vmem>>
            %swap3A_508 = tpu.memref_squeeze %swap3A_507 : memref<1x128x128xf32, #tpu.memory_space<vmem>> -> memref<128x128xf32, #tpu.memory_space<vmem>>
            %swap3A_509 = arith.index_cast %add3A_504 : i32 to index
            %swap3A_510 = arith.constant 48 : index
            %swap3A_511 = tpu.vector_load %swap3A_508[%swap3A_509, %swap3A_510] {strides = array<i32>} : memref<128x128xf32, #tpu.memory_space<vmem>>, vector<1x16xf32>,
            %swap3A_512 = vector.shape_cast %swap3A_511 : vector<1x16xf32> to vector<16xf32>
            %swap3A_513 = vector.shape_cast %broadcast_in_dim3A_3 : vector<16xf32> to vector<1x16xf32>
            tpu.vector_store %swap3A_508[%swap3A_509, %swap3A_510], %swap3A_513 {strides = array<i32>} : memref<128x128xf32, #tpu.memory_space<vmem>>, vector<1x16xf32>,
            %mul3A_514 = arith.constant 16 : i32
            %mul3A_515 = arith.muli %scan3A_344, %mul3A_514 : i32
            %add3A_516 = arith.constant 0 : i32
            %add3A_517 = arith.addi %mul3A_515, %add3A_516 : i32
            %swap3A_518 = arith.constant 0 : i32
            %swap3A_519 = arith.constant 0 : i32
            %swap3A_520 = tpu.memref_slice %arg6[%rem3A_216, %swap3A_518, %swap3A_519] : memref<7x128x128xf32, #tpu.memory_space<vmem>> -> memref<1x128x128xf32, #tpu.memory_space<vmem>>
            %swap3A_521 = tpu.memref_squeeze %swap3A_520 : memref<1x128x128xf32, #tpu.memory_space<vmem>> -> memref<128x128xf32, #tpu.memory_space<vmem>>
            %swap3A_522 = arith.index_cast %add3A_517 : i32 to index
            %swap3A_523 = arith.constant 64 : index
            %swap3A_524 = tpu.vector_load %swap3A_521[%swap3A_522, %swap3A_523] {strides = array<i32>} : memref<128x128xf32, #tpu.memory_space<vmem>>, vector<1x16xf32>,
            %swap3A_525 = vector.shape_cast %swap3A_524 : vector<1x16xf32> to vector<16xf32>
            %swap3A_526 = vector.shape_cast %broadcast_in_dim3A_3 : vector<16xf32> to vector<1x16xf32>
            tpu.vector_store %swap3A_521[%swap3A_522, %swap3A_523], %swap3A_526 {strides = array<i32>} : memref<128x128xf32, #tpu.memory_space<vmem>>, vector<1x16xf32>,
            %mul3A_527 = arith.constant 16 : i32
            %mul3A_528 = arith.muli %scan3A_344, %mul3A_527 : i32
            %add3A_529 = arith.constant 0 : i32
            %add3A_530 = arith.addi %mul3A_528, %add3A_529 : i32
            %swap3A_531 = arith.constant 0 : i32
            %swap3A_532 = arith.constant 0 : i32
            %swap3A_533 = tpu.memref_slice %arg6[%rem3A_216, %swap3A_531, %swap3A_532] : memref<7x128x128xf32, #tpu.memory_space<vmem>> -> memref<1x128x128xf32, #tpu.memory_space<vmem>>
            %swap3A_534 = tpu.memref_squeeze %swap3A_533 : memref<1x128x128xf32, #tpu.memory_space<vmem>> -> memref<128x128xf32, #tpu.memory_space<vmem>>
            %swap3A_535 = arith.index_cast %add3A_530 : i32 to index
            %swap3A_536 = arith.constant 80 : index
            %swap3A_537 = tpu.vector_load %swap3A_534[%swap3A_535, %swap3A_536] {strides = array<i32>} : memref<128x128xf32, #tpu.memory_space<vmem>>, vector<1x16xf32>,
            %swap3A_538 = vector.shape_cast %swap3A_537 : vector<1x16xf32> to vector<16xf32>
            %swap3A_539 = vector.shape_cast %broadcast_in_dim3A_3 : vector<16xf32> to vector<1x16xf32>
            tpu.vector_store %swap3A_534[%swap3A_535, %swap3A_536], %swap3A_539 {strides = array<i32>} : memref<128x128xf32, #tpu.memory_space<vmem>>, vector<1x16xf32>,
            %mul3A_540 = arith.constant 16 : i32
            %mul3A_541 = arith.muli %scan3A_344, %mul3A_540 : i32
            %add3A_542 = arith.constant 0 : i32
            %add3A_543 = arith.addi %mul3A_541, %add3A_542 : i32
            %swap3A_544 = arith.constant 0 : i32
            %swap3A_545 = arith.constant 0 : i32
            %swap3A_546 = tpu.memref_slice %arg6[%rem3A_216, %swap3A_544, %swap3A_545] : memref<7x128x128xf32, #tpu.memory_space<vmem>> -> memref<1x128x128xf32, #tpu.memory_space<vmem>>
            %swap3A_547 = tpu.memref_squeeze %swap3A_546 : memref<1x128x128xf32, #tpu.memory_space<vmem>> -> memref<128x128xf32, #tpu.memory_space<vmem>>
            %swap3A_548 = arith.index_cast %add3A_543 : i32 to index
            %swap3A_549 = arith.constant 96 : index
            %swap3A_550 = tpu.vector_load %swap3A_547[%swap3A_548, %swap3A_549] {strides = array<i32>} : memref<128x128xf32, #tpu.memory_space<vmem>>, vector<1x16xf32>,
            %swap3A_551 = vector.shape_cast %swap3A_550 : vector<1x16xf32> to vector<16xf32>
            %swap3A_552 = vector.shape_cast %broadcast_in_dim3A_3 : vector<16xf32> to vector<1x16xf32>
            tpu.vector_store %swap3A_547[%swap3A_548, %swap3A_549], %swap3A_552 {strides = array<i32>} : memref<128x128xf32, #tpu.memory_space<vmem>>, vector<1x16xf32>,
            %mul3A_553 = arith.constant 16 : i32
            %mul3A_554 = arith.muli %scan3A_344, %mul3A_553 : i32
            %add3A_555 = arith.constant 0 : i32
            %add3A_556 = arith.addi %mul3A_554, %add3A_555 : i32
            %swap3A_557 = arith.constant 0 : i32
            %swap3A_558 = arith.constant 0 : i32
            %swap3A_559 = tpu.memref_slice %arg6[%rem3A_216, %swap3A_557, %swap3A_558] : memref<7x128x128xf32, #tpu.memory_space<vmem>> -> memref<1x128x128xf32, #tpu.memory_space<vmem>>
            %swap3A_560 = tpu.memref_squeeze %swap3A_559 : memref<1x128x128xf32, #tpu.memory_space<vmem>> -> memref<128x128xf32, #tpu.memory_space<vmem>>
            %swap3A_561 = arith.index_cast %add3A_556 : i32 to index
            %swap3A_562 = arith.constant 112 : index
            %swap3A_563 = tpu.vector_load %swap3A_560[%swap3A_561, %swap3A_562] {strides = array<i32>} : memref<128x128xf32, #tpu.memory_space<vmem>>, vector<1x16xf32>,
            %swap3A_564 = vector.shape_cast %swap3A_563 : vector<1x16xf32> to vector<16xf32>
            %swap3A_565 = vector.shape_cast %broadcast_in_dim3A_3 : vector<16xf32> to vector<1x16xf32>
            tpu.vector_store %swap3A_560[%swap3A_561, %swap3A_562], %swap3A_565 {strides = array<i32>} : memref<128x128xf32, #tpu.memory_space<vmem>>, vector<1x16xf32>,
          } else {
          }
          %slice3A_358 = vector.extract_strided_slice %get3A_350 {offsets = [1], sizes = [1], strides = [1]} : vector<16xi32> to vector<1xi32>
          %squeeze3A_359 = vector.extract %slice3A_358[0] : i32 from vector<1xi32>
          %eq3A_360 = arith.constant 0 : i32
          %eq3A_361 = arith.cmpi eq, %squeeze3A_359, %eq3A_360 : i32
          %convert_element_type3A_362 = arith.extui %eq3A_361 : i1 to i32
          %cond3A_363 = arith.constant 0 : i32
          %cond3A_364 = arith.cmpi ne, %convert_element_type3A_362, %cond3A_363 : i32
          scf.if %cond3A_364 {
            %mul3A_463 = arith.constant 16 : i32
            %mul3A_464 = arith.muli %scan3A_344, %mul3A_463 : i32
            %add3A_465 = arith.constant 1 : i32
            %add3A_466 = arith.addi %mul3A_464, %add3A_465 : i32
            %swap3A = arith.constant 0 : i32
            %swap3A_467 = arith.constant 0 : i32
            %swap3A_468 = tpu.memref_slice %arg6[%rem3A_216, %swap3A, %swap3A_467] : memref<7x128x128xf32, #tpu.memory_space<vmem>> -> memref<1x128x128xf32, #tpu.memory_space<vmem>>
            %swap3A_469 = tpu.memref_squeeze %swap3A_468 : memref<1x128x128xf32, #tpu.memory_space<vmem>> -> memref<128x128xf32, #tpu.memory_space<vmem>>
            %swap3A_470 = arith.index_cast %add3A_466 : i32 to index
            %swap3A_471 = arith.constant 0 : index
            %swap3A_472 = tpu.vector_load %swap3A_469[%swap3A_470, %swap3A_471] {strides = array<i32>} : memref<128x128xf32, #tpu.memory_space<vmem>>, vector<1x16xf32>,
            %swap3A_473 = vector.shape_cast %swap3A_472 : vector<1x16xf32> to vector<16xf32>
            %swap3A_474 = vector.shape_cast %broadcast_in_dim3A_3 : vector<16xf32> to vector<1x16xf32>
            tpu.vector_store %swap3A_469[%swap3A_470, %swap3A_471], %swap3A_474 {strides = array<i32>} : memref<128x128xf32, #tpu.memory_space<vmem>>, vector<1x16xf32>,
            %mul3A_475 = arith.constant 16 : i32
            %mul3A_476 = arith.muli %scan3A_344, %mul3A_475 : i32
            %add3A_477 = arith.constant 1 : i32
            %add3A_478 = arith.addi %mul3A_476, %add3A_477 : i32
            %swap3A_479 = arith.constant 0 : i32
            %swap3A_480 = arith.constant 0 : i32
            %swap3A_481 = tpu.memref_slice %arg6[%rem3A_216, %swap3A_479, %swap3A_480] : memref<7x128x128xf32, #tpu.memory_space<vmem>> -> memref<1x128x128xf32, #tpu.memory_space<vmem>>
            %swap3A_482 = tpu.memref_squeeze %swap3A_481 : memref<1x128x128xf32, #tpu.memory_space<vmem>> -> memref<128x128xf32, #tpu.memory_space<vmem>>
            %swap3A_483 = arith.index_cast %add3A_478 : i32 to index
            %swap3A_484 = arith.constant 16 : index
            %swap3A_485 = tpu.vector_load %swap3A_482[%swap3A_483, %swap3A_484] {strides = array<i32>} : memref<128x128xf32, #tpu.memory_space<vmem>>, vector<1x16xf32>,
            %swap3A_486 = vector.shape_cast %swap3A_485 : vector<1x16xf32> to vector<16xf32>
            %swap3A_487 = vector.shape_cast %broadcast_in_dim3A_3 : vector<16xf32> to vector<1x16xf32>
            tpu.vector_store %swap3A_482[%swap3A_483, %swap3A_484], %swap3A_487 {strides = array<i32>} : memref<128x128xf32, #tpu.memory_space<vmem>>, vector<1x16xf32>,
            %mul3A_488 = arith.constant 16 : i32
            %mul3A_489 = arith.muli %scan3A_344, %mul3A_488 : i32
            %add3A_490 = arith.constant 1 : i32
            %add3A_491 = arith.addi %mul3A_489, %add3A_490 : i32
            %swap3A_492 = arith.constant 0 : i32
            %swap3A_493 = arith.constant 0 : i32
            %swap3A_494 = tpu.memref_slice %arg6[%rem3A_216, %swap3A_492, %swap3A_493] : memref<7x128x128xf32, #tpu.memory_space<vmem>> -> memref<1x128x128xf32, #tpu.memory_space<vmem>>
            %swap3A_495 = tpu.memref_squeeze %swap3A_494 : memref<1x128x128xf32, #tpu.memory_space<vmem>> -> memref<128x128xf32, #tpu.memory_space<vmem>>
            %swap3A_496 = arith.index_cast %add3A_491 : i32 to index
            %swap3A_497 = arith.constant 32 : index
            %swap3A_498 = tpu.vector_load %swap3A_495[%swap3A_496, %swap3A_497] {strides = array<i32>} : memref<128x128xf32, #tpu.memory_space<vmem>>, vector<1x16xf32>,
            %swap3A_499 = vector.shape_cast %swap3A_498 : vector<1x16xf32> to vector<16xf32>
            %swap3A_500 = vector.shape_cast %broadcast_in_dim3A_3 : vector<16xf32> to vector<1x16xf32>
            tpu.vector_store %swap3A_495[%swap3A_496, %swap3A_497], %swap3A_500 {strides = array<i32>} : memref<128x128xf32, #tpu.memory_space<vmem>>, vector<1x16xf32>,
            %mul3A_501 = arith.constant 16 : i32
            %mul3A_502 = arith.muli %scan3A_344, %mul3A_501 : i32
            %add3A_503 = arith.constant 1 : i32
            %add3A_504 = arith.addi %mul3A_502, %add3A_503 : i32
            %swap3A_505 = arith.constant 0 : i32
            %swap3A_506 = arith.constant 0 : i32
            %swap3A_507 = tpu.memref_slice %arg6[%rem3A_216, %swap3A_505, %swap3A_506] : memref<7x128x128xf32, #tpu.memory_space<vmem>> -> memref<1x128x128xf32, #tpu.memory_space<vmem>>
            %swap3A_508 = tpu.memref_squeeze %swap3A_507 : memref<1x128x128xf32, #tpu.memory_space<vmem>> -> memref<128x128xf32, #tpu.memory_space<vmem>>
            %swap3A_509 = arith.index_cast %add3A_504 : i32 to index
            %swap3A_510 = arith.constant 48 : index
            %swap3A_511 = tpu.vector_load %swap3A_508[%swap3A_509, %swap3A_510] {strides = array<i32>} : memref<128x128xf32, #tpu.memory_space<vmem>>, vector<1x16xf32>,
            %swap3A_512 = vector.shape_cast %swap3A_511 : vector<1x16xf32> to vector<16xf32>
            %swap3A_513 = vector.shape_cast %broadcast_in_dim3A_3 : vector<16xf32> to vector<1x16xf32>
            tpu.vector_store %swap3A_508[%swap3A_509, %swap3A_510], %swap3A_513 {strides = array<i32>} : memref<128x128xf32, #tpu.memory_space<vmem>>, vector<1x16xf32>,
            %mul3A_514 = arith.constant 16 : i32
            %mul3A_515 = arith.muli %scan3A_344, %mul3A_514 : i32
            %add3A_516 = arith.constant 1 : i32
            %add3A_517 = arith.addi %mul3A_515, %add3A_516 : i32
            %swap3A_518 = arith.constant 0 : i32
            %swap3A_519 = arith.constant 0 : i32
            %swap3A_520 = tpu.memref_slice %arg6[%rem3A_216, %swap3A_518, %swap3A_519] : memref<7x128x128xf32, #tpu.memory_space<vmem>> -> memref<1x128x128xf32, #tpu.memory_space<vmem>>
            %swap3A_521 = tpu.memref_squeeze %swap3A_520 : memref<1x128x128xf32, #tpu.memory_space<vmem>> -> memref<128x128xf32, #tpu.memory_space<vmem>>
            %swap3A_522 = arith.index_cast %add3A_517 : i32 to index
            %swap3A_523 = arith.constant 64 : index
            %swap3A_524 = tpu.vector_load %swap3A_521[%swap3A_522, %swap3A_523] {strides = array<i32>} : memref<128x128xf32, #tpu.memory_space<vmem>>, vector<1x16xf32>,
            %swap3A_525 = vector.shape_cast %swap3A_524 : vector<1x16xf32> to vector<16xf32>
            %swap3A_526 = vector.shape_cast %broadcast_in_dim3A_3 : vector<16xf32> to vector<1x16xf32>
            tpu.vector_store %swap3A_521[%swap3A_522, %swap3A_523], %swap3A_526 {strides = array<i32>} : memref<128x128xf32, #tpu.memory_space<vmem>>, vector<1x16xf32>,
            %mul3A_527 = arith.constant 16 : i32
            %mul3A_528 = arith.muli %scan3A_344, %mul3A_527 : i32
            %add3A_529 = arith.constant 1 : i32
            %add3A_530 = arith.addi %mul3A_528, %add3A_529 : i32
            %swap3A_531 = arith.constant 0 : i32
            %swap3A_532 = arith.constant 0 : i32
            %swap3A_533 = tpu.memref_slice %arg6[%rem3A_216, %swap3A_531, %swap3A_532] : memref<7x128x128xf32, #tpu.memory_space<vmem>> -> memref<1x128x128xf32, #tpu.memory_space<vmem>>
            %swap3A_534 = tpu.memref_squeeze %swap3A_533 : memref<1x128x128xf32, #tpu.memory_space<vmem>> -> memref<128x128xf32, #tpu.memory_space<vmem>>
            %swap3A_535 = arith.index_cast %add3A_530 : i32 to index
            %swap3A_536 = arith.constant 80 : index
            %swap3A_537 = tpu.vector_load %swap3A_534[%swap3A_535, %swap3A_536] {strides = array<i32>} : memref<128x128xf32, #tpu.memory_space<vmem>>, vector<1x16xf32>,
            %swap3A_538 = vector.shape_cast %swap3A_537 : vector<1x16xf32> to vector<16xf32>
            %swap3A_539 = vector.shape_cast %broadcast_in_dim3A_3 : vector<16xf32> to vector<1x16xf32>
            tpu.vector_store %swap3A_534[%swap3A_535, %swap3A_536], %swap3A_539 {strides = array<i32>} : memref<128x128xf32, #tpu.memory_space<vmem>>, vector<1x16xf32>,
            %mul3A_540 = arith.constant 16 : i32
            %mul3A_541 = arith.muli %scan3A_344, %mul3A_540 : i32
            %add3A_542 = arith.constant 1 : i32
            %add3A_543 = arith.addi %mul3A_541, %add3A_542 : i32
            %swap3A_544 = arith.constant 0 : i32
            %swap3A_545 = arith.constant 0 : i32
            %swap3A_546 = tpu.memref_slice %arg6[%rem3A_216, %swap3A_544, %swap3A_545] : memref<7x128x128xf32, #tpu.memory_space<vmem>> -> memref<1x128x128xf32, #tpu.memory_space<vmem>>
            %swap3A_547 = tpu.memref_squeeze %swap3A_546 : memref<1x128x128xf32, #tpu.memory_space<vmem>> -> memref<128x128xf32, #tpu.memory_space<vmem>>
            %swap3A_548 = arith.index_cast %add3A_543 : i32 to index
            %swap3A_549 = arith.constant 96 : index
            %swap3A_550 = tpu.vector_load %swap3A_547[%swap3A_548, %swap3A_549] {strides = array<i32>} : memref<128x128xf32, #tpu.memory_space<vmem>>, vector<1x16xf32>,
            %swap3A_551 = vector.shape_cast %swap3A_550 : vector<1x16xf32> to vector<16xf32>
            %swap3A_552 = vector.shape_cast %broadcast_in_dim3A_3 : vector<16xf32> to vector<1x16xf32>
            tpu.vector_store %swap3A_547[%swap3A_548, %swap3A_549], %swap3A_552 {strides = array<i32>} : memref<128x128xf32, #tpu.memory_space<vmem>>, vector<1x16xf32>,
            %mul3A_553 = arith.constant 16 : i32
            %mul3A_554 = arith.muli %scan3A_344, %mul3A_553 : i32
            %add3A_555 = arith.constant 1 : i32
            %add3A_556 = arith.addi %mul3A_554, %add3A_555 : i32
            %swap3A_557 = arith.constant 0 : i32
            %swap3A_558 = arith.constant 0 : i32
            %swap3A_559 = tpu.memref_slice %arg6[%rem3A_216, %swap3A_557, %swap3A_558] : memref<7x128x128xf32, #tpu.memory_space<vmem>> -> memref<1x128x128xf32, #tpu.memory_space<vmem>>
            %swap3A_560 = tpu.memref_squeeze %swap3A_559 : memref<1x128x128xf32, #tpu.memory_space<vmem>> -> memref<128x128xf32, #tpu.memory_space<vmem>>
            %swap3A_561 = arith.index_cast %add3A_556 : i32 to index
            %swap3A_562 = arith.constant 112 : index
            %swap3A_563 = tpu.vector_load %swap3A_560[%swap3A_561, %swap3A_562] {strides = array<i32>} : memref<128x128xf32, #tpu.memory_space<vmem>>, vector<1x16xf32>,
            %swap3A_564 = vector.shape_cast %swap3A_563 : vector<1x16xf32> to vector<16xf32>
            %swap3A_565 = vector.shape_cast %broadcast_in_dim3A_3 : vector<16xf32> to vector<1x16xf32>
            tpu.vector_store %swap3A_560[%swap3A_561, %swap3A_562], %swap3A_565 {strides = array<i32>} : memref<128x128xf32, #tpu.memory_space<vmem>>, vector<1x16xf32>,
          } else {
          }
          %slice3A_365 = vector.extract_strided_slice %get3A_350 {offsets = [2], sizes = [1], strides = [1]} : vector<16xi32> to vector<1xi32>
          %squeeze3A_366 = vector.extract %slice3A_365[0] : i32 from vector<1xi32>
          %eq3A_367 = arith.constant 0 : i32
          %eq3A_368 = arith.cmpi eq, %squeeze3A_366, %eq3A_367 : i32
          %convert_element_type3A_369 = arith.extui %eq3A_368 : i1 to i32
          %cond3A_370 = arith.constant 0 : i32
          %cond3A_371 = arith.cmpi ne, %convert_element_type3A_369, %cond3A_370 : i32
          scf.if %cond3A_371 {
            %mul3A_463 = arith.constant 16 : i32
            %mul3A_464 = arith.muli %scan3A_344, %mul3A_463 : i32
            %add3A_465 = arith.constant 2 : i32
            %add3A_466 = arith.addi %mul3A_464, %add3A_465 : i32
            %swap3A = arith.constant 0 : i32
            %swap3A_467 = arith.constant 0 : i32
            %swap3A_468 = tpu.memref_slice %arg6[%rem3A_216, %swap3A, %swap3A_467] : memref<7x128x128xf32, #tpu.memory_space<vmem>> -> memref<1x128x128xf32, #tpu.memory_space<vmem>>
            %swap3A_469 = tpu.memref_squeeze %swap3A_468 : memref<1x128x128xf32, #tpu.memory_space<vmem>> -> memref<128x128xf32, #tpu.memory_space<vmem>>
            %swap3A_470 = arith.index_cast %add3A_466 : i32 to index
            %swap3A_471 = arith.constant 0 : index
            %swap3A_472 = tpu.vector_load %swap3A_469[%swap3A_470, %swap3A_471] {strides = array<i32>} : memref<128x128xf32, #tpu.memory_space<vmem>>, vector<1x16xf32>,
            %swap3A_473 = vector.shape_cast %swap3A_472 : vector<1x16xf32> to vector<16xf32>
            %swap3A_474 = vector.shape_cast %broadcast_in_dim3A_3 : vector<16xf32> to vector<1x16xf32>
            tpu.vector_store %swap3A_469[%swap3A_470, %swap3A_471], %swap3A_474 {strides = array<i32>} : memref<128x128xf32, #tpu.memory_space<vmem>>, vector<1x16xf32>,
            %mul3A_475 = arith.constant 16 : i32
            %mul3A_476 = arith.muli %scan3A_344, %mul3A_475 : i32
            %add3A_477 = arith.constant 2 : i32
            %add3A_478 = arith.addi %mul3A_476, %add3A_477 : i32
            %swap3A_479 = arith.constant 0 : i32
            %swap3A_480 = arith.constant 0 : i32
            %swap3A_481 = tpu.memref_slice %arg6[%rem3A_216, %swap3A_479, %swap3A_480] : memref<7x128x128xf32, #tpu.memory_space<vmem>> -> memref<1x128x128xf32, #tpu.memory_space<vmem>>
            %swap3A_482 = tpu.memref_squeeze %swap3A_481 : memref<1x128x128xf32, #tpu.memory_space<vmem>> -> memref<128x128xf32, #tpu.memory_space<vmem>>
            %swap3A_483 = arith.index_cast %add3A_478 : i32 to index
            %swap3A_484 = arith.constant 16 : index
            %swap3A_485 = tpu.vector_load %swap3A_482[%swap3A_483, %swap3A_484] {strides = array<i32>} : memref<128x128xf32, #tpu.memory_space<vmem>>, vector<1x16xf32>,
            %swap3A_486 = vector.shape_cast %swap3A_485 : vector<1x16xf32> to vector<16xf32>
            %swap3A_487 = vector.shape_cast %broadcast_in_dim3A_3 : vector<16xf32> to vector<1x16xf32>
            tpu.vector_store %swap3A_482[%swap3A_483, %swap3A_484], %swap3A_487 {strides = array<i32>} : memref<128x128xf32, #tpu.memory_space<vmem>>, vector<1x16xf32>,
            %mul3A_488 = arith.constant 16 : i32
            %mul3A_489 = arith.muli %scan3A_344, %mul3A_488 : i32
            %add3A_490 = arith.constant 2 : i32
            %add3A_491 = arith.addi %mul3A_489, %add3A_490 : i32
            %swap3A_492 = arith.constant 0 : i32
            %swap3A_493 = arith.constant 0 : i32
            %swap3A_494 = tpu.memref_slice %arg6[%rem3A_216, %swap3A_492, %swap3A_493] : memref<7x128x128xf32, #tpu.memory_space<vmem>> -> memref<1x128x128xf32, #tpu.memory_space<vmem>>
            %swap3A_495 = tpu.memref_squeeze %swap3A_494 : memref<1x128x128xf32, #tpu.memory_space<vmem>> -> memref<128x128xf32, #tpu.memory_space<vmem>>
            %swap3A_496 = arith.index_cast %add3A_491 : i32 to index
            %swap3A_497 = arith.constant 32 : index
            %swap3A_498 = tpu.vector_load %swap3A_495[%swap3A_496, %swap3A_497] {strides = array<i32>} : memref<128x128xf32, #tpu.memory_space<vmem>>, vector<1x16xf32>,
            %swap3A_499 = vector.shape_cast %swap3A_498 : vector<1x16xf32> to vector<16xf32>
            %swap3A_500 = vector.shape_cast %broadcast_in_dim3A_3 : vector<16xf32> to vector<1x16xf32>
            tpu.vector_store %swap3A_495[%swap3A_496, %swap3A_497], %swap3A_500 {strides = array<i32>} : memref<128x128xf32, #tpu.memory_space<vmem>>, vector<1x16xf32>,
            %mul3A_501 = arith.constant 16 : i32
            %mul3A_502 = arith.muli %scan3A_344, %mul3A_501 : i32
            %add3A_503 = arith.constant 2 : i32
            %add3A_504 = arith.addi %mul3A_502, %add3A_503 : i32
            %swap3A_505 = arith.constant 0 : i32
            %swap3A_506 = arith.constant 0 : i32
            %swap3A_507 = tpu.memref_slice %arg6[%rem3A_216, %swap3A_505, %swap3A_506] : memref<7x128x128xf32, #tpu.memory_space<vmem>> -> memref<1x128x128xf32, #tpu.memory_space<vmem>>
            %swap3A_508 = tpu.memref_squeeze %swap3A_507 : memref<1x128x128xf32, #tpu.memory_space<vmem>> -> memref<128x128xf32, #tpu.memory_space<vmem>>
            %swap3A_509 = arith.index_cast %add3A_504 : i32 to index
            %swap3A_510 = arith.constant 48 : index
            %swap3A_511 = tpu.vector_load %swap3A_508[%swap3A_509, %swap3A_510] {strides = array<i32>} : memref<128x128xf32, #tpu.memory_space<vmem>>, vector<1x16xf32>,
            %swap3A_512 = vector.shape_cast %swap3A_511 : vector<1x16xf32> to vector<16xf32>
            %swap3A_513 = vector.shape_cast %broadcast_in_dim3A_3 : vector<16xf32> to vector<1x16xf32>
            tpu.vector_store %swap3A_508[%swap3A_509, %swap3A_510], %swap3A_513 {strides = array<i32>} : memref<128x128xf32, #tpu.memory_space<vmem>>, vector<1x16xf32>,
            %mul3A_514 = arith.constant 16 : i32
            %mul3A_515 = arith.muli %scan3A_344, %mul3A_514 : i32
            %add3A_516 = arith.constant 2 : i32
            %add3A_517 = arith.addi %mul3A_515, %add3A_516 : i32
            %swap3A_518 = arith.constant 0 : i32
            %swap3A_519 = arith.constant 0 : i32
            %swap3A_520 = tpu.memref_slice %arg6[%rem3A_216, %swap3A_518, %swap3A_519] : memref<7x128x128xf32, #tpu.memory_space<vmem>> -> memref<1x128x128xf32, #tpu.memory_space<vmem>>
            %swap3A_521 = tpu.memref_squeeze %swap3A_520 : memref<1x128x128xf32, #tpu.memory_space<vmem>> -> memref<128x128xf32, #tpu.memory_space<vmem>>
            %swap3A_522 = arith.index_cast %add3A_517 : i32 to index
            %swap3A_523 = arith.constant 64 : index
            %swap3A_524 = tpu.vector_load %swap3A_521[%swap3A_522, %swap3A_523] {strides = array<i32>} : memref<128x128xf32, #tpu.memory_space<vmem>>, vector<1x16xf32>,
            %swap3A_525 = vector.shape_cast %swap3A_524 : vector<1x16xf32> to vector<16xf32>
            %swap3A_526 = vector.shape_cast %broadcast_in_dim3A_3 : vector<16xf32> to vector<1x16xf32>
            tpu.vector_store %swap3A_521[%swap3A_522, %swap3A_523], %swap3A_526 {strides = array<i32>} : memref<128x128xf32, #tpu.memory_space<vmem>>, vector<1x16xf32>,
            %mul3A_527 = arith.constant 16 : i32
            %mul3A_528 = arith.muli %scan3A_344, %mul3A_527 : i32
            %add3A_529 = arith.constant 2 : i32
            %add3A_530 = arith.addi %mul3A_528, %add3A_529 : i32
            %swap3A_531 = arith.constant 0 : i32
            %swap3A_532 = arith.constant 0 : i32
            %swap3A_533 = tpu.memref_slice %arg6[%rem3A_216, %swap3A_531, %swap3A_532] : memref<7x128x128xf32, #tpu.memory_space<vmem>> -> memref<1x128x128xf32, #tpu.memory_space<vmem>>
            %swap3A_534 = tpu.memref_squeeze %swap3A_533 : memref<1x128x128xf32, #tpu.memory_space<vmem>> -> memref<128x128xf32, #tpu.memory_space<vmem>>
            %swap3A_535 = arith.index_cast %add3A_530 : i32 to index
            %swap3A_536 = arith.constant 80 : index
            %swap3A_537 = tpu.vector_load %swap3A_534[%swap3A_535, %swap3A_536] {strides = array<i32>} : memref<128x128xf32, #tpu.memory_space<vmem>>, vector<1x16xf32>,
            %swap3A_538 = vector.shape_cast %swap3A_537 : vector<1x16xf32> to vector<16xf32>
            %swap3A_539 = vector.shape_cast %broadcast_in_dim3A_3 : vector<16xf32> to vector<1x16xf32>
            tpu.vector_store %swap3A_534[%swap3A_535, %swap3A_536], %swap3A_539 {strides = array<i32>} : memref<128x128xf32, #tpu.memory_space<vmem>>, vector<1x16xf32>,
            %mul3A_540 = arith.constant 16 : i32
            %mul3A_541 = arith.muli %scan3A_344, %mul3A_540 : i32
            %add3A_542 = arith.constant 2 : i32
            %add3A_543 = arith.addi %mul3A_541, %add3A_542 : i32
            %swap3A_544 = arith.constant 0 : i32
            %swap3A_545 = arith.constant 0 : i32
            %swap3A_546 = tpu.memref_slice %arg6[%rem3A_216, %swap3A_544, %swap3A_545] : memref<7x128x128xf32, #tpu.memory_space<vmem>> -> memref<1x128x128xf32, #tpu.memory_space<vmem>>
            %swap3A_547 = tpu.memref_squeeze %swap3A_546 : memref<1x128x128xf32, #tpu.memory_space<vmem>> -> memref<128x128xf32, #tpu.memory_space<vmem>>
            %swap3A_548 = arith.index_cast %add3A_543 : i32 to index
            %swap3A_549 = arith.constant 96 : index
            %swap3A_550 = tpu.vector_load %swap3A_547[%swap3A_548, %swap3A_549] {strides = array<i32>} : memref<128x128xf32, #tpu.memory_space<vmem>>, vector<1x16xf32>,
            %swap3A_551 = vector.shape_cast %swap3A_550 : vector<1x16xf32> to vector<16xf32>
            %swap3A_552 = vector.shape_cast %broadcast_in_dim3A_3 : vector<16xf32> to vector<1x16xf32>
            tpu.vector_store %swap3A_547[%swap3A_548, %swap3A_549], %swap3A_552 {strides = array<i32>} : memref<128x128xf32, #tpu.memory_space<vmem>>, vector<1x16xf32>,
            %mul3A_553 = arith.constant 16 : i32
            %mul3A_554 = arith.muli %scan3A_344, %mul3A_553 : i32
            %add3A_555 = arith.constant 2 : i32
            %add3A_556 = arith.addi %mul3A_554, %add3A_555 : i32
            %swap3A_557 = arith.constant 0 : i32
            %swap3A_558 = arith.constant 0 : i32
            %swap3A_559 = tpu.memref_slice %arg6[%rem3A_216, %swap3A_557, %swap3A_558] : memref<7x128x128xf32, #tpu.memory_space<vmem>> -> memref<1x128x128xf32, #tpu.memory_space<vmem>>
            %swap3A_560 = tpu.memref_squeeze %swap3A_559 : memref<1x128x128xf32, #tpu.memory_space<vmem>> -> memref<128x128xf32, #tpu.memory_space<vmem>>
            %swap3A_561 = arith.index_cast %add3A_556 : i32 to index
            %swap3A_562 = arith.constant 112 : index
            %swap3A_563 = tpu.vector_load %swap3A_560[%swap3A_561, %swap3A_562] {strides = array<i32>} : memref<128x128xf32, #tpu.memory_space<vmem>>, vector<1x16xf32>,
            %swap3A_564 = vector.shape_cast %swap3A_563 : vector<1x16xf32> to vector<16xf32>
            %swap3A_565 = vector.shape_cast %broadcast_in_dim3A_3 : vector<16xf32> to vector<1x16xf32>
            tpu.vector_store %swap3A_560[%swap3A_561, %swap3A_562], %swap3A_565 {strides = array<i32>} : memref<128x128xf32, #tpu.memory_space<vmem>>, vector<1x16xf32>,
          } else {
          }
          %slice3A_372 = vector.extract_strided_slice %get3A_350 {offsets = [3], sizes = [1], strides = [1]} : vector<16xi32> to vector<1xi32>
          %squeeze3A_373 = vector.extract %slice3A_372[0] : i32 from vector<1xi32>
          %eq3A_374 = arith.constant 0 : i32
          %eq3A_375 = arith.cmpi eq, %squeeze3A_373, %eq3A_374 : i32
          %convert_element_type3A_376 = arith.extui %eq3A_375 : i1 to i32
          %cond3A_377 = arith.constant 0 : i32
          %cond3A_378 = arith.cmpi ne, %convert_element_type3A_376, %cond3A_377 : i32
          scf.if %cond3A_378 {
            %mul3A_463 = arith.constant 16 : i32
            %mul3A_464 = arith.muli %scan3A_344, %mul3A_463 : i32
            %add3A_465 = arith.constant 3 : i32
            %add3A_466 = arith.addi %mul3A_464, %add3A_465 : i32
            %swap3A = arith.constant 0 : i32
            %swap3A_467 = arith.constant 0 : i32
            %swap3A_468 = tpu.memref_slice %arg6[%rem3A_216, %swap3A, %swap3A_467] : memref<7x128x128xf32, #tpu.memory_space<vmem>> -> memref<1x128x128xf32, #tpu.memory_space<vmem>>
            %swap3A_469 = tpu.memref_squeeze %swap3A_468 : memref<1x128x128xf32, #tpu.memory_space<vmem>> -> memref<128x128xf32, #tpu.memory_space<vmem>>
            %swap3A_470 = arith.index_cast %add3A_466 : i32 to index
            %swap3A_471 = arith.constant 0 : index
            %swap3A_472 = tpu.vector_load %swap3A_469[%swap3A_470, %swap3A_471] {strides = array<i32>} : memref<128x128xf32, #tpu.memory_space<vmem>>, vector<1x16xf32>,
            %swap3A_473 = vector.shape_cast %swap3A_472 : vector<1x16xf32> to vector<16xf32>
            %swap3A_474 = vector.shape_cast %broadcast_in_dim3A_3 : vector<16xf32> to vector<1x16xf32>
            tpu.vector_store %swap3A_469[%swap3A_470, %swap3A_471], %swap3A_474 {strides = array<i32>} : memref<128x128xf32, #tpu.memory_space<vmem>>, vector<1x16xf32>,
            %mul3A_475 = arith.constant 16 : i32
            %mul3A_476 = arith.muli %scan3A_344, %mul3A_475 : i32
            %add3A_477 = arith.constant 3 : i32
            %add3A_478 = arith.addi %mul3A_476, %add3A_477 : i32
            %swap3A_479 = arith.constant 0 : i32
            %swap3A_480 = arith.constant 0 : i32
            %swap3A_481 = tpu.memref_slice %arg6[%rem3A_216, %swap3A_479, %swap3A_480] : memref<7x128x128xf32, #tpu.memory_space<vmem>> -> memref<1x128x128xf32, #tpu.memory_space<vmem>>
            %swap3A_482 = tpu.memref_squeeze %swap3A_481 : memref<1x128x128xf32, #tpu.memory_space<vmem>> -> memref<128x128xf32, #tpu.memory_space<vmem>>
            %swap3A_483 = arith.index_cast %add3A_478 : i32 to index
            %swap3A_484 = arith.constant 16 : index
            %swap3A_485 = tpu.vector_load %swap3A_482[%swap3A_483, %swap3A_484] {strides = array<i32>} : memref<128x128xf32, #tpu.memory_space<vmem>>, vector<1x16xf32>,
            %swap3A_486 = vector.shape_cast %swap3A_485 : vector<1x16xf32> to vector<16xf32>
            %swap3A_487 = vector.shape_cast %broadcast_in_dim3A_3 : vector<16xf32> to vector<1x16xf32>
            tpu.vector_store %swap3A_482[%swap3A_483, %swap3A_484], %swap3A_487 {strides = array<i32>} : memref<128x128xf32, #tpu.memory_space<vmem>>, vector<1x16xf32>,
            %mul3A_488 = arith.constant 16 : i32
            %mul3A_489 = arith.muli %scan3A_344, %mul3A_488 : i32
            %add3A_490 = arith.constant 3 : i32
            %add3A_491 = arith.addi %mul3A_489, %add3A_490 : i32
            %swap3A_492 = arith.constant 0 : i32
            %swap3A_493 = arith.constant 0 : i32
            %swap3A_494 = tpu.memref_slice %arg6[%rem3A_216, %swap3A_492, %swap3A_493] : memref<7x128x128xf32, #tpu.memory_space<vmem>> -> memref<1x128x128xf32, #tpu.memory_space<vmem>>
            %swap3A_495 = tpu.memref_squeeze %swap3A_494 : memref<1x128x128xf32, #tpu.memory_space<vmem>> -> memref<128x128xf32, #tpu.memory_space<vmem>>
            %swap3A_496 = arith.index_cast %add3A_491 : i32 to index
            %swap3A_497 = arith.constant 32 : index
            %swap3A_498 = tpu.vector_load %swap3A_495[%swap3A_496, %swap3A_497] {strides = array<i32>} : memref<128x128xf32, #tpu.memory_space<vmem>>, vector<1x16xf32>,
            %swap3A_499 = vector.shape_cast %swap3A_498 : vector<1x16xf32> to vector<16xf32>
            %swap3A_500 = vector.shape_cast %broadcast_in_dim3A_3 : vector<16xf32> to vector<1x16xf32>
            tpu.vector_store %swap3A_495[%swap3A_496, %swap3A_497], %swap3A_500 {strides = array<i32>} : memref<128x128xf32, #tpu.memory_space<vmem>>, vector<1x16xf32>,
            %mul3A_501 = arith.constant 16 : i32
            %mul3A_502 = arith.muli %scan3A_344, %mul3A_501 : i32
            %add3A_503 = arith.constant 3 : i32
            %add3A_504 = arith.addi %mul3A_502, %add3A_503 : i32
            %swap3A_505 = arith.constant 0 : i32
            %swap3A_506 = arith.constant 0 : i32
            %swap3A_507 = tpu.memref_slice %arg6[%rem3A_216, %swap3A_505, %swap3A_506] : memref<7x128x128xf32, #tpu.memory_space<vmem>> -> memref<1x128x128xf32, #tpu.memory_space<vmem>>
            %swap3A_508 = tpu.memref_squeeze %swap3A_507 : memref<1x128x128xf32, #tpu.memory_space<vmem>> -> memref<128x128xf32, #tpu.memory_space<vmem>>
            %swap3A_509 = arith.index_cast %add3A_504 : i32 to index
            %swap3A_510 = arith.constant 48 : index
            %swap3A_511 = tpu.vector_load %swap3A_508[%swap3A_509, %swap3A_510] {strides = array<i32>} : memref<128x128xf32, #tpu.memory_space<vmem>>, vector<1x16xf32>,
            %swap3A_512 = vector.shape_cast %swap3A_511 : vector<1x16xf32> to vector<16xf32>
            %swap3A_513 = vector.shape_cast %broadcast_in_dim3A_3 : vector<16xf32> to vector<1x16xf32>
            tpu.vector_store %swap3A_508[%swap3A_509, %swap3A_510], %swap3A_513 {strides = array<i32>} : memref<128x128xf32, #tpu.memory_space<vmem>>, vector<1x16xf32>,
            %mul3A_514 = arith.constant 16 : i32
            %mul3A_515 = arith.muli %scan3A_344, %mul3A_514 : i32
            %add3A_516 = arith.constant 3 : i32
            %add3A_517 = arith.addi %mul3A_515, %add3A_516 : i32
            %swap3A_518 = arith.constant 0 : i32
            %swap3A_519 = arith.constant 0 : i32
            %swap3A_520 = tpu.memref_slice %arg6[%rem3A_216, %swap3A_518, %swap3A_519] : memref<7x128x128xf32, #tpu.memory_space<vmem>> -> memref<1x128x128xf32, #tpu.memory_space<vmem>>
            %swap3A_521 = tpu.memref_squeeze %swap3A_520 : memref<1x128x128xf32, #tpu.memory_space<vmem>> -> memref<128x128xf32, #tpu.memory_space<vmem>>
            %swap3A_522 = arith.index_cast %add3A_517 : i32 to index
            %swap3A_523 = arith.constant 64 : index
            %swap3A_524 = tpu.vector_load %swap3A_521[%swap3A_522, %swap3A_523] {strides = array<i32>} : memref<128x128xf32, #tpu.memory_space<vmem>>, vector<1x16xf32>,
            %swap3A_525 = vector.shape_cast %swap3A_524 : vector<1x16xf32> to vector<16xf32>
            %swap3A_526 = vector.shape_cast %broadcast_in_dim3A_3 : vector<16xf32> to vector<1x16xf32>
            tpu.vector_store %swap3A_521[%swap3A_522, %swap3A_523], %swap3A_526 {strides = array<i32>} : memref<128x128xf32, #tpu.memory_space<vmem>>, vector<1x16xf32>,
            %mul3A_527 = arith.constant 16 : i32
            %mul3A_528 = arith.muli %scan3A_344, %mul3A_527 : i32
            %add3A_529 = arith.constant 3 : i32
            %add3A_530 = arith.addi %mul3A_528, %add3A_529 : i32
            %swap3A_531 = arith.constant 0 : i32
            %swap3A_532 = arith.constant 0 : i32
            %swap3A_533 = tpu.memref_slice %arg6[%rem3A_216, %swap3A_531, %swap3A_532] : memref<7x128x128xf32, #tpu.memory_space<vmem>> -> memref<1x128x128xf32, #tpu.memory_space<vmem>>
            %swap3A_534 = tpu.memref_squeeze %swap3A_533 : memref<1x128x128xf32, #tpu.memory_space<vmem>> -> memref<128x128xf32, #tpu.memory_space<vmem>>
            %swap3A_535 = arith.index_cast %add3A_530 : i32 to index
            %swap3A_536 = arith.constant 80 : index
            %swap3A_537 = tpu.vector_load %swap3A_534[%swap3A_535, %swap3A_536] {strides = array<i32>} : memref<128x128xf32, #tpu.memory_space<vmem>>, vector<1x16xf32>,
            %swap3A_538 = vector.shape_cast %swap3A_537 : vector<1x16xf32> to vector<16xf32>
            %swap3A_539 = vector.shape_cast %broadcast_in_dim3A_3 : vector<16xf32> to vector<1x16xf32>
            tpu.vector_store %swap3A_534[%swap3A_535, %swap3A_536], %swap3A_539 {strides = array<i32>} : memref<128x128xf32, #tpu.memory_space<vmem>>, vector<1x16xf32>,
            %mul3A_540 = arith.constant 16 : i32
            %mul3A_541 = arith.muli %scan3A_344, %mul3A_540 : i32
            %add3A_542 = arith.constant 3 : i32
            %add3A_543 = arith.addi %mul3A_541, %add3A_542 : i32
            %swap3A_544 = arith.constant 0 : i32
            %swap3A_545 = arith.constant 0 : i32
            %swap3A_546 = tpu.memref_slice %arg6[%rem3A_216, %swap3A_544, %swap3A_545] : memref<7x128x128xf32, #tpu.memory_space<vmem>> -> memref<1x128x128xf32, #tpu.memory_space<vmem>>
            %swap3A_547 = tpu.memref_squeeze %swap3A_546 : memref<1x128x128xf32, #tpu.memory_space<vmem>> -> memref<128x128xf32, #tpu.memory_space<vmem>>
            %swap3A_548 = arith.index_cast %add3A_543 : i32 to index
            %swap3A_549 = arith.constant 96 : index
            %swap3A_550 = tpu.vector_load %swap3A_547[%swap3A_548, %swap3A_549] {strides = array<i32>} : memref<128x128xf32, #tpu.memory_space<vmem>>, vector<1x16xf32>,
            %swap3A_551 = vector.shape_cast %swap3A_550 : vector<1x16xf32> to vector<16xf32>
            %swap3A_552 = vector.shape_cast %broadcast_in_dim3A_3 : vector<16xf32> to vector<1x16xf32>
            tpu.vector_store %swap3A_547[%swap3A_548, %swap3A_549], %swap3A_552 {strides = array<i32>} : memref<128x128xf32, #tpu.memory_space<vmem>>, vector<1x16xf32>,
            %mul3A_553 = arith.constant 16 : i32
            %mul3A_554 = arith.muli %scan3A_344, %mul3A_553 : i32
            %add3A_555 = arith.constant 3 : i32
            %add3A_556 = arith.addi %mul3A_554, %add3A_555 : i32
            %swap3A_557 = arith.constant 0 : i32
            %swap3A_558 = arith.constant 0 : i32
            %swap3A_559 = tpu.memref_slice %arg6[%rem3A_216, %swap3A_557, %swap3A_558] : memref<7x128x128xf32, #tpu.memory_space<vmem>> -> memref<1x128x128xf32, #tpu.memory_space<vmem>>
            %swap3A_560 = tpu.memref_squeeze %swap3A_559 : memref<1x128x128xf32, #tpu.memory_space<vmem>> -> memref<128x128xf32, #tpu.memory_space<vmem>>
            %swap3A_561 = arith.index_cast %add3A_556 : i32 to index
            %swap3A_562 = arith.constant 112 : index
            %swap3A_563 = tpu.vector_load %swap3A_560[%swap3A_561, %swap3A_562] {strides = array<i32>} : memref<128x128xf32, #tpu.memory_space<vmem>>, vector<1x16xf32>,
            %swap3A_564 = vector.shape_cast %swap3A_563 : vector<1x16xf32> to vector<16xf32>
            %swap3A_565 = vector.shape_cast %broadcast_in_dim3A_3 : vector<16xf32> to vector<1x16xf32>
            tpu.vector_store %swap3A_560[%swap3A_561, %swap3A_562], %swap3A_565 {strides = array<i32>} : memref<128x128xf32, #tpu.memory_space<vmem>>, vector<1x16xf32>,
          } else {
          }
          %slice3A_379 = vector.extract_strided_slice %get3A_350 {offsets = [4], sizes = [1], strides = [1]} : vector<16xi32> to vector<1xi32>
          %squeeze3A_380 = vector.extract %slice3A_379[0] : i32 from vector<1xi32>
          %eq3A_381 = arith.constant 0 : i32
          %eq3A_382 = arith.cmpi eq, %squeeze3A_380, %eq3A_381 : i32
          %convert_element_type3A_383 = arith.extui %eq3A_382 : i1 to i32
          %cond3A_384 = arith.constant 0 : i32
          %cond3A_385 = arith.cmpi ne, %convert_element_type3A_383, %cond3A_384 : i32
          scf.if %cond3A_385 {
            %mul3A_463 = arith.constant 16 : i32
            %mul3A_464 = arith.muli %scan3A_344, %mul3A_463 : i32
            %add3A_465 = arith.constant 4 : i32
            %add3A_466 = arith.addi %mul3A_464, %add3A_465 : i32
            %swap3A = arith.constant 0 : i32
            %swap3A_467 = arith.constant 0 : i32
            %swap3A_468 = tpu.memref_slice %arg6[%rem3A_216, %swap3A, %swap3A_467] : memref<7x128x128xf32, #tpu.memory_space<vmem>> -> memref<1x128x128xf32, #tpu.memory_space<vmem>>
            %swap3A_469 = tpu.memref_squeeze %swap3A_468 : memref<1x128x128xf32, #tpu.memory_space<vmem>> -> memref<128x128xf32, #tpu.memory_space<vmem>>
            %swap3A_470 = arith.index_cast %add3A_466 : i32 to index
            %swap3A_471 = arith.constant 0 : index
            %swap3A_472 = tpu.vector_load %swap3A_469[%swap3A_470, %swap3A_471] {strides = array<i32>} : memref<128x128xf32, #tpu.memory_space<vmem>>, vector<1x16xf32>,
            %swap3A_473 = vector.shape_cast %swap3A_472 : vector<1x16xf32> to vector<16xf32>
            %swap3A_474 = vector.shape_cast %broadcast_in_dim3A_3 : vector<16xf32> to vector<1x16xf32>
            tpu.vector_store %swap3A_469[%swap3A_470, %swap3A_471], %swap3A_474 {strides = array<i32>} : memref<128x128xf32, #tpu.memory_space<vmem>>, vector<1x16xf32>,
            %mul3A_475 = arith.constant 16 : i32
            %mul3A_476 = arith.muli %scan3A_344, %mul3A_475 : i32
            %add3A_477 = arith.constant 4 : i32
            %add3A_478 = arith.addi %mul3A_476, %add3A_477 : i32
            %swap3A_479 = arith.constant 0 : i32
            %swap3A_480 = arith.constant 0 : i32
            %swap3A_481 = tpu.memref_slice %arg6[%rem3A_216, %swap3A_479, %swap3A_480] : memref<7x128x128xf32, #tpu.memory_space<vmem>> -> memref<1x128x128xf32, #tpu.memory_space<vmem>>
            %swap3A_482 = tpu.memref_squeeze %swap3A_481 : memref<1x128x128xf32, #tpu.memory_space<vmem>> -> memref<128x128xf32, #tpu.memory_space<vmem>>
            %swap3A_483 = arith.index_cast %add3A_478 : i32 to index
            %swap3A_484 = arith.constant 16 : index
            %swap3A_485 = tpu.vector_load %swap3A_482[%swap3A_483, %swap3A_484] {strides = array<i32>} : memref<128x128xf32, #tpu.memory_space<vmem>>, vector<1x16xf32>,
            %swap3A_486 = vector.shape_cast %swap3A_485 : vector<1x16xf32> to vector<16xf32>
            %swap3A_487 = vector.shape_cast %broadcast_in_dim3A_3 : vector<16xf32> to vector<1x16xf32>
            tpu.vector_store %swap3A_482[%swap3A_483, %swap3A_484], %swap3A_487 {strides = array<i32>} : memref<128x128xf32, #tpu.memory_space<vmem>>, vector<1x16xf32>,
            %mul3A_488 = arith.constant 16 : i32
            %mul3A_489 = arith.muli %scan3A_344, %mul3A_488 : i32
            %add3A_490 = arith.constant 4 : i32
            %add3A_491 = arith.addi %mul3A_489, %add3A_490 : i32
            %swap3A_492 = arith.constant 0 : i32
            %swap3A_493 = arith.constant 0 : i32
            %swap3A_494 = tpu.memref_slice %arg6[%rem3A_216, %swap3A_492, %swap3A_493] : memref<7x128x128xf32, #tpu.memory_space<vmem>> -> memref<1x128x128xf32, #tpu.memory_space<vmem>>
            %swap3A_495 = tpu.memref_squeeze %swap3A_494 : memref<1x128x128xf32, #tpu.memory_space<vmem>> -> memref<128x128xf32, #tpu.memory_space<vmem>>
            %swap3A_496 = arith.index_cast %add3A_491 : i32 to index
            %swap3A_497 = arith.constant 32 : index
            %swap3A_498 = tpu.vector_load %swap3A_495[%swap3A_496, %swap3A_497] {strides = array<i32>} : memref<128x128xf32, #tpu.memory_space<vmem>>, vector<1x16xf32>,
            %swap3A_499 = vector.shape_cast %swap3A_498 : vector<1x16xf32> to vector<16xf32>
            %swap3A_500 = vector.shape_cast %broadcast_in_dim3A_3 : vector<16xf32> to vector<1x16xf32>
            tpu.vector_store %swap3A_495[%swap3A_496, %swap3A_497], %swap3A_500 {strides = array<i32>} : memref<128x128xf32, #tpu.memory_space<vmem>>, vector<1x16xf32>,
            %mul3A_501 = arith.constant 16 : i32
            %mul3A_502 = arith.muli %scan3A_344, %mul3A_501 : i32
            %add3A_503 = arith.constant 4 : i32
            %add3A_504 = arith.addi %mul3A_502, %add3A_503 : i32
            %swap3A_505 = arith.constant 0 : i32
            %swap3A_506 = arith.constant 0 : i32
            %swap3A_507 = tpu.memref_slice %arg6[%rem3A_216, %swap3A_505, %swap3A_506] : memref<7x128x128xf32, #tpu.memory_space<vmem>> -> memref<1x128x128xf32, #tpu.memory_space<vmem>>
            %swap3A_508 = tpu.memref_squeeze %swap3A_507 : memref<1x128x128xf32, #tpu.memory_space<vmem>> -> memref<128x128xf32, #tpu.memory_space<vmem>>
            %swap3A_509 = arith.index_cast %add3A_504 : i32 to index
            %swap3A_510 = arith.constant 48 : index
            %swap3A_511 = tpu.vector_load %swap3A_508[%swap3A_509, %swap3A_510] {strides = array<i32>} : memref<128x128xf32, #tpu.memory_space<vmem>>, vector<1x16xf32>,
            %swap3A_512 = vector.shape_cast %swap3A_511 : vector<1x16xf32> to vector<16xf32>
            %swap3A_513 = vector.shape_cast %broadcast_in_dim3A_3 : vector<16xf32> to vector<1x16xf32>
            tpu.vector_store %swap3A_508[%swap3A_509, %swap3A_510], %swap3A_513 {strides = array<i32>} : memref<128x128xf32, #tpu.memory_space<vmem>>, vector<1x16xf32>,
            %mul3A_514 = arith.constant 16 : i32
            %mul3A_515 = arith.muli %scan3A_344, %mul3A_514 : i32
            %add3A_516 = arith.constant 4 : i32
            %add3A_517 = arith.addi %mul3A_515, %add3A_516 : i32
            %swap3A_518 = arith.constant 0 : i32
            %swap3A_519 = arith.constant 0 : i32
            %swap3A_520 = tpu.memref_slice %arg6[%rem3A_216, %swap3A_518, %swap3A_519] : memref<7x128x128xf32, #tpu.memory_space<vmem>> -> memref<1x128x128xf32, #tpu.memory_space<vmem>>
            %swap3A_521 = tpu.memref_squeeze %swap3A_520 : memref<1x128x128xf32, #tpu.memory_space<vmem>> -> memref<128x128xf32, #tpu.memory_space<vmem>>
            %swap3A_522 = arith.index_cast %add3A_517 : i32 to index
            %swap3A_523 = arith.constant 64 : index
            %swap3A_524 = tpu.vector_load %swap3A_521[%swap3A_522, %swap3A_523] {strides = array<i32>} : memref<128x128xf32, #tpu.memory_space<vmem>>, vector<1x16xf32>,
            %swap3A_525 = vector.shape_cast %swap3A_524 : vector<1x16xf32> to vector<16xf32>
            %swap3A_526 = vector.shape_cast %broadcast_in_dim3A_3 : vector<16xf32> to vector<1x16xf32>
            tpu.vector_store %swap3A_521[%swap3A_522, %swap3A_523], %swap3A_526 {strides = array<i32>} : memref<128x128xf32, #tpu.memory_space<vmem>>, vector<1x16xf32>,
            %mul3A_527 = arith.constant 16 : i32
            %mul3A_528 = arith.muli %scan3A_344, %mul3A_527 : i32
            %add3A_529 = arith.constant 4 : i32
            %add3A_530 = arith.addi %mul3A_528, %add3A_529 : i32
            %swap3A_531 = arith.constant 0 : i32
            %swap3A_532 = arith.constant 0 : i32
            %swap3A_533 = tpu.memref_slice %arg6[%rem3A_216, %swap3A_531, %swap3A_532] : memref<7x128x128xf32, #tpu.memory_space<vmem>> -> memref<1x128x128xf32, #tpu.memory_space<vmem>>
            %swap3A_534 = tpu.memref_squeeze %swap3A_533 : memref<1x128x128xf32, #tpu.memory_space<vmem>> -> memref<128x128xf32, #tpu.memory_space<vmem>>
            %swap3A_535 = arith.index_cast %add3A_530 : i32 to index
            %swap3A_536 = arith.constant 80 : index
            %swap3A_537 = tpu.vector_load %swap3A_534[%swap3A_535, %swap3A_536] {strides = array<i32>} : memref<128x128xf32, #tpu.memory_space<vmem>>, vector<1x16xf32>,
            %swap3A_538 = vector.shape_cast %swap3A_537 : vector<1x16xf32> to vector<16xf32>
            %swap3A_539 = vector.shape_cast %broadcast_in_dim3A_3 : vector<16xf32> to vector<1x16xf32>
            tpu.vector_store %swap3A_534[%swap3A_535, %swap3A_536], %swap3A_539 {strides = array<i32>} : memref<128x128xf32, #tpu.memory_space<vmem>>, vector<1x16xf32>,
            %mul3A_540 = arith.constant 16 : i32
            %mul3A_541 = arith.muli %scan3A_344, %mul3A_540 : i32
            %add3A_542 = arith.constant 4 : i32
            %add3A_543 = arith.addi %mul3A_541, %add3A_542 : i32
            %swap3A_544 = arith.constant 0 : i32
            %swap3A_545 = arith.constant 0 : i32
            %swap3A_546 = tpu.memref_slice %arg6[%rem3A_216, %swap3A_544, %swap3A_545] : memref<7x128x128xf32, #tpu.memory_space<vmem>> -> memref<1x128x128xf32, #tpu.memory_space<vmem>>
            %swap3A_547 = tpu.memref_squeeze %swap3A_546 : memref<1x128x128xf32, #tpu.memory_space<vmem>> -> memref<128x128xf32, #tpu.memory_space<vmem>>
            %swap3A_548 = arith.index_cast %add3A_543 : i32 to index
            %swap3A_549 = arith.constant 96 : index
            %swap3A_550 = tpu.vector_load %swap3A_547[%swap3A_548, %swap3A_549] {strides = array<i32>} : memref<128x128xf32, #tpu.memory_space<vmem>>, vector<1x16xf32>,
            %swap3A_551 = vector.shape_cast %swap3A_550 : vector<1x16xf32> to vector<16xf32>
            %swap3A_552 = vector.shape_cast %broadcast_in_dim3A_3 : vector<16xf32> to vector<1x16xf32>
            tpu.vector_store %swap3A_547[%swap3A_548, %swap3A_549], %swap3A_552 {strides = array<i32>} : memref<128x128xf32, #tpu.memory_space<vmem>>, vector<1x16xf32>,
            %mul3A_553 = arith.constant 16 : i32
            %mul3A_554 = arith.muli %scan3A_344, %mul3A_553 : i32
            %add3A_555 = arith.constant 4 : i32
            %add3A_556 = arith.addi %mul3A_554, %add3A_555 : i32
            %swap3A_557 = arith.constant 0 : i32
            %swap3A_558 = arith.constant 0 : i32
            %swap3A_559 = tpu.memref_slice %arg6[%rem3A_216, %swap3A_557, %swap3A_558] : memref<7x128x128xf32, #tpu.memory_space<vmem>> -> memref<1x128x128xf32, #tpu.memory_space<vmem>>
            %swap3A_560 = tpu.memref_squeeze %swap3A_559 : memref<1x128x128xf32, #tpu.memory_space<vmem>> -> memref<128x128xf32, #tpu.memory_space<vmem>>
            %swap3A_561 = arith.index_cast %add3A_556 : i32 to index
            %swap3A_562 = arith.constant 112 : index
            %swap3A_563 = tpu.vector_load %swap3A_560[%swap3A_561, %swap3A_562] {strides = array<i32>} : memref<128x128xf32, #tpu.memory_space<vmem>>, vector<1x16xf32>,
            %swap3A_564 = vector.shape_cast %swap3A_563 : vector<1x16xf32> to vector<16xf32>
            %swap3A_565 = vector.shape_cast %broadcast_in_dim3A_3 : vector<16xf32> to vector<1x16xf32>
            tpu.vector_store %swap3A_560[%swap3A_561, %swap3A_562], %swap3A_565 {strides = array<i32>} : memref<128x128xf32, #tpu.memory_space<vmem>>, vector<1x16xf32>,
          } else {
          }
          %slice3A_386 = vector.extract_strided_slice %get3A_350 {offsets = [5], sizes = [1], strides = [1]} : vector<16xi32> to vector<1xi32>
          %squeeze3A_387 = vector.extract %slice3A_386[0] : i32 from vector<1xi32>
          %eq3A_388 = arith.constant 0 : i32
          %eq3A_389 = arith.cmpi eq, %squeeze3A_387, %eq3A_388 : i32
          %convert_element_type3A_390 = arith.extui %eq3A_389 : i1 to i32
          %cond3A_391 = arith.constant 0 : i32
          %cond3A_392 = arith.cmpi ne, %convert_element_type3A_390, %cond3A_391 : i32
          scf.if %cond3A_392 {
            %mul3A_463 = arith.constant 16 : i32
            %mul3A_464 = arith.muli %scan3A_344, %mul3A_463 : i32
            %add3A_465 = arith.constant 5 : i32
            %add3A_466 = arith.addi %mul3A_464, %add3A_465 : i32
            %swap3A = arith.constant 0 : i32
            %swap3A_467 = arith.constant 0 : i32
            %swap3A_468 = tpu.memref_slice %arg6[%rem3A_216, %swap3A, %swap3A_467] : memref<7x128x128xf32, #tpu.memory_space<vmem>> -> memref<1x128x128xf32, #tpu.memory_space<vmem>>
            %swap3A_469 = tpu.memref_squeeze %swap3A_468 : memref<1x128x128xf32, #tpu.memory_space<vmem>> -> memref<128x128xf32, #tpu.memory_space<vmem>>
            %swap3A_470 = arith.index_cast %add3A_466 : i32 to index
            %swap3A_471 = arith.constant 0 : index
            %swap3A_472 = tpu.vector_load %swap3A_469[%swap3A_470, %swap3A_471] {strides = array<i32>} : memref<128x128xf32, #tpu.memory_space<vmem>>, vector<1x16xf32>,
            %swap3A_473 = vector.shape_cast %swap3A_472 : vector<1x16xf32> to vector<16xf32>
            %swap3A_474 = vector.shape_cast %broadcast_in_dim3A_3 : vector<16xf32> to vector<1x16xf32>
            tpu.vector_store %swap3A_469[%swap3A_470, %swap3A_471], %swap3A_474 {strides = array<i32>} : memref<128x128xf32, #tpu.memory_space<vmem>>, vector<1x16xf32>,
            %mul3A_475 = arith.constant 16 : i32
            %mul3A_476 = arith.muli %scan3A_344, %mul3A_475 : i32
            %add3A_477 = arith.constant 5 : i32
            %add3A_478 = arith.addi %mul3A_476, %add3A_477 : i32
            %swap3A_479 = arith.constant 0 : i32
            %swap3A_480 = arith.constant 0 : i32
            %swap3A_481 = tpu.memref_slice %arg6[%rem3A_216, %swap3A_479, %swap3A_480] : memref<7x128x128xf32, #tpu.memory_space<vmem>> -> memref<1x128x128xf32, #tpu.memory_space<vmem>>
            %swap3A_482 = tpu.memref_squeeze %swap3A_481 : memref<1x128x128xf32, #tpu.memory_space<vmem>> -> memref<128x128xf32, #tpu.memory_space<vmem>>
            %swap3A_483 = arith.index_cast %add3A_478 : i32 to index
            %swap3A_484 = arith.constant 16 : index
            %swap3A_485 = tpu.vector_load %swap3A_482[%swap3A_483, %swap3A_484] {strides = array<i32>} : memref<128x128xf32, #tpu.memory_space<vmem>>, vector<1x16xf32>,
            %swap3A_486 = vector.shape_cast %swap3A_485 : vector<1x16xf32> to vector<16xf32>
            %swap3A_487 = vector.shape_cast %broadcast_in_dim3A_3 : vector<16xf32> to vector<1x16xf32>
            tpu.vector_store %swap3A_482[%swap3A_483, %swap3A_484], %swap3A_487 {strides = array<i32>} : memref<128x128xf32, #tpu.memory_space<vmem>>, vector<1x16xf32>,
            %mul3A_488 = arith.constant 16 : i32
            %mul3A_489 = arith.muli %scan3A_344, %mul3A_488 : i32
            %add3A_490 = arith.constant 5 : i32
            %add3A_491 = arith.addi %mul3A_489, %add3A_490 : i32
            %swap3A_492 = arith.constant 0 : i32
            %swap3A_493 = arith.constant 0 : i32
            %swap3A_494 = tpu.memref_slice %arg6[%rem3A_216, %swap3A_492, %swap3A_493] : memref<7x128x128xf32, #tpu.memory_space<vmem>> -> memref<1x128x128xf32, #tpu.memory_space<vmem>>
            %swap3A_495 = tpu.memref_squeeze %swap3A_494 : memref<1x128x128xf32, #tpu.memory_space<vmem>> -> memref<128x128xf32, #tpu.memory_space<vmem>>
            %swap3A_496 = arith.index_cast %add3A_491 : i32 to index
            %swap3A_497 = arith.constant 32 : index
            %swap3A_498 = tpu.vector_load %swap3A_495[%swap3A_496, %swap3A_497] {strides = array<i32>} : memref<128x128xf32, #tpu.memory_space<vmem>>, vector<1x16xf32>,
            %swap3A_499 = vector.shape_cast %swap3A_498 : vector<1x16xf32> to vector<16xf32>
            %swap3A_500 = vector.shape_cast %broadcast_in_dim3A_3 : vector<16xf32> to vector<1x16xf32>
            tpu.vector_store %swap3A_495[%swap3A_496, %swap3A_497], %swap3A_500 {strides = array<i32>} : memref<128x128xf32, #tpu.memory_space<vmem>>, vector<1x16xf32>,
            %mul3A_501 = arith.constant 16 : i32
            %mul3A_502 = arith.muli %scan3A_344, %mul3A_501 : i32
            %add3A_503 = arith.constant 5 : i32
            %add3A_504 = arith.addi %mul3A_502, %add3A_503 : i32
            %swap3A_505 = arith.constant 0 : i32
            %swap3A_506 = arith.constant 0 : i32
            %swap3A_507 = tpu.memref_slice %arg6[%rem3A_216, %swap3A_505, %swap3A_506] : memref<7x128x128xf32, #tpu.memory_space<vmem>> -> memref<1x128x128xf32, #tpu.memory_space<vmem>>
            %swap3A_508 = tpu.memref_squeeze %swap3A_507 : memref<1x128x128xf32, #tpu.memory_space<vmem>> -> memref<128x128xf32, #tpu.memory_space<vmem>>
            %swap3A_509 = arith.index_cast %add3A_504 : i32 to index
            %swap3A_510 = arith.constant 48 : index
            %swap3A_511 = tpu.vector_load %swap3A_508[%swap3A_509, %swap3A_510] {strides = array<i32>} : memref<128x128xf32, #tpu.memory_space<vmem>>, vector<1x16xf32>,
            %swap3A_512 = vector.shape_cast %swap3A_511 : vector<1x16xf32> to vector<16xf32>
            %swap3A_513 = vector.shape_cast %broadcast_in_dim3A_3 : vector<16xf32> to vector<1x16xf32>
            tpu.vector_store %swap3A_508[%swap3A_509, %swap3A_510], %swap3A_513 {strides = array<i32>} : memref<128x128xf32, #tpu.memory_space<vmem>>, vector<1x16xf32>,
            %mul3A_514 = arith.constant 16 : i32
            %mul3A_515 = arith.muli %scan3A_344, %mul3A_514 : i32
            %add3A_516 = arith.constant 5 : i32
            %add3A_517 = arith.addi %mul3A_515, %add3A_516 : i32
            %swap3A_518 = arith.constant 0 : i32
            %swap3A_519 = arith.constant 0 : i32
            %swap3A_520 = tpu.memref_slice %arg6[%rem3A_216, %swap3A_518, %swap3A_519] : memref<7x128x128xf32, #tpu.memory_space<vmem>> -> memref<1x128x128xf32, #tpu.memory_space<vmem>>
            %swap3A_521 = tpu.memref_squeeze %swap3A_520 : memref<1x128x128xf32, #tpu.memory_space<vmem>> -> memref<128x128xf32, #tpu.memory_space<vmem>>
            %swap3A_522 = arith.index_cast %add3A_517 : i32 to index
            %swap3A_523 = arith.constant 64 : index
            %swap3A_524 = tpu.vector_load %swap3A_521[%swap3A_522, %swap3A_523] {strides = array<i32>} : memref<128x128xf32, #tpu.memory_space<vmem>>, vector<1x16xf32>,
            %swap3A_525 = vector.shape_cast %swap3A_524 : vector<1x16xf32> to vector<16xf32>
            %swap3A_526 = vector.shape_cast %broadcast_in_dim3A_3 : vector<16xf32> to vector<1x16xf32>
            tpu.vector_store %swap3A_521[%swap3A_522, %swap3A_523], %swap3A_526 {strides = array<i32>} : memref<128x128xf32, #tpu.memory_space<vmem>>, vector<1x16xf32>,
            %mul3A_527 = arith.constant 16 : i32
            %mul3A_528 = arith.muli %scan3A_344, %mul3A_527 : i32
            %add3A_529 = arith.constant 5 : i32
            %add3A_530 = arith.addi %mul3A_528, %add3A_529 : i32
            %swap3A_531 = arith.constant 0 : i32
            %swap3A_532 = arith.constant 0 : i32
            %swap3A_533 = tpu.memref_slice %arg6[%rem3A_216, %swap3A_531, %swap3A_532] : memref<7x128x128xf32, #tpu.memory_space<vmem>> -> memref<1x128x128xf32, #tpu.memory_space<vmem>>
            %swap3A_534 = tpu.memref_squeeze %swap3A_533 : memref<1x128x128xf32, #tpu.memory_space<vmem>> -> memref<128x128xf32, #tpu.memory_space<vmem>>
            %swap3A_535 = arith.index_cast %add3A_530 : i32 to index
            %swap3A_536 = arith.constant 80 : index
            %swap3A_537 = tpu.vector_load %swap3A_534[%swap3A_535, %swap3A_536] {strides = array<i32>} : memref<128x128xf32, #tpu.memory_space<vmem>>, vector<1x16xf32>,
            %swap3A_538 = vector.shape_cast %swap3A_537 : vector<1x16xf32> to vector<16xf32>
            %swap3A_539 = vector.shape_cast %broadcast_in_dim3A_3 : vector<16xf32> to vector<1x16xf32>
            tpu.vector_store %swap3A_534[%swap3A_535, %swap3A_536], %swap3A_539 {strides = array<i32>} : memref<128x128xf32, #tpu.memory_space<vmem>>, vector<1x16xf32>,
            %mul3A_540 = arith.constant 16 : i32
            %mul3A_541 = arith.muli %scan3A_344, %mul3A_540 : i32
            %add3A_542 = arith.constant 5 : i32
            %add3A_543 = arith.addi %mul3A_541, %add3A_542 : i32
            %swap3A_544 = arith.constant 0 : i32
            %swap3A_545 = arith.constant 0 : i32
            %swap3A_546 = tpu.memref_slice %arg6[%rem3A_216, %swap3A_544, %swap3A_545] : memref<7x128x128xf32, #tpu.memory_space<vmem>> -> memref<1x128x128xf32, #tpu.memory_space<vmem>>
            %swap3A_547 = tpu.memref_squeeze %swap3A_546 : memref<1x128x128xf32, #tpu.memory_space<vmem>> -> memref<128x128xf32, #tpu.memory_space<vmem>>
            %swap3A_548 = arith.index_cast %add3A_543 : i32 to index
            %swap3A_549 = arith.constant 96 : index
            %swap3A_550 = tpu.vector_load %swap3A_547[%swap3A_548, %swap3A_549] {strides = array<i32>} : memref<128x128xf32, #tpu.memory_space<vmem>>, vector<1x16xf32>,
            %swap3A_551 = vector.shape_cast %swap3A_550 : vector<1x16xf32> to vector<16xf32>
            %swap3A_552 = vector.shape_cast %broadcast_in_dim3A_3 : vector<16xf32> to vector<1x16xf32>
            tpu.vector_store %swap3A_547[%swap3A_548, %swap3A_549], %swap3A_552 {strides = array<i32>} : memref<128x128xf32, #tpu.memory_space<vmem>>, vector<1x16xf32>,
            %mul3A_553 = arith.constant 16 : i32
            %mul3A_554 = arith.muli %scan3A_344, %mul3A_553 : i32
            %add3A_555 = arith.constant 5 : i32
            %add3A_556 = arith.addi %mul3A_554, %add3A_555 : i32
            %swap3A_557 = arith.constant 0 : i32
            %swap3A_558 = arith.constant 0 : i32
            %swap3A_559 = tpu.memref_slice %arg6[%rem3A_216, %swap3A_557, %swap3A_558] : memref<7x128x128xf32, #tpu.memory_space<vmem>> -> memref<1x128x128xf32, #tpu.memory_space<vmem>>
            %swap3A_560 = tpu.memref_squeeze %swap3A_559 : memref<1x128x128xf32, #tpu.memory_space<vmem>> -> memref<128x128xf32, #tpu.memory_space<vmem>>
            %swap3A_561 = arith.index_cast %add3A_556 : i32 to index
            %swap3A_562 = arith.constant 112 : index
            %swap3A_563 = tpu.vector_load %swap3A_560[%swap3A_561, %swap3A_562] {strides = array<i32>} : memref<128x128xf32, #tpu.memory_space<vmem>>, vector<1x16xf32>,
            %swap3A_564 = vector.shape_cast %swap3A_563 : vector<1x16xf32> to vector<16xf32>
            %swap3A_565 = vector.shape_cast %broadcast_in_dim3A_3 : vector<16xf32> to vector<1x16xf32>
            tpu.vector_store %swap3A_560[%swap3A_561, %swap3A_562], %swap3A_565 {strides = array<i32>} : memref<128x128xf32, #tpu.memory_space<vmem>>, vector<1x16xf32>,
          } else {
          }
          %slice3A_393 = vector.extract_strided_slice %get3A_350 {offsets = [6], sizes = [1], strides = [1]} : vector<16xi32> to vector<1xi32>
          %squeeze3A_394 = vector.extract %slice3A_393[0] : i32 from vector<1xi32>
          %eq3A_395 = arith.constant 0 : i32
          %eq3A_396 = arith.cmpi eq, %squeeze3A_394, %eq3A_395 : i32
          %convert_element_type3A_397 = arith.extui %eq3A_396 : i1 to i32
          %cond3A_398 = arith.constant 0 : i32
          %cond3A_399 = arith.cmpi ne, %convert_element_type3A_397, %cond3A_398 : i32
          scf.if %cond3A_399 {
            %mul3A_463 = arith.constant 16 : i32
            %mul3A_464 = arith.muli %scan3A_344, %mul3A_463 : i32
            %add3A_465 = arith.constant 6 : i32
            %add3A_466 = arith.addi %mul3A_464, %add3A_465 : i32
            %swap3A = arith.constant 0 : i32
            %swap3A_467 = arith.constant 0 : i32
            %swap3A_468 = tpu.memref_slice %arg6[%rem3A_216, %swap3A, %swap3A_467] : memref<7x128x128xf32, #tpu.memory_space<vmem>> -> memref<1x128x128xf32, #tpu.memory_space<vmem>>
            %swap3A_469 = tpu.memref_squeeze %swap3A_468 : memref<1x128x128xf32, #tpu.memory_space<vmem>> -> memref<128x128xf32, #tpu.memory_space<vmem>>
            %swap3A_470 = arith.index_cast %add3A_466 : i32 to index
            %swap3A_471 = arith.constant 0 : index
            %swap3A_472 = tpu.vector_load %swap3A_469[%swap3A_470, %swap3A_471] {strides = array<i32>} : memref<128x128xf32, #tpu.memory_space<vmem>>, vector<1x16xf32>,
            %swap3A_473 = vector.shape_cast %swap3A_472 : vector<1x16xf32> to vector<16xf32>
            %swap3A_474 = vector.shape_cast %broadcast_in_dim3A_3 : vector<16xf32> to vector<1x16xf32>
            tpu.vector_store %swap3A_469[%swap3A_470, %swap3A_471], %swap3A_474 {strides = array<i32>} : memref<128x128xf32, #tpu.memory_space<vmem>>, vector<1x16xf32>,
            %mul3A_475 = arith.constant 16 : i32
            %mul3A_476 = arith.muli %scan3A_344, %mul3A_475 : i32
            %add3A_477 = arith.constant 6 : i32
            %add3A_478 = arith.addi %mul3A_476, %add3A_477 : i32
            %swap3A_479 = arith.constant 0 : i32
            %swap3A_480 = arith.constant 0 : i32
            %swap3A_481 = tpu.memref_slice %arg6[%rem3A_216, %swap3A_479, %swap3A_480] : memref<7x128x128xf32, #tpu.memory_space<vmem>> -> memref<1x128x128xf32, #tpu.memory_space<vmem>>
            %swap3A_482 = tpu.memref_squeeze %swap3A_481 : memref<1x128x128xf32, #tpu.memory_space<vmem>> -> memref<128x128xf32, #tpu.memory_space<vmem>>
            %swap3A_483 = arith.index_cast %add3A_478 : i32 to index
            %swap3A_484 = arith.constant 16 : index
            %swap3A_485 = tpu.vector_load %swap3A_482[%swap3A_483, %swap3A_484] {strides = array<i32>} : memref<128x128xf32, #tpu.memory_space<vmem>>, vector<1x16xf32>,
            %swap3A_486 = vector.shape_cast %swap3A_485 : vector<1x16xf32> to vector<16xf32>
            %swap3A_487 = vector.shape_cast %broadcast_in_dim3A_3 : vector<16xf32> to vector<1x16xf32>
            tpu.vector_store %swap3A_482[%swap3A_483, %swap3A_484], %swap3A_487 {strides = array<i32>} : memref<128x128xf32, #tpu.memory_space<vmem>>, vector<1x16xf32>,
            %mul3A_488 = arith.constant 16 : i32
            %mul3A_489 = arith.muli %scan3A_344, %mul3A_488 : i32
            %add3A_490 = arith.constant 6 : i32
            %add3A_491 = arith.addi %mul3A_489, %add3A_490 : i32
            %swap3A_492 = arith.constant 0 : i32
            %swap3A_493 = arith.constant 0 : i32
            %swap3A_494 = tpu.memref_slice %arg6[%rem3A_216, %swap3A_492, %swap3A_493] : memref<7x128x128xf32, #tpu.memory_space<vmem>> -> memref<1x128x128xf32, #tpu.memory_space<vmem>>
            %swap3A_495 = tpu.memref_squeeze %swap3A_494 : memref<1x128x128xf32, #tpu.memory_space<vmem>> -> memref<128x128xf32, #tpu.memory_space<vmem>>
            %swap3A_496 = arith.index_cast %add3A_491 : i32 to index
            %swap3A_497 = arith.constant 32 : index
            %swap3A_498 = tpu.vector_load %swap3A_495[%swap3A_496, %swap3A_497] {strides = array<i32>} : memref<128x128xf32, #tpu.memory_space<vmem>>, vector<1x16xf32>,
            %swap3A_499 = vector.shape_cast %swap3A_498 : vector<1x16xf32> to vector<16xf32>
            %swap3A_500 = vector.shape_cast %broadcast_in_dim3A_3 : vector<16xf32> to vector<1x16xf32>
            tpu.vector_store %swap3A_495[%swap3A_496, %swap3A_497], %swap3A_500 {strides = array<i32>} : memref<128x128xf32, #tpu.memory_space<vmem>>, vector<1x16xf32>,
            %mul3A_501 = arith.constant 16 : i32
            %mul3A_502 = arith.muli %scan3A_344, %mul3A_501 : i32
            %add3A_503 = arith.constant 6 : i32
            %add3A_504 = arith.addi %mul3A_502, %add3A_503 : i32
            %swap3A_505 = arith.constant 0 : i32
            %swap3A_506 = arith.constant 0 : i32
            %swap3A_507 = tpu.memref_slice %arg6[%rem3A_216, %swap3A_505, %swap3A_506] : memref<7x128x128xf32, #tpu.memory_space<vmem>> -> memref<1x128x128xf32, #tpu.memory_space<vmem>>
            %swap3A_508 = tpu.memref_squeeze %swap3A_507 : memref<1x128x128xf32, #tpu.memory_space<vmem>> -> memref<128x128xf32, #tpu.memory_space<vmem>>
            %swap3A_509 = arith.index_cast %add3A_504 : i32 to index
            %swap3A_510 = arith.constant 48 : index
            %swap3A_511 = tpu.vector_load %swap3A_508[%swap3A_509, %swap3A_510] {strides = array<i32>} : memref<128x128xf32, #tpu.memory_space<vmem>>, vector<1x16xf32>,
            %swap3A_512 = vector.shape_cast %swap3A_511 : vector<1x16xf32> to vector<16xf32>
            %swap3A_513 = vector.shape_cast %broadcast_in_dim3A_3 : vector<16xf32> to vector<1x16xf32>
            tpu.vector_store %swap3A_508[%swap3A_509, %swap3A_510], %swap3A_513 {strides = array<i32>} : memref<128x128xf32, #tpu.memory_space<vmem>>, vector<1x16xf32>,
            %mul3A_514 = arith.constant 16 : i32
            %mul3A_515 = arith.muli %scan3A_344, %mul3A_514 : i32
            %add3A_516 = arith.constant 6 : i32
            %add3A_517 = arith.addi %mul3A_515, %add3A_516 : i32
            %swap3A_518 = arith.constant 0 : i32
            %swap3A_519 = arith.constant 0 : i32
            %swap3A_520 = tpu.memref_slice %arg6[%rem3A_216, %swap3A_518, %swap3A_519] : memref<7x128x128xf32, #tpu.memory_space<vmem>> -> memref<1x128x128xf32, #tpu.memory_space<vmem>>
            %swap3A_521 = tpu.memref_squeeze %swap3A_520 : memref<1x128x128xf32, #tpu.memory_space<vmem>> -> memref<128x128xf32, #tpu.memory_space<vmem>>
            %swap3A_522 = arith.index_cast %add3A_517 : i32 to index
            %swap3A_523 = arith.constant 64 : index
            %swap3A_524 = tpu.vector_load %swap3A_521[%swap3A_522, %swap3A_523] {strides = array<i32>} : memref<128x128xf32, #tpu.memory_space<vmem>>, vector<1x16xf32>,
            %swap3A_525 = vector.shape_cast %swap3A_524 : vector<1x16xf32> to vector<16xf32>
            %swap3A_526 = vector.shape_cast %broadcast_in_dim3A_3 : vector<16xf32> to vector<1x16xf32>
            tpu.vector_store %swap3A_521[%swap3A_522, %swap3A_523], %swap3A_526 {strides = array<i32>} : memref<128x128xf32, #tpu.memory_space<vmem>>, vector<1x16xf32>,
            %mul3A_527 = arith.constant 16 : i32
            %mul3A_528 = arith.muli %scan3A_344, %mul3A_527 : i32
            %add3A_529 = arith.constant 6 : i32
            %add3A_530 = arith.addi %mul3A_528, %add3A_529 : i32
            %swap3A_531 = arith.constant 0 : i32
            %swap3A_532 = arith.constant 0 : i32
            %swap3A_533 = tpu.memref_slice %arg6[%rem3A_216, %swap3A_531, %swap3A_532] : memref<7x128x128xf32, #tpu.memory_space<vmem>> -> memref<1x128x128xf32, #tpu.memory_space<vmem>>
            %swap3A_534 = tpu.memref_squeeze %swap3A_533 : memref<1x128x128xf32, #tpu.memory_space<vmem>> -> memref<128x128xf32, #tpu.memory_space<vmem>>
            %swap3A_535 = arith.index_cast %add3A_530 : i32 to index
            %swap3A_536 = arith.constant 80 : index
            %swap3A_537 = tpu.vector_load %swap3A_534[%swap3A_535, %swap3A_536] {strides = array<i32>} : memref<128x128xf32, #tpu.memory_space<vmem>>, vector<1x16xf32>,
            %swap3A_538 = vector.shape_cast %swap3A_537 : vector<1x16xf32> to vector<16xf32>
            %swap3A_539 = vector.shape_cast %broadcast_in_dim3A_3 : vector<16xf32> to vector<1x16xf32>
            tpu.vector_store %swap3A_534[%swap3A_535, %swap3A_536], %swap3A_539 {strides = array<i32>} : memref<128x128xf32, #tpu.memory_space<vmem>>, vector<1x16xf32>,
            %mul3A_540 = arith.constant 16 : i32
            %mul3A_541 = arith.muli %scan3A_344, %mul3A_540 : i32
            %add3A_542 = arith.constant 6 : i32
            %add3A_543 = arith.addi %mul3A_541, %add3A_542 : i32
            %swap3A_544 = arith.constant 0 : i32
            %swap3A_545 = arith.constant 0 : i32
            %swap3A_546 = tpu.memref_slice %arg6[%rem3A_216, %swap3A_544, %swap3A_545] : memref<7x128x128xf32, #tpu.memory_space<vmem>> -> memref<1x128x128xf32, #tpu.memory_space<vmem>>
            %swap3A_547 = tpu.memref_squeeze %swap3A_546 : memref<1x128x128xf32, #tpu.memory_space<vmem>> -> memref<128x128xf32, #tpu.memory_space<vmem>>
            %swap3A_548 = arith.index_cast %add3A_543 : i32 to index
            %swap3A_549 = arith.constant 96 : index
            %swap3A_550 = tpu.vector_load %swap3A_547[%swap3A_548, %swap3A_549] {strides = array<i32>} : memref<128x128xf32, #tpu.memory_space<vmem>>, vector<1x16xf32>,
            %swap3A_551 = vector.shape_cast %swap3A_550 : vector<1x16xf32> to vector<16xf32>
            %swap3A_552 = vector.shape_cast %broadcast_in_dim3A_3 : vector<16xf32> to vector<1x16xf32>
            tpu.vector_store %swap3A_547[%swap3A_548, %swap3A_549], %swap3A_552 {strides = array<i32>} : memref<128x128xf32, #tpu.memory_space<vmem>>, vector<1x16xf32>,
            %mul3A_553 = arith.constant 16 : i32
            %mul3A_554 = arith.muli %scan3A_344, %mul3A_553 : i32
            %add3A_555 = arith.constant 6 : i32
            %add3A_556 = arith.addi %mul3A_554, %add3A_555 : i32
            %swap3A_557 = arith.constant 0 : i32
            %swap3A_558 = arith.constant 0 : i32
            %swap3A_559 = tpu.memref_slice %arg6[%rem3A_216, %swap3A_557, %swap3A_558] : memref<7x128x128xf32, #tpu.memory_space<vmem>> -> memref<1x128x128xf32, #tpu.memory_space<vmem>>
            %swap3A_560 = tpu.memref_squeeze %swap3A_559 : memref<1x128x128xf32, #tpu.memory_space<vmem>> -> memref<128x128xf32, #tpu.memory_space<vmem>>
            %swap3A_561 = arith.index_cast %add3A_556 : i32 to index
            %swap3A_562 = arith.constant 112 : index
            %swap3A_563 = tpu.vector_load %swap3A_560[%swap3A_561, %swap3A_562] {strides = array<i32>} : memref<128x128xf32, #tpu.memory_space<vmem>>, vector<1x16xf32>,
            %swap3A_564 = vector.shape_cast %swap3A_563 : vector<1x16xf32> to vector<16xf32>
            %swap3A_565 = vector.shape_cast %broadcast_in_dim3A_3 : vector<16xf32> to vector<1x16xf32>
            tpu.vector_store %swap3A_560[%swap3A_561, %swap3A_562], %swap3A_565 {strides = array<i32>} : memref<128x128xf32, #tpu.memory_space<vmem>>, vector<1x16xf32>,
          } else {
          }
          %slice3A_400 = vector.extract_strided_slice %get3A_350 {offsets = [7], sizes = [1], strides = [1]} : vector<16xi32> to vector<1xi32>
          %squeeze3A_401 = vector.extract %slice3A_400[0] : i32 from vector<1xi32>
          %eq3A_402 = arith.constant 0 : i32
          %eq3A_403 = arith.cmpi eq, %squeeze3A_401, %eq3A_402 : i32
          %convert_element_type3A_404 = arith.extui %eq3A_403 : i1 to i32
          %cond3A_405 = arith.constant 0 : i32
          %cond3A_406 = arith.cmpi ne, %convert_element_type3A_404, %cond3A_405 : i32
          scf.if %cond3A_406 {
            %mul3A_463 = arith.constant 16 : i32
            %mul3A_464 = arith.muli %scan3A_344, %mul3A_463 : i32
            %add3A_465 = arith.constant 7 : i32
            %add3A_466 = arith.addi %mul3A_464, %add3A_465 : i32
            %swap3A = arith.constant 0 : i32
            %swap3A_467 = arith.constant 0 : i32
            %swap3A_468 = tpu.memref_slice %arg6[%rem3A_216, %swap3A, %swap3A_467] : memref<7x128x128xf32, #tpu.memory_space<vmem>> -> memref<1x128x128xf32, #tpu.memory_space<vmem>>
            %swap3A_469 = tpu.memref_squeeze %swap3A_468 : memref<1x128x128xf32, #tpu.memory_space<vmem>> -> memref<128x128xf32, #tpu.memory_space<vmem>>
            %swap3A_470 = arith.index_cast %add3A_466 : i32 to index
            %swap3A_471 = arith.constant 0 : index
            %swap3A_472 = tpu.vector_load %swap3A_469[%swap3A_470, %swap3A_471] {strides = array<i32>} : memref<128x128xf32, #tpu.memory_space<vmem>>, vector<1x16xf32>,
            %swap3A_473 = vector.shape_cast %swap3A_472 : vector<1x16xf32> to vector<16xf32>
            %swap3A_474 = vector.shape_cast %broadcast_in_dim3A_3 : vector<16xf32> to vector<1x16xf32>
            tpu.vector_store %swap3A_469[%swap3A_470, %swap3A_471], %swap3A_474 {strides = array<i32>} : memref<128x128xf32, #tpu.memory_space<vmem>>, vector<1x16xf32>,
            %mul3A_475 = arith.constant 16 : i32
            %mul3A_476 = arith.muli %scan3A_344, %mul3A_475 : i32
            %add3A_477 = arith.constant 7 : i32
            %add3A_478 = arith.addi %mul3A_476, %add3A_477 : i32
            %swap3A_479 = arith.constant 0 : i32
            %swap3A_480 = arith.constant 0 : i32
            %swap3A_481 = tpu.memref_slice %arg6[%rem3A_216, %swap3A_479, %swap3A_480] : memref<7x128x128xf32, #tpu.memory_space<vmem>> -> memref<1x128x128xf32, #tpu.memory_space<vmem>>
            %swap3A_482 = tpu.memref_squeeze %swap3A_481 : memref<1x128x128xf32, #tpu.memory_space<vmem>> -> memref<128x128xf32, #tpu.memory_space<vmem>>
            %swap3A_483 = arith.index_cast %add3A_478 : i32 to index
            %swap3A_484 = arith.constant 16 : index
            %swap3A_485 = tpu.vector_load %swap3A_482[%swap3A_483, %swap3A_484] {strides = array<i32>} : memref<128x128xf32, #tpu.memory_space<vmem>>, vector<1x16xf32>,
            %swap3A_486 = vector.shape_cast %swap3A_485 : vector<1x16xf32> to vector<16xf32>
            %swap3A_487 = vector.shape_cast %broadcast_in_dim3A_3 : vector<16xf32> to vector<1x16xf32>
            tpu.vector_store %swap3A_482[%swap3A_483, %swap3A_484], %swap3A_487 {strides = array<i32>} : memref<128x128xf32, #tpu.memory_space<vmem>>, vector<1x16xf32>,
            %mul3A_488 = arith.constant 16 : i32
            %mul3A_489 = arith.muli %scan3A_344, %mul3A_488 : i32
            %add3A_490 = arith.constant 7 : i32
            %add3A_491 = arith.addi %mul3A_489, %add3A_490 : i32
            %swap3A_492 = arith.constant 0 : i32
            %swap3A_493 = arith.constant 0 : i32
            %swap3A_494 = tpu.memref_slice %arg6[%rem3A_216, %swap3A_492, %swap3A_493] : memref<7x128x128xf32, #tpu.memory_space<vmem>> -> memref<1x128x128xf32, #tpu.memory_space<vmem>>
            %swap3A_495 = tpu.memref_squeeze %swap3A_494 : memref<1x128x128xf32, #tpu.memory_space<vmem>> -> memref<128x128xf32, #tpu.memory_space<vmem>>
            %swap3A_496 = arith.index_cast %add3A_491 : i32 to index
            %swap3A_497 = arith.constant 32 : index
            %swap3A_498 = tpu.vector_load %swap3A_495[%swap3A_496, %swap3A_497] {strides = array<i32>} : memref<128x128xf32, #tpu.memory_space<vmem>>, vector<1x16xf32>,
            %swap3A_499 = vector.shape_cast %swap3A_498 : vector<1x16xf32> to vector<16xf32>
            %swap3A_500 = vector.shape_cast %broadcast_in_dim3A_3 : vector<16xf32> to vector<1x16xf32>
            tpu.vector_store %swap3A_495[%swap3A_496, %swap3A_497], %swap3A_500 {strides = array<i32>} : memref<128x128xf32, #tpu.memory_space<vmem>>, vector<1x16xf32>,
            %mul3A_501 = arith.constant 16 : i32
            %mul3A_502 = arith.muli %scan3A_344, %mul3A_501 : i32
            %add3A_503 = arith.constant 7 : i32
            %add3A_504 = arith.addi %mul3A_502, %add3A_503 : i32
            %swap3A_505 = arith.constant 0 : i32
            %swap3A_506 = arith.constant 0 : i32
            %swap3A_507 = tpu.memref_slice %arg6[%rem3A_216, %swap3A_505, %swap3A_506] : memref<7x128x128xf32, #tpu.memory_space<vmem>> -> memref<1x128x128xf32, #tpu.memory_space<vmem>>
            %swap3A_508 = tpu.memref_squeeze %swap3A_507 : memref<1x128x128xf32, #tpu.memory_space<vmem>> -> memref<128x128xf32, #tpu.memory_space<vmem>>
            %swap3A_509 = arith.index_cast %add3A_504 : i32 to index
            %swap3A_510 = arith.constant 48 : index
            %swap3A_511 = tpu.vector_load %swap3A_508[%swap3A_509, %swap3A_510] {strides = array<i32>} : memref<128x128xf32, #tpu.memory_space<vmem>>, vector<1x16xf32>,
            %swap3A_512 = vector.shape_cast %swap3A_511 : vector<1x16xf32> to vector<16xf32>
            %swap3A_513 = vector.shape_cast %broadcast_in_dim3A_3 : vector<16xf32> to vector<1x16xf32>
            tpu.vector_store %swap3A_508[%swap3A_509, %swap3A_510], %swap3A_513 {strides = array<i32>} : memref<128x128xf32, #tpu.memory_space<vmem>>, vector<1x16xf32>,
            %mul3A_514 = arith.constant 16 : i32
            %mul3A_515 = arith.muli %scan3A_344, %mul3A_514 : i32
            %add3A_516 = arith.constant 7 : i32
            %add3A_517 = arith.addi %mul3A_515, %add3A_516 : i32
            %swap3A_518 = arith.constant 0 : i32
            %swap3A_519 = arith.constant 0 : i32
            %swap3A_520 = tpu.memref_slice %arg6[%rem3A_216, %swap3A_518, %swap3A_519] : memref<7x128x128xf32, #tpu.memory_space<vmem>> -> memref<1x128x128xf32, #tpu.memory_space<vmem>>
            %swap3A_521 = tpu.memref_squeeze %swap3A_520 : memref<1x128x128xf32, #tpu.memory_space<vmem>> -> memref<128x128xf32, #tpu.memory_space<vmem>>
            %swap3A_522 = arith.index_cast %add3A_517 : i32 to index
            %swap3A_523 = arith.constant 64 : index
            %swap3A_524 = tpu.vector_load %swap3A_521[%swap3A_522, %swap3A_523] {strides = array<i32>} : memref<128x128xf32, #tpu.memory_space<vmem>>, vector<1x16xf32>,
            %swap3A_525 = vector.shape_cast %swap3A_524 : vector<1x16xf32> to vector<16xf32>
            %swap3A_526 = vector.shape_cast %broadcast_in_dim3A_3 : vector<16xf32> to vector<1x16xf32>
            tpu.vector_store %swap3A_521[%swap3A_522, %swap3A_523], %swap3A_526 {strides = array<i32>} : memref<128x128xf32, #tpu.memory_space<vmem>>, vector<1x16xf32>,
            %mul3A_527 = arith.constant 16 : i32
            %mul3A_528 = arith.muli %scan3A_344, %mul3A_527 : i32
            %add3A_529 = arith.constant 7 : i32
            %add3A_530 = arith.addi %mul3A_528, %add3A_529 : i32
            %swap3A_531 = arith.constant 0 : i32
            %swap3A_532 = arith.constant 0 : i32
            %swap3A_533 = tpu.memref_slice %arg6[%rem3A_216, %swap3A_531, %swap3A_532] : memref<7x128x128xf32, #tpu.memory_space<vmem>> -> memref<1x128x128xf32, #tpu.memory_space<vmem>>
            %swap3A_534 = tpu.memref_squeeze %swap3A_533 : memref<1x128x128xf32, #tpu.memory_space<vmem>> -> memref<128x128xf32, #tpu.memory_space<vmem>>
            %swap3A_535 = arith.index_cast %add3A_530 : i32 to index
            %swap3A_536 = arith.constant 80 : index
            %swap3A_537 = tpu.vector_load %swap3A_534[%swap3A_535, %swap3A_536] {strides = array<i32>} : memref<128x128xf32, #tpu.memory_space<vmem>>, vector<1x16xf32>,
            %swap3A_538 = vector.shape_cast %swap3A_537 : vector<1x16xf32> to vector<16xf32>
            %swap3A_539 = vector.shape_cast %broadcast_in_dim3A_3 : vector<16xf32> to vector<1x16xf32>
            tpu.vector_store %swap3A_534[%swap3A_535, %swap3A_536], %swap3A_539 {strides = array<i32>} : memref<128x128xf32, #tpu.memory_space<vmem>>, vector<1x16xf32>,
            %mul3A_540 = arith.constant 16 : i32
            %mul3A_541 = arith.muli %scan3A_344, %mul3A_540 : i32
            %add3A_542 = arith.constant 7 : i32
            %add3A_543 = arith.addi %mul3A_541, %add3A_542 : i32
            %swap3A_544 = arith.constant 0 : i32
            %swap3A_545 = arith.constant 0 : i32
            %swap3A_546 = tpu.memref_slice %arg6[%rem3A_216, %swap3A_544, %swap3A_545] : memref<7x128x128xf32, #tpu.memory_space<vmem>> -> memref<1x128x128xf32, #tpu.memory_space<vmem>>
            %swap3A_547 = tpu.memref_squeeze %swap3A_546 : memref<1x128x128xf32, #tpu.memory_space<vmem>> -> memref<128x128xf32, #tpu.memory_space<vmem>>
            %swap3A_548 = arith.index_cast %add3A_543 : i32 to index
            %swap3A_549 = arith.constant 96 : index
            %swap3A_550 = tpu.vector_load %swap3A_547[%swap3A_548, %swap3A_549] {strides = array<i32>} : memref<128x128xf32, #tpu.memory_space<vmem>>, vector<1x16xf32>,
            %swap3A_551 = vector.shape_cast %swap3A_550 : vector<1x16xf32> to vector<16xf32>
            %swap3A_552 = vector.shape_cast %broadcast_in_dim3A_3 : vector<16xf32> to vector<1x16xf32>
            tpu.vector_store %swap3A_547[%swap3A_548, %swap3A_549], %swap3A_552 {strides = array<i32>} : memref<128x128xf32, #tpu.memory_space<vmem>>, vector<1x16xf32>,
            %mul3A_553 = arith.constant 16 : i32
            %mul3A_554 = arith.muli %scan3A_344, %mul3A_553 : i32
            %add3A_555 = arith.constant 7 : i32
            %add3A_556 = arith.addi %mul3A_554, %add3A_555 : i32
            %swap3A_557 = arith.constant 0 : i32
            %swap3A_558 = arith.constant 0 : i32
            %swap3A_559 = tpu.memref_slice %arg6[%rem3A_216, %swap3A_557, %swap3A_558] : memref<7x128x128xf32, #tpu.memory_space<vmem>> -> memref<1x128x128xf32, #tpu.memory_space<vmem>>
            %swap3A_560 = tpu.memref_squeeze %swap3A_559 : memref<1x128x128xf32, #tpu.memory_space<vmem>> -> memref<128x128xf32, #tpu.memory_space<vmem>>
            %swap3A_561 = arith.index_cast %add3A_556 : i32 to index
            %swap3A_562 = arith.constant 112 : index
            %swap3A_563 = tpu.vector_load %swap3A_560[%swap3A_561, %swap3A_562] {strides = array<i32>} : memref<128x128xf32, #tpu.memory_space<vmem>>, vector<1x16xf32>,
            %swap3A_564 = vector.shape_cast %swap3A_563 : vector<1x16xf32> to vector<16xf32>
            %swap3A_565 = vector.shape_cast %broadcast_in_dim3A_3 : vector<16xf32> to vector<1x16xf32>
            tpu.vector_store %swap3A_560[%swap3A_561, %swap3A_562], %swap3A_565 {strides = array<i32>} : memref<128x128xf32, #tpu.memory_space<vmem>>, vector<1x16xf32>,
          } else {
          }
          %slice3A_407 = vector.extract_strided_slice %get3A_350 {offsets = [8], sizes = [1], strides = [1]} : vector<16xi32> to vector<1xi32>
          %squeeze3A_408 = vector.extract %slice3A_407[0] : i32 from vector<1xi32>
          %eq3A_409 = arith.constant 0 : i32
          %eq3A_410 = arith.cmpi eq, %squeeze3A_408, %eq3A_409 : i32
          %convert_element_type3A_411 = arith.extui %eq3A_410 : i1 to i32
          %cond3A_412 = arith.constant 0 : i32
          %cond3A_413 = arith.cmpi ne, %convert_element_type3A_411, %cond3A_412 : i32
          scf.if %cond3A_413 {
            %mul3A_463 = arith.constant 16 : i32
            %mul3A_464 = arith.muli %scan3A_344, %mul3A_463 : i32
            %add3A_465 = arith.constant 8 : i32
            %add3A_466 = arith.addi %mul3A_464, %add3A_465 : i32
            %swap3A = arith.constant 0 : i32
            %swap3A_467 = arith.constant 0 : i32
            %swap3A_468 = tpu.memref_slice %arg6[%rem3A_216, %swap3A, %swap3A_467] : memref<7x128x128xf32, #tpu.memory_space<vmem>> -> memref<1x128x128xf32, #tpu.memory_space<vmem>>
            %swap3A_469 = tpu.memref_squeeze %swap3A_468 : memref<1x128x128xf32, #tpu.memory_space<vmem>> -> memref<128x128xf32, #tpu.memory_space<vmem>>
            %swap3A_470 = arith.index_cast %add3A_466 : i32 to index
            %swap3A_471 = arith.constant 0 : index
            %swap3A_472 = tpu.vector_load %swap3A_469[%swap3A_470, %swap3A_471] {strides = array<i32>} : memref<128x128xf32, #tpu.memory_space<vmem>>, vector<1x16xf32>,
            %swap3A_473 = vector.shape_cast %swap3A_472 : vector<1x16xf32> to vector<16xf32>
            %swap3A_474 = vector.shape_cast %broadcast_in_dim3A_3 : vector<16xf32> to vector<1x16xf32>
            tpu.vector_store %swap3A_469[%swap3A_470, %swap3A_471], %swap3A_474 {strides = array<i32>} : memref<128x128xf32, #tpu.memory_space<vmem>>, vector<1x16xf32>,
            %mul3A_475 = arith.constant 16 : i32
            %mul3A_476 = arith.muli %scan3A_344, %mul3A_475 : i32
            %add3A_477 = arith.constant 8 : i32
            %add3A_478 = arith.addi %mul3A_476, %add3A_477 : i32
            %swap3A_479 = arith.constant 0 : i32
            %swap3A_480 = arith.constant 0 : i32
            %swap3A_481 = tpu.memref_slice %arg6[%rem3A_216, %swap3A_479, %swap3A_480] : memref<7x128x128xf32, #tpu.memory_space<vmem>> -> memref<1x128x128xf32, #tpu.memory_space<vmem>>
            %swap3A_482 = tpu.memref_squeeze %swap3A_481 : memref<1x128x128xf32, #tpu.memory_space<vmem>> -> memref<128x128xf32, #tpu.memory_space<vmem>>
            %swap3A_483 = arith.index_cast %add3A_478 : i32 to index
            %swap3A_484 = arith.constant 16 : index
            %swap3A_485 = tpu.vector_load %swap3A_482[%swap3A_483, %swap3A_484] {strides = array<i32>} : memref<128x128xf32, #tpu.memory_space<vmem>>, vector<1x16xf32>,
            %swap3A_486 = vector.shape_cast %swap3A_485 : vector<1x16xf32> to vector<16xf32>
            %swap3A_487 = vector.shape_cast %broadcast_in_dim3A_3 : vector<16xf32> to vector<1x16xf32>
            tpu.vector_store %swap3A_482[%swap3A_483, %swap3A_484], %swap3A_487 {strides = array<i32>} : memref<128x128xf32, #tpu.memory_space<vmem>>, vector<1x16xf32>,
            %mul3A_488 = arith.constant 16 : i32
            %mul3A_489 = arith.muli %scan3A_344, %mul3A_488 : i32
            %add3A_490 = arith.constant 8 : i32
            %add3A_491 = arith.addi %mul3A_489, %add3A_490 : i32
            %swap3A_492 = arith.constant 0 : i32
            %swap3A_493 = arith.constant 0 : i32
            %swap3A_494 = tpu.memref_slice %arg6[%rem3A_216, %swap3A_492, %swap3A_493] : memref<7x128x128xf32, #tpu.memory_space<vmem>> -> memref<1x128x128xf32, #tpu.memory_space<vmem>>
            %swap3A_495 = tpu.memref_squeeze %swap3A_494 : memref<1x128x128xf32, #tpu.memory_space<vmem>> -> memref<128x128xf32, #tpu.memory_space<vmem>>
            %swap3A_496 = arith.index_cast %add3A_491 : i32 to index
            %swap3A_497 = arith.constant 32 : index
            %swap3A_498 = tpu.vector_load %swap3A_495[%swap3A_496, %swap3A_497] {strides = array<i32>} : memref<128x128xf32, #tpu.memory_space<vmem>>, vector<1x16xf32>,
            %swap3A_499 = vector.shape_cast %swap3A_498 : vector<1x16xf32> to vector<16xf32>
            %swap3A_500 = vector.shape_cast %broadcast_in_dim3A_3 : vector<16xf32> to vector<1x16xf32>
            tpu.vector_store %swap3A_495[%swap3A_496, %swap3A_497], %swap3A_500 {strides = array<i32>} : memref<128x128xf32, #tpu.memory_space<vmem>>, vector<1x16xf32>,
            %mul3A_501 = arith.constant 16 : i32
            %mul3A_502 = arith.muli %scan3A_344, %mul3A_501 : i32
            %add3A_503 = arith.constant 8 : i32
            %add3A_504 = arith.addi %mul3A_502, %add3A_503 : i32
            %swap3A_505 = arith.constant 0 : i32
            %swap3A_506 = arith.constant 0 : i32
            %swap3A_507 = tpu.memref_slice %arg6[%rem3A_216, %swap3A_505, %swap3A_506] : memref<7x128x128xf32, #tpu.memory_space<vmem>> -> memref<1x128x128xf32, #tpu.memory_space<vmem>>
            %swap3A_508 = tpu.memref_squeeze %swap3A_507 : memref<1x128x128xf32, #tpu.memory_space<vmem>> -> memref<128x128xf32, #tpu.memory_space<vmem>>
            %swap3A_509 = arith.index_cast %add3A_504 : i32 to index
            %swap3A_510 = arith.constant 48 : index
            %swap3A_511 = tpu.vector_load %swap3A_508[%swap3A_509, %swap3A_510] {strides = array<i32>} : memref<128x128xf32, #tpu.memory_space<vmem>>, vector<1x16xf32>,
            %swap3A_512 = vector.shape_cast %swap3A_511 : vector<1x16xf32> to vector<16xf32>
            %swap3A_513 = vector.shape_cast %broadcast_in_dim3A_3 : vector<16xf32> to vector<1x16xf32>
            tpu.vector_store %swap3A_508[%swap3A_509, %swap3A_510], %swap3A_513 {strides = array<i32>} : memref<128x128xf32, #tpu.memory_space<vmem>>, vector<1x16xf32>,
            %mul3A_514 = arith.constant 16 : i32
            %mul3A_515 = arith.muli %scan3A_344, %mul3A_514 : i32
            %add3A_516 = arith.constant 8 : i32
            %add3A_517 = arith.addi %mul3A_515, %add3A_516 : i32
            %swap3A_518 = arith.constant 0 : i32
            %swap3A_519 = arith.constant 0 : i32
            %swap3A_520 = tpu.memref_slice %arg6[%rem3A_216, %swap3A_518, %swap3A_519] : memref<7x128x128xf32, #tpu.memory_space<vmem>> -> memref<1x128x128xf32, #tpu.memory_space<vmem>>
            %swap3A_521 = tpu.memref_squeeze %swap3A_520 : memref<1x128x128xf32, #tpu.memory_space<vmem>> -> memref<128x128xf32, #tpu.memory_space<vmem>>
            %swap3A_522 = arith.index_cast %add3A_517 : i32 to index
            %swap3A_523 = arith.constant 64 : index
            %swap3A_524 = tpu.vector_load %swap3A_521[%swap3A_522, %swap3A_523] {strides = array<i32>} : memref<128x128xf32, #tpu.memory_space<vmem>>, vector<1x16xf32>,
            %swap3A_525 = vector.shape_cast %swap3A_524 : vector<1x16xf32> to vector<16xf32>
            %swap3A_526 = vector.shape_cast %broadcast_in_dim3A_3 : vector<16xf32> to vector<1x16xf32>
            tpu.vector_store %swap3A_521[%swap3A_522, %swap3A_523], %swap3A_526 {strides = array<i32>} : memref<128x128xf32, #tpu.memory_space<vmem>>, vector<1x16xf32>,
            %mul3A_527 = arith.constant 16 : i32
            %mul3A_528 = arith.muli %scan3A_344, %mul3A_527 : i32
            %add3A_529 = arith.constant 8 : i32
            %add3A_530 = arith.addi %mul3A_528, %add3A_529 : i32
            %swap3A_531 = arith.constant 0 : i32
            %swap3A_532 = arith.constant 0 : i32
            %swap3A_533 = tpu.memref_slice %arg6[%rem3A_216, %swap3A_531, %swap3A_532] : memref<7x128x128xf32, #tpu.memory_space<vmem>> -> memref<1x128x128xf32, #tpu.memory_space<vmem>>
            %swap3A_534 = tpu.memref_squeeze %swap3A_533 : memref<1x128x128xf32, #tpu.memory_space<vmem>> -> memref<128x128xf32, #tpu.memory_space<vmem>>
            %swap3A_535 = arith.index_cast %add3A_530 : i32 to index
            %swap3A_536 = arith.constant 80 : index
            %swap3A_537 = tpu.vector_load %swap3A_534[%swap3A_535, %swap3A_536] {strides = array<i32>} : memref<128x128xf32, #tpu.memory_space<vmem>>, vector<1x16xf32>,
            %swap3A_538 = vector.shape_cast %swap3A_537 : vector<1x16xf32> to vector<16xf32>
            %swap3A_539 = vector.shape_cast %broadcast_in_dim3A_3 : vector<16xf32> to vector<1x16xf32>
            tpu.vector_store %swap3A_534[%swap3A_535, %swap3A_536], %swap3A_539 {strides = array<i32>} : memref<128x128xf32, #tpu.memory_space<vmem>>, vector<1x16xf32>,
            %mul3A_540 = arith.constant 16 : i32
            %mul3A_541 = arith.muli %scan3A_344, %mul3A_540 : i32
            %add3A_542 = arith.constant 8 : i32
            %add3A_543 = arith.addi %mul3A_541, %add3A_542 : i32
            %swap3A_544 = arith.constant 0 : i32
            %swap3A_545 = arith.constant 0 : i32
            %swap3A_546 = tpu.memref_slice %arg6[%rem3A_216, %swap3A_544, %swap3A_545] : memref<7x128x128xf32, #tpu.memory_space<vmem>> -> memref<1x128x128xf32, #tpu.memory_space<vmem>>
            %swap3A_547 = tpu.memref_squeeze %swap3A_546 : memref<1x128x128xf32, #tpu.memory_space<vmem>> -> memref<128x128xf32, #tpu.memory_space<vmem>>
            %swap3A_548 = arith.index_cast %add3A_543 : i32 to index
            %swap3A_549 = arith.constant 96 : index
            %swap3A_550 = tpu.vector_load %swap3A_547[%swap3A_548, %swap3A_549] {strides = array<i32>} : memref<128x128xf32, #tpu.memory_space<vmem>>, vector<1x16xf32>,
            %swap3A_551 = vector.shape_cast %swap3A_550 : vector<1x16xf32> to vector<16xf32>
            %swap3A_552 = vector.shape_cast %broadcast_in_dim3A_3 : vector<16xf32> to vector<1x16xf32>
            tpu.vector_store %swap3A_547[%swap3A_548, %swap3A_549], %swap3A_552 {strides = array<i32>} : memref<128x128xf32, #tpu.memory_space<vmem>>, vector<1x16xf32>,
            %mul3A_553 = arith.constant 16 : i32
            %mul3A_554 = arith.muli %scan3A_344, %mul3A_553 : i32
            %add3A_555 = arith.constant 8 : i32
            %add3A_556 = arith.addi %mul3A_554, %add3A_555 : i32
            %swap3A_557 = arith.constant 0 : i32
            %swap3A_558 = arith.constant 0 : i32
            %swap3A_559 = tpu.memref_slice %arg6[%rem3A_216, %swap3A_557, %swap3A_558] : memref<7x128x128xf32, #tpu.memory_space<vmem>> -> memref<1x128x128xf32, #tpu.memory_space<vmem>>
            %swap3A_560 = tpu.memref_squeeze %swap3A_559 : memref<1x128x128xf32, #tpu.memory_space<vmem>> -> memref<128x128xf32, #tpu.memory_space<vmem>>
            %swap3A_561 = arith.index_cast %add3A_556 : i32 to index
            %swap3A_562 = arith.constant 112 : index
            %swap3A_563 = tpu.vector_load %swap3A_560[%swap3A_561, %swap3A_562] {strides = array<i32>} : memref<128x128xf32, #tpu.memory_space<vmem>>, vector<1x16xf32>,
            %swap3A_564 = vector.shape_cast %swap3A_563 : vector<1x16xf32> to vector<16xf32>
            %swap3A_565 = vector.shape_cast %broadcast_in_dim3A_3 : vector<16xf32> to vector<1x16xf32>
            tpu.vector_store %swap3A_560[%swap3A_561, %swap3A_562], %swap3A_565 {strides = array<i32>} : memref<128x128xf32, #tpu.memory_space<vmem>>, vector<1x16xf32>,
          } else {
          }
          %slice3A_414 = vector.extract_strided_slice %get3A_350 {offsets = [9], sizes = [1], strides = [1]} : vector<16xi32> to vector<1xi32>
          %squeeze3A_415 = vector.extract %slice3A_414[0] : i32 from vector<1xi32>
          %eq3A_416 = arith.constant 0 : i32
          %eq3A_417 = arith.cmpi eq, %squeeze3A_415, %eq3A_416 : i32
          %convert_element_type3A_418 = arith.extui %eq3A_417 : i1 to i32
          %cond3A_419 = arith.constant 0 : i32
          %cond3A_420 = arith.cmpi ne, %convert_element_type3A_418, %cond3A_419 : i32
          scf.if %cond3A_420 {
            %mul3A_463 = arith.constant 16 : i32
            %mul3A_464 = arith.muli %scan3A_344, %mul3A_463 : i32
            %add3A_465 = arith.constant 9 : i32
            %add3A_466 = arith.addi %mul3A_464, %add3A_465 : i32
            %swap3A = arith.constant 0 : i32
            %swap3A_467 = arith.constant 0 : i32
            %swap3A_468 = tpu.memref_slice %arg6[%rem3A_216, %swap3A, %swap3A_467] : memref<7x128x128xf32, #tpu.memory_space<vmem>> -> memref<1x128x128xf32, #tpu.memory_space<vmem>>
            %swap3A_469 = tpu.memref_squeeze %swap3A_468 : memref<1x128x128xf32, #tpu.memory_space<vmem>> -> memref<128x128xf32, #tpu.memory_space<vmem>>
            %swap3A_470 = arith.index_cast %add3A_466 : i32 to index
            %swap3A_471 = arith.constant 0 : index
            %swap3A_472 = tpu.vector_load %swap3A_469[%swap3A_470, %swap3A_471] {strides = array<i32>} : memref<128x128xf32, #tpu.memory_space<vmem>>, vector<1x16xf32>,
            %swap3A_473 = vector.shape_cast %swap3A_472 : vector<1x16xf32> to vector<16xf32>
            %swap3A_474 = vector.shape_cast %broadcast_in_dim3A_3 : vector<16xf32> to vector<1x16xf32>
            tpu.vector_store %swap3A_469[%swap3A_470, %swap3A_471], %swap3A_474 {strides = array<i32>} : memref<128x128xf32, #tpu.memory_space<vmem>>, vector<1x16xf32>,
            %mul3A_475 = arith.constant 16 : i32
            %mul3A_476 = arith.muli %scan3A_344, %mul3A_475 : i32
            %add3A_477 = arith.constant 9 : i32
            %add3A_478 = arith.addi %mul3A_476, %add3A_477 : i32
            %swap3A_479 = arith.constant 0 : i32
            %swap3A_480 = arith.constant 0 : i32
            %swap3A_481 = tpu.memref_slice %arg6[%rem3A_216, %swap3A_479, %swap3A_480] : memref<7x128x128xf32, #tpu.memory_space<vmem>> -> memref<1x128x128xf32, #tpu.memory_space<vmem>>
            %swap3A_482 = tpu.memref_squeeze %swap3A_481 : memref<1x128x128xf32, #tpu.memory_space<vmem>> -> memref<128x128xf32, #tpu.memory_space<vmem>>
            %swap3A_483 = arith.index_cast %add3A_478 : i32 to index
            %swap3A_484 = arith.constant 16 : index
            %swap3A_485 = tpu.vector_load %swap3A_482[%swap3A_483, %swap3A_484] {strides = array<i32>} : memref<128x128xf32, #tpu.memory_space<vmem>>, vector<1x16xf32>,
            %swap3A_486 = vector.shape_cast %swap3A_485 : vector<1x16xf32> to vector<16xf32>
            %swap3A_487 = vector.shape_cast %broadcast_in_dim3A_3 : vector<16xf32> to vector<1x16xf32>
            tpu.vector_store %swap3A_482[%swap3A_483, %swap3A_484], %swap3A_487 {strides = array<i32>} : memref<128x128xf32, #tpu.memory_space<vmem>>, vector<1x16xf32>,
            %mul3A_488 = arith.constant 16 : i32
            %mul3A_489 = arith.muli %scan3A_344, %mul3A_488 : i32
            %add3A_490 = arith.constant 9 : i32
            %add3A_491 = arith.addi %mul3A_489, %add3A_490 : i32
            %swap3A_492 = arith.constant 0 : i32
            %swap3A_493 = arith.constant 0 : i32
            %swap3A_494 = tpu.memref_slice %arg6[%rem3A_216, %swap3A_492, %swap3A_493] : memref<7x128x128xf32, #tpu.memory_space<vmem>> -> memref<1x128x128xf32, #tpu.memory_space<vmem>>
            %swap3A_495 = tpu.memref_squeeze %swap3A_494 : memref<1x128x128xf32, #tpu.memory_space<vmem>> -> memref<128x128xf32, #tpu.memory_space<vmem>>
            %swap3A_496 = arith.index_cast %add3A_491 : i32 to index
            %swap3A_497 = arith.constant 32 : index
            %swap3A_498 = tpu.vector_load %swap3A_495[%swap3A_496, %swap3A_497] {strides = array<i32>} : memref<128x128xf32, #tpu.memory_space<vmem>>, vector<1x16xf32>,
            %swap3A_499 = vector.shape_cast %swap3A_498 : vector<1x16xf32> to vector<16xf32>
            %swap3A_500 = vector.shape_cast %broadcast_in_dim3A_3 : vector<16xf32> to vector<1x16xf32>
            tpu.vector_store %swap3A_495[%swap3A_496, %swap3A_497], %swap3A_500 {strides = array<i32>} : memref<128x128xf32, #tpu.memory_space<vmem>>, vector<1x16xf32>,
            %mul3A_501 = arith.constant 16 : i32
            %mul3A_502 = arith.muli %scan3A_344, %mul3A_501 : i32
            %add3A_503 = arith.constant 9 : i32
            %add3A_504 = arith.addi %mul3A_502, %add3A_503 : i32
            %swap3A_505 = arith.constant 0 : i32
            %swap3A_506 = arith.constant 0 : i32
            %swap3A_507 = tpu.memref_slice %arg6[%rem3A_216, %swap3A_505, %swap3A_506] : memref<7x128x128xf32, #tpu.memory_space<vmem>> -> memref<1x128x128xf32, #tpu.memory_space<vmem>>
            %swap3A_508 = tpu.memref_squeeze %swap3A_507 : memref<1x128x128xf32, #tpu.memory_space<vmem>> -> memref<128x128xf32, #tpu.memory_space<vmem>>
            %swap3A_509 = arith.index_cast %add3A_504 : i32 to index
            %swap3A_510 = arith.constant 48 : index
            %swap3A_511 = tpu.vector_load %swap3A_508[%swap3A_509, %swap3A_510] {strides = array<i32>} : memref<128x128xf32, #tpu.memory_space<vmem>>, vector<1x16xf32>,
            %swap3A_512 = vector.shape_cast %swap3A_511 : vector<1x16xf32> to vector<16xf32>
            %swap3A_513 = vector.shape_cast %broadcast_in_dim3A_3 : vector<16xf32> to vector<1x16xf32>
            tpu.vector_store %swap3A_508[%swap3A_509, %swap3A_510], %swap3A_513 {strides = array<i32>} : memref<128x128xf32, #tpu.memory_space<vmem>>, vector<1x16xf32>,
            %mul3A_514 = arith.constant 16 : i32
            %mul3A_515 = arith.muli %scan3A_344, %mul3A_514 : i32
            %add3A_516 = arith.constant 9 : i32
            %add3A_517 = arith.addi %mul3A_515, %add3A_516 : i32
            %swap3A_518 = arith.constant 0 : i32
            %swap3A_519 = arith.constant 0 : i32
            %swap3A_520 = tpu.memref_slice %arg6[%rem3A_216, %swap3A_518, %swap3A_519] : memref<7x128x128xf32, #tpu.memory_space<vmem>> -> memref<1x128x128xf32, #tpu.memory_space<vmem>>
            %swap3A_521 = tpu.memref_squeeze %swap3A_520 : memref<1x128x128xf32, #tpu.memory_space<vmem>> -> memref<128x128xf32, #tpu.memory_space<vmem>>
            %swap3A_522 = arith.index_cast %add3A_517 : i32 to index
            %swap3A_523 = arith.constant 64 : index
            %swap3A_524 = tpu.vector_load %swap3A_521[%swap3A_522, %swap3A_523] {strides = array<i32>} : memref<128x128xf32, #tpu.memory_space<vmem>>, vector<1x16xf32>,
            %swap3A_525 = vector.shape_cast %swap3A_524 : vector<1x16xf32> to vector<16xf32>
            %swap3A_526 = vector.shape_cast %broadcast_in_dim3A_3 : vector<16xf32> to vector<1x16xf32>
            tpu.vector_store %swap3A_521[%swap3A_522, %swap3A_523], %swap3A_526 {strides = array<i32>} : memref<128x128xf32, #tpu.memory_space<vmem>>, vector<1x16xf32>,
            %mul3A_527 = arith.constant 16 : i32
            %mul3A_528 = arith.muli %scan3A_344, %mul3A_527 : i32
            %add3A_529 = arith.constant 9 : i32
            %add3A_530 = arith.addi %mul3A_528, %add3A_529 : i32
            %swap3A_531 = arith.constant 0 : i32
            %swap3A_532 = arith.constant 0 : i32
            %swap3A_533 = tpu.memref_slice %arg6[%rem3A_216, %swap3A_531, %swap3A_532] : memref<7x128x128xf32, #tpu.memory_space<vmem>> -> memref<1x128x128xf32, #tpu.memory_space<vmem>>
            %swap3A_534 = tpu.memref_squeeze %swap3A_533 : memref<1x128x128xf32, #tpu.memory_space<vmem>> -> memref<128x128xf32, #tpu.memory_space<vmem>>
            %swap3A_535 = arith.index_cast %add3A_530 : i32 to index
            %swap3A_536 = arith.constant 80 : index
            %swap3A_537 = tpu.vector_load %swap3A_534[%swap3A_535, %swap3A_536] {strides = array<i32>} : memref<128x128xf32, #tpu.memory_space<vmem>>, vector<1x16xf32>,
            %swap3A_538 = vector.shape_cast %swap3A_537 : vector<1x16xf32> to vector<16xf32>
            %swap3A_539 = vector.shape_cast %broadcast_in_dim3A_3 : vector<16xf32> to vector<1x16xf32>
            tpu.vector_store %swap3A_534[%swap3A_535, %swap3A_536], %swap3A_539 {strides = array<i32>} : memref<128x128xf32, #tpu.memory_space<vmem>>, vector<1x16xf32>,
            %mul3A_540 = arith.constant 16 : i32
            %mul3A_541 = arith.muli %scan3A_344, %mul3A_540 : i32
            %add3A_542 = arith.constant 9 : i32
            %add3A_543 = arith.addi %mul3A_541, %add3A_542 : i32
            %swap3A_544 = arith.constant 0 : i32
            %swap3A_545 = arith.constant 0 : i32
            %swap3A_546 = tpu.memref_slice %arg6[%rem3A_216, %swap3A_544, %swap3A_545] : memref<7x128x128xf32, #tpu.memory_space<vmem>> -> memref<1x128x128xf32, #tpu.memory_space<vmem>>
            %swap3A_547 = tpu.memref_squeeze %swap3A_546 : memref<1x128x128xf32, #tpu.memory_space<vmem>> -> memref<128x128xf32, #tpu.memory_space<vmem>>
            %swap3A_548 = arith.index_cast %add3A_543 : i32 to index
            %swap3A_549 = arith.constant 96 : index
            %swap3A_550 = tpu.vector_load %swap3A_547[%swap3A_548, %swap3A_549] {strides = array<i32>} : memref<128x128xf32, #tpu.memory_space<vmem>>, vector<1x16xf32>,
            %swap3A_551 = vector.shape_cast %swap3A_550 : vector<1x16xf32> to vector<16xf32>
            %swap3A_552 = vector.shape_cast %broadcast_in_dim3A_3 : vector<16xf32> to vector<1x16xf32>
            tpu.vector_store %swap3A_547[%swap3A_548, %swap3A_549], %swap3A_552 {strides = array<i32>} : memref<128x128xf32, #tpu.memory_space<vmem>>, vector<1x16xf32>,
            %mul3A_553 = arith.constant 16 : i32
            %mul3A_554 = arith.muli %scan3A_344, %mul3A_553 : i32
            %add3A_555 = arith.constant 9 : i32
            %add3A_556 = arith.addi %mul3A_554, %add3A_555 : i32
            %swap3A_557 = arith.constant 0 : i32
            %swap3A_558 = arith.constant 0 : i32
            %swap3A_559 = tpu.memref_slice %arg6[%rem3A_216, %swap3A_557, %swap3A_558] : memref<7x128x128xf32, #tpu.memory_space<vmem>> -> memref<1x128x128xf32, #tpu.memory_space<vmem>>
            %swap3A_560 = tpu.memref_squeeze %swap3A_559 : memref<1x128x128xf32, #tpu.memory_space<vmem>> -> memref<128x128xf32, #tpu.memory_space<vmem>>
            %swap3A_561 = arith.index_cast %add3A_556 : i32 to index
            %swap3A_562 = arith.constant 112 : index
            %swap3A_563 = tpu.vector_load %swap3A_560[%swap3A_561, %swap3A_562] {strides = array<i32>} : memref<128x128xf32, #tpu.memory_space<vmem>>, vector<1x16xf32>,
            %swap3A_564 = vector.shape_cast %swap3A_563 : vector<1x16xf32> to vector<16xf32>
            %swap3A_565 = vector.shape_cast %broadcast_in_dim3A_3 : vector<16xf32> to vector<1x16xf32>
            tpu.vector_store %swap3A_560[%swap3A_561, %swap3A_562], %swap3A_565 {strides = array<i32>} : memref<128x128xf32, #tpu.memory_space<vmem>>, vector<1x16xf32>,
          } else {
          }
          %slice3A_421 = vector.extract_strided_slice %get3A_350 {offsets = [10], sizes = [1], strides = [1]} : vector<16xi32> to vector<1xi32>
          %squeeze3A_422 = vector.extract %slice3A_421[0] : i32 from vector<1xi32>
          %eq3A_423 = arith.constant 0 : i32
          %eq3A_424 = arith.cmpi eq, %squeeze3A_422, %eq3A_423 : i32
          %convert_element_type3A_425 = arith.extui %eq3A_424 : i1 to i32
          %cond3A_426 = arith.constant 0 : i32
          %cond3A_427 = arith.cmpi ne, %convert_element_type3A_425, %cond3A_426 : i32
          scf.if %cond3A_427 {
            %mul3A_463 = arith.constant 16 : i32
            %mul3A_464 = arith.muli %scan3A_344, %mul3A_463 : i32
            %add3A_465 = arith.constant 10 : i32
            %add3A_466 = arith.addi %mul3A_464, %add3A_465 : i32
            %swap3A = arith.constant 0 : i32
            %swap3A_467 = arith.constant 0 : i32
            %swap3A_468 = tpu.memref_slice %arg6[%rem3A_216, %swap3A, %swap3A_467] : memref<7x128x128xf32, #tpu.memory_space<vmem>> -> memref<1x128x128xf32, #tpu.memory_space<vmem>>
            %swap3A_469 = tpu.memref_squeeze %swap3A_468 : memref<1x128x128xf32, #tpu.memory_space<vmem>> -> memref<128x128xf32, #tpu.memory_space<vmem>>
            %swap3A_470 = arith.index_cast %add3A_466 : i32 to index
            %swap3A_471 = arith.constant 0 : index
            %swap3A_472 = tpu.vector_load %swap3A_469[%swap3A_470, %swap3A_471] {strides = array<i32>} : memref<128x128xf32, #tpu.memory_space<vmem>>, vector<1x16xf32>,
            %swap3A_473 = vector.shape_cast %swap3A_472 : vector<1x16xf32> to vector<16xf32>
            %swap3A_474 = vector.shape_cast %broadcast_in_dim3A_3 : vector<16xf32> to vector<1x16xf32>
            tpu.vector_store %swap3A_469[%swap3A_470, %swap3A_471], %swap3A_474 {strides = array<i32>} : memref<128x128xf32, #tpu.memory_space<vmem>>, vector<1x16xf32>,
            %mul3A_475 = arith.constant 16 : i32
            %mul3A_476 = arith.muli %scan3A_344, %mul3A_475 : i32
            %add3A_477 = arith.constant 10 : i32
            %add3A_478 = arith.addi %mul3A_476, %add3A_477 : i32
            %swap3A_479 = arith.constant 0 : i32
            %swap3A_480 = arith.constant 0 : i32
            %swap3A_481 = tpu.memref_slice %arg6[%rem3A_216, %swap3A_479, %swap3A_480] : memref<7x128x128xf32, #tpu.memory_space<vmem>> -> memref<1x128x128xf32, #tpu.memory_space<vmem>>
            %swap3A_482 = tpu.memref_squeeze %swap3A_481 : memref<1x128x128xf32, #tpu.memory_space<vmem>> -> memref<128x128xf32, #tpu.memory_space<vmem>>
            %swap3A_483 = arith.index_cast %add3A_478 : i32 to index
            %swap3A_484 = arith.constant 16 : index
            %swap3A_485 = tpu.vector_load %swap3A_482[%swap3A_483, %swap3A_484] {strides = array<i32>} : memref<128x128xf32, #tpu.memory_space<vmem>>, vector<1x16xf32>,
            %swap3A_486 = vector.shape_cast %swap3A_485 : vector<1x16xf32> to vector<16xf32>
            %swap3A_487 = vector.shape_cast %broadcast_in_dim3A_3 : vector<16xf32> to vector<1x16xf32>
            tpu.vector_store %swap3A_482[%swap3A_483, %swap3A_484], %swap3A_487 {strides = array<i32>} : memref<128x128xf32, #tpu.memory_space<vmem>>, vector<1x16xf32>,
            %mul3A_488 = arith.constant 16 : i32
            %mul3A_489 = arith.muli %scan3A_344, %mul3A_488 : i32
            %add3A_490 = arith.constant 10 : i32
            %add3A_491 = arith.addi %mul3A_489, %add3A_490 : i32
            %swap3A_492 = arith.constant 0 : i32
            %swap3A_493 = arith.constant 0 : i32
            %swap3A_494 = tpu.memref_slice %arg6[%rem3A_216, %swap3A_492, %swap3A_493] : memref<7x128x128xf32, #tpu.memory_space<vmem>> -> memref<1x128x128xf32, #tpu.memory_space<vmem>>
            %swap3A_495 = tpu.memref_squeeze %swap3A_494 : memref<1x128x128xf32, #tpu.memory_space<vmem>> -> memref<128x128xf32, #tpu.memory_space<vmem>>
            %swap3A_496 = arith.index_cast %add3A_491 : i32 to index
            %swap3A_497 = arith.constant 32 : index
            %swap3A_498 = tpu.vector_load %swap3A_495[%swap3A_496, %swap3A_497] {strides = array<i32>} : memref<128x128xf32, #tpu.memory_space<vmem>>, vector<1x16xf32>,
            %swap3A_499 = vector.shape_cast %swap3A_498 : vector<1x16xf32> to vector<16xf32>
            %swap3A_500 = vector.shape_cast %broadcast_in_dim3A_3 : vector<16xf32> to vector<1x16xf32>
            tpu.vector_store %swap3A_495[%swap3A_496, %swap3A_497], %swap3A_500 {strides = array<i32>} : memref<128x128xf32, #tpu.memory_space<vmem>>, vector<1x16xf32>,
            %mul3A_501 = arith.constant 16 : i32
            %mul3A_502 = arith.muli %scan3A_344, %mul3A_501 : i32
            %add3A_503 = arith.constant 10 : i32
            %add3A_504 = arith.addi %mul3A_502, %add3A_503 : i32
            %swap3A_505 = arith.constant 0 : i32
            %swap3A_506 = arith.constant 0 : i32
            %swap3A_507 = tpu.memref_slice %arg6[%rem3A_216, %swap3A_505, %swap3A_506] : memref<7x128x128xf32, #tpu.memory_space<vmem>> -> memref<1x128x128xf32, #tpu.memory_space<vmem>>
            %swap3A_508 = tpu.memref_squeeze %swap3A_507 : memref<1x128x128xf32, #tpu.memory_space<vmem>> -> memref<128x128xf32, #tpu.memory_space<vmem>>
            %swap3A_509 = arith.index_cast %add3A_504 : i32 to index
            %swap3A_510 = arith.constant 48 : index
            %swap3A_511 = tpu.vector_load %swap3A_508[%swap3A_509, %swap3A_510] {strides = array<i32>} : memref<128x128xf32, #tpu.memory_space<vmem>>, vector<1x16xf32>,
            %swap3A_512 = vector.shape_cast %swap3A_511 : vector<1x16xf32> to vector<16xf32>
            %swap3A_513 = vector.shape_cast %broadcast_in_dim3A_3 : vector<16xf32> to vector<1x16xf32>
            tpu.vector_store %swap3A_508[%swap3A_509, %swap3A_510], %swap3A_513 {strides = array<i32>} : memref<128x128xf32, #tpu.memory_space<vmem>>, vector<1x16xf32>,
            %mul3A_514 = arith.constant 16 : i32
            %mul3A_515 = arith.muli %scan3A_344, %mul3A_514 : i32
            %add3A_516 = arith.constant 10 : i32
            %add3A_517 = arith.addi %mul3A_515, %add3A_516 : i32
            %swap3A_518 = arith.constant 0 : i32
            %swap3A_519 = arith.constant 0 : i32
            %swap3A_520 = tpu.memref_slice %arg6[%rem3A_216, %swap3A_518, %swap3A_519] : memref<7x128x128xf32, #tpu.memory_space<vmem>> -> memref<1x128x128xf32, #tpu.memory_space<vmem>>
            %swap3A_521 = tpu.memref_squeeze %swap3A_520 : memref<1x128x128xf32, #tpu.memory_space<vmem>> -> memref<128x128xf32, #tpu.memory_space<vmem>>
            %swap3A_522 = arith.index_cast %add3A_517 : i32 to index
            %swap3A_523 = arith.constant 64 : index
            %swap3A_524 = tpu.vector_load %swap3A_521[%swap3A_522, %swap3A_523] {strides = array<i32>} : memref<128x128xf32, #tpu.memory_space<vmem>>, vector<1x16xf32>,
            %swap3A_525 = vector.shape_cast %swap3A_524 : vector<1x16xf32> to vector<16xf32>
            %swap3A_526 = vector.shape_cast %broadcast_in_dim3A_3 : vector<16xf32> to vector<1x16xf32>
            tpu.vector_store %swap3A_521[%swap3A_522, %swap3A_523], %swap3A_526 {strides = array<i32>} : memref<128x128xf32, #tpu.memory_space<vmem>>, vector<1x16xf32>,
            %mul3A_527 = arith.constant 16 : i32
            %mul3A_528 = arith.muli %scan3A_344, %mul3A_527 : i32
            %add3A_529 = arith.constant 10 : i32
            %add3A_530 = arith.addi %mul3A_528, %add3A_529 : i32
            %swap3A_531 = arith.constant 0 : i32
            %swap3A_532 = arith.constant 0 : i32
            %swap3A_533 = tpu.memref_slice %arg6[%rem3A_216, %swap3A_531, %swap3A_532] : memref<7x128x128xf32, #tpu.memory_space<vmem>> -> memref<1x128x128xf32, #tpu.memory_space<vmem>>
            %swap3A_534 = tpu.memref_squeeze %swap3A_533 : memref<1x128x128xf32, #tpu.memory_space<vmem>> -> memref<128x128xf32, #tpu.memory_space<vmem>>
            %swap3A_535 = arith.index_cast %add3A_530 : i32 to index
            %swap3A_536 = arith.constant 80 : index
            %swap3A_537 = tpu.vector_load %swap3A_534[%swap3A_535, %swap3A_536] {strides = array<i32>} : memref<128x128xf32, #tpu.memory_space<vmem>>, vector<1x16xf32>,
            %swap3A_538 = vector.shape_cast %swap3A_537 : vector<1x16xf32> to vector<16xf32>
            %swap3A_539 = vector.shape_cast %broadcast_in_dim3A_3 : vector<16xf32> to vector<1x16xf32>
            tpu.vector_store %swap3A_534[%swap3A_535, %swap3A_536], %swap3A_539 {strides = array<i32>} : memref<128x128xf32, #tpu.memory_space<vmem>>, vector<1x16xf32>,
            %mul3A_540 = arith.constant 16 : i32
            %mul3A_541 = arith.muli %scan3A_344, %mul3A_540 : i32
            %add3A_542 = arith.constant 10 : i32
            %add3A_543 = arith.addi %mul3A_541, %add3A_542 : i32
            %swap3A_544 = arith.constant 0 : i32
            %swap3A_545 = arith.constant 0 : i32
            %swap3A_546 = tpu.memref_slice %arg6[%rem3A_216, %swap3A_544, %swap3A_545] : memref<7x128x128xf32, #tpu.memory_space<vmem>> -> memref<1x128x128xf32, #tpu.memory_space<vmem>>
            %swap3A_547 = tpu.memref_squeeze %swap3A_546 : memref<1x128x128xf32, #tpu.memory_space<vmem>> -> memref<128x128xf32, #tpu.memory_space<vmem>>
            %swap3A_548 = arith.index_cast %add3A_543 : i32 to index
            %swap3A_549 = arith.constant 96 : index
            %swap3A_550 = tpu.vector_load %swap3A_547[%swap3A_548, %swap3A_549] {strides = array<i32>} : memref<128x128xf32, #tpu.memory_space<vmem>>, vector<1x16xf32>,
            %swap3A_551 = vector.shape_cast %swap3A_550 : vector<1x16xf32> to vector<16xf32>
            %swap3A_552 = vector.shape_cast %broadcast_in_dim3A_3 : vector<16xf32> to vector<1x16xf32>
            tpu.vector_store %swap3A_547[%swap3A_548, %swap3A_549], %swap3A_552 {strides = array<i32>} : memref<128x128xf32, #tpu.memory_space<vmem>>, vector<1x16xf32>,
            %mul3A_553 = arith.constant 16 : i32
            %mul3A_554 = arith.muli %scan3A_344, %mul3A_553 : i32
            %add3A_555 = arith.constant 10 : i32
            %add3A_556 = arith.addi %mul3A_554, %add3A_555 : i32
            %swap3A_557 = arith.constant 0 : i32
            %swap3A_558 = arith.constant 0 : i32
            %swap3A_559 = tpu.memref_slice %arg6[%rem3A_216, %swap3A_557, %swap3A_558] : memref<7x128x128xf32, #tpu.memory_space<vmem>> -> memref<1x128x128xf32, #tpu.memory_space<vmem>>
            %swap3A_560 = tpu.memref_squeeze %swap3A_559 : memref<1x128x128xf32, #tpu.memory_space<vmem>> -> memref<128x128xf32, #tpu.memory_space<vmem>>
            %swap3A_561 = arith.index_cast %add3A_556 : i32 to index
            %swap3A_562 = arith.constant 112 : index
            %swap3A_563 = tpu.vector_load %swap3A_560[%swap3A_561, %swap3A_562] {strides = array<i32>} : memref<128x128xf32, #tpu.memory_space<vmem>>, vector<1x16xf32>,
            %swap3A_564 = vector.shape_cast %swap3A_563 : vector<1x16xf32> to vector<16xf32>
            %swap3A_565 = vector.shape_cast %broadcast_in_dim3A_3 : vector<16xf32> to vector<1x16xf32>
            tpu.vector_store %swap3A_560[%swap3A_561, %swap3A_562], %swap3A_565 {strides = array<i32>} : memref<128x128xf32, #tpu.memory_space<vmem>>, vector<1x16xf32>,
          } else {
          }
          %slice3A_428 = vector.extract_strided_slice %get3A_350 {offsets = [11], sizes = [1], strides = [1]} : vector<16xi32> to vector<1xi32>
          %squeeze3A_429 = vector.extract %slice3A_428[0] : i32 from vector<1xi32>
          %eq3A_430 = arith.constant 0 : i32
          %eq3A_431 = arith.cmpi eq, %squeeze3A_429, %eq3A_430 : i32
          %convert_element_type3A_432 = arith.extui %eq3A_431 : i1 to i32
          %cond3A_433 = arith.constant 0 : i32
          %cond3A_434 = arith.cmpi ne, %convert_element_type3A_432, %cond3A_433 : i32
          scf.if %cond3A_434 {
            %mul3A_463 = arith.constant 16 : i32
            %mul3A_464 = arith.muli %scan3A_344, %mul3A_463 : i32
            %add3A_465 = arith.constant 11 : i32
            %add3A_466 = arith.addi %mul3A_464, %add3A_465 : i32
            %swap3A = arith.constant 0 : i32
            %swap3A_467 = arith.constant 0 : i32
            %swap3A_468 = tpu.memref_slice %arg6[%rem3A_216, %swap3A, %swap3A_467] : memref<7x128x128xf32, #tpu.memory_space<vmem>> -> memref<1x128x128xf32, #tpu.memory_space<vmem>>
            %swap3A_469 = tpu.memref_squeeze %swap3A_468 : memref<1x128x128xf32, #tpu.memory_space<vmem>> -> memref<128x128xf32, #tpu.memory_space<vmem>>
            %swap3A_470 = arith.index_cast %add3A_466 : i32 to index
            %swap3A_471 = arith.constant 0 : index
            %swap3A_472 = tpu.vector_load %swap3A_469[%swap3A_470, %swap3A_471] {strides = array<i32>} : memref<128x128xf32, #tpu.memory_space<vmem>>, vector<1x16xf32>,
            %swap3A_473 = vector.shape_cast %swap3A_472 : vector<1x16xf32> to vector<16xf32>
            %swap3A_474 = vector.shape_cast %broadcast_in_dim3A_3 : vector<16xf32> to vector<1x16xf32>
            tpu.vector_store %swap3A_469[%swap3A_470, %swap3A_471], %swap3A_474 {strides = array<i32>} : memref<128x128xf32, #tpu.memory_space<vmem>>, vector<1x16xf32>,
            %mul3A_475 = arith.constant 16 : i32
            %mul3A_476 = arith.muli %scan3A_344, %mul3A_475 : i32
            %add3A_477 = arith.constant 11 : i32
            %add3A_478 = arith.addi %mul3A_476, %add3A_477 : i32
            %swap3A_479 = arith.constant 0 : i32
            %swap3A_480 = arith.constant 0 : i32
            %swap3A_481 = tpu.memref_slice %arg6[%rem3A_216, %swap3A_479, %swap3A_480] : memref<7x128x128xf32, #tpu.memory_space<vmem>> -> memref<1x128x128xf32, #tpu.memory_space<vmem>>
            %swap3A_482 = tpu.memref_squeeze %swap3A_481 : memref<1x128x128xf32, #tpu.memory_space<vmem>> -> memref<128x128xf32, #tpu.memory_space<vmem>>
            %swap3A_483 = arith.index_cast %add3A_478 : i32 to index
            %swap3A_484 = arith.constant 16 : index
            %swap3A_485 = tpu.vector_load %swap3A_482[%swap3A_483, %swap3A_484] {strides = array<i32>} : memref<128x128xf32, #tpu.memory_space<vmem>>, vector<1x16xf32>,
            %swap3A_486 = vector.shape_cast %swap3A_485 : vector<1x16xf32> to vector<16xf32>
            %swap3A_487 = vector.shape_cast %broadcast_in_dim3A_3 : vector<16xf32> to vector<1x16xf32>
            tpu.vector_store %swap3A_482[%swap3A_483, %swap3A_484], %swap3A_487 {strides = array<i32>} : memref<128x128xf32, #tpu.memory_space<vmem>>, vector<1x16xf32>,
            %mul3A_488 = arith.constant 16 : i32
            %mul3A_489 = arith.muli %scan3A_344, %mul3A_488 : i32
            %add3A_490 = arith.constant 11 : i32
            %add3A_491 = arith.addi %mul3A_489, %add3A_490 : i32
            %swap3A_492 = arith.constant 0 : i32
            %swap3A_493 = arith.constant 0 : i32
            %swap3A_494 = tpu.memref_slice %arg6[%rem3A_216, %swap3A_492, %swap3A_493] : memref<7x128x128xf32, #tpu.memory_space<vmem>> -> memref<1x128x128xf32, #tpu.memory_space<vmem>>
            %swap3A_495 = tpu.memref_squeeze %swap3A_494 : memref<1x128x128xf32, #tpu.memory_space<vmem>> -> memref<128x128xf32, #tpu.memory_space<vmem>>
            %swap3A_496 = arith.index_cast %add3A_491 : i32 to index
            %swap3A_497 = arith.constant 32 : index
            %swap3A_498 = tpu.vector_load %swap3A_495[%swap3A_496, %swap3A_497] {strides = array<i32>} : memref<128x128xf32, #tpu.memory_space<vmem>>, vector<1x16xf32>,
            %swap3A_499 = vector.shape_cast %swap3A_498 : vector<1x16xf32> to vector<16xf32>
            %swap3A_500 = vector.shape_cast %broadcast_in_dim3A_3 : vector<16xf32> to vector<1x16xf32>
            tpu.vector_store %swap3A_495[%swap3A_496, %swap3A_497], %swap3A_500 {strides = array<i32>} : memref<128x128xf32, #tpu.memory_space<vmem>>, vector<1x16xf32>,
            %mul3A_501 = arith.constant 16 : i32
            %mul3A_502 = arith.muli %scan3A_344, %mul3A_501 : i32
            %add3A_503 = arith.constant 11 : i32
            %add3A_504 = arith.addi %mul3A_502, %add3A_503 : i32
            %swap3A_505 = arith.constant 0 : i32
            %swap3A_506 = arith.constant 0 : i32
            %swap3A_507 = tpu.memref_slice %arg6[%rem3A_216, %swap3A_505, %swap3A_506] : memref<7x128x128xf32, #tpu.memory_space<vmem>> -> memref<1x128x128xf32, #tpu.memory_space<vmem>>
            %swap3A_508 = tpu.memref_squeeze %swap3A_507 : memref<1x128x128xf32, #tpu.memory_space<vmem>> -> memref<128x128xf32, #tpu.memory_space<vmem>>
            %swap3A_509 = arith.index_cast %add3A_504 : i32 to index
            %swap3A_510 = arith.constant 48 : index
            %swap3A_511 = tpu.vector_load %swap3A_508[%swap3A_509, %swap3A_510] {strides = array<i32>} : memref<128x128xf32, #tpu.memory_space<vmem>>, vector<1x16xf32>,
            %swap3A_512 = vector.shape_cast %swap3A_511 : vector<1x16xf32> to vector<16xf32>
            %swap3A_513 = vector.shape_cast %broadcast_in_dim3A_3 : vector<16xf32> to vector<1x16xf32>
            tpu.vector_store %swap3A_508[%swap3A_509, %swap3A_510], %swap3A_513 {strides = array<i32>} : memref<128x128xf32, #tpu.memory_space<vmem>>, vector<1x16xf32>,
            %mul3A_514 = arith.constant 16 : i32
            %mul3A_515 = arith.muli %scan3A_344, %mul3A_514 : i32
            %add3A_516 = arith.constant 11 : i32
            %add3A_517 = arith.addi %mul3A_515, %add3A_516 : i32
            %swap3A_518 = arith.constant 0 : i32
            %swap3A_519 = arith.constant 0 : i32
            %swap3A_520 = tpu.memref_slice %arg6[%rem3A_216, %swap3A_518, %swap3A_519] : memref<7x128x128xf32, #tpu.memory_space<vmem>> -> memref<1x128x128xf32, #tpu.memory_space<vmem>>
            %swap3A_521 = tpu.memref_squeeze %swap3A_520 : memref<1x128x128xf32, #tpu.memory_space<vmem>> -> memref<128x128xf32, #tpu.memory_space<vmem>>
            %swap3A_522 = arith.index_cast %add3A_517 : i32 to index
            %swap3A_523 = arith.constant 64 : index
            %swap3A_524 = tpu.vector_load %swap3A_521[%swap3A_522, %swap3A_523] {strides = array<i32>} : memref<128x128xf32, #tpu.memory_space<vmem>>, vector<1x16xf32>,
            %swap3A_525 = vector.shape_cast %swap3A_524 : vector<1x16xf32> to vector<16xf32>
            %swap3A_526 = vector.shape_cast %broadcast_in_dim3A_3 : vector<16xf32> to vector<1x16xf32>
            tpu.vector_store %swap3A_521[%swap3A_522, %swap3A_523], %swap3A_526 {strides = array<i32>} : memref<128x128xf32, #tpu.memory_space<vmem>>, vector<1x16xf32>,
            %mul3A_527 = arith.constant 16 : i32
            %mul3A_528 = arith.muli %scan3A_344, %mul3A_527 : i32
            %add3A_529 = arith.constant 11 : i32
            %add3A_530 = arith.addi %mul3A_528, %add3A_529 : i32
            %swap3A_531 = arith.constant 0 : i32
            %swap3A_532 = arith.constant 0 : i32
            %swap3A_533 = tpu.memref_slice %arg6[%rem3A_216, %swap3A_531, %swap3A_532] : memref<7x128x128xf32, #tpu.memory_space<vmem>> -> memref<1x128x128xf32, #tpu.memory_space<vmem>>
            %swap3A_534 = tpu.memref_squeeze %swap3A_533 : memref<1x128x128xf32, #tpu.memory_space<vmem>> -> memref<128x128xf32, #tpu.memory_space<vmem>>
            %swap3A_535 = arith.index_cast %add3A_530 : i32 to index
            %swap3A_536 = arith.constant 80 : index
            %swap3A_537 = tpu.vector_load %swap3A_534[%swap3A_535, %swap3A_536] {strides = array<i32>} : memref<128x128xf32, #tpu.memory_space<vmem>>, vector<1x16xf32>,
            %swap3A_538 = vector.shape_cast %swap3A_537 : vector<1x16xf32> to vector<16xf32>
            %swap3A_539 = vector.shape_cast %broadcast_in_dim3A_3 : vector<16xf32> to vector<1x16xf32>
            tpu.vector_store %swap3A_534[%swap3A_535, %swap3A_536], %swap3A_539 {strides = array<i32>} : memref<128x128xf32, #tpu.memory_space<vmem>>, vector<1x16xf32>,
            %mul3A_540 = arith.constant 16 : i32
            %mul3A_541 = arith.muli %scan3A_344, %mul3A_540 : i32
            %add3A_542 = arith.constant 11 : i32
            %add3A_543 = arith.addi %mul3A_541, %add3A_542 : i32
            %swap3A_544 = arith.constant 0 : i32
            %swap3A_545 = arith.constant 0 : i32
            %swap3A_546 = tpu.memref_slice %arg6[%rem3A_216, %swap3A_544, %swap3A_545] : memref<7x128x128xf32, #tpu.memory_space<vmem>> -> memref<1x128x128xf32, #tpu.memory_space<vmem>>
            %swap3A_547 = tpu.memref_squeeze %swap3A_546 : memref<1x128x128xf32, #tpu.memory_space<vmem>> -> memref<128x128xf32, #tpu.memory_space<vmem>>
            %swap3A_548 = arith.index_cast %add3A_543 : i32 to index
            %swap3A_549 = arith.constant 96 : index
            %swap3A_550 = tpu.vector_load %swap3A_547[%swap3A_548, %swap3A_549] {strides = array<i32>} : memref<128x128xf32, #tpu.memory_space<vmem>>, vector<1x16xf32>,
            %swap3A_551 = vector.shape_cast %swap3A_550 : vector<1x16xf32> to vector<16xf32>
            %swap3A_552 = vector.shape_cast %broadcast_in_dim3A_3 : vector<16xf32> to vector<1x16xf32>
            tpu.vector_store %swap3A_547[%swap3A_548, %swap3A_549], %swap3A_552 {strides = array<i32>} : memref<128x128xf32, #tpu.memory_space<vmem>>, vector<1x16xf32>,
            %mul3A_553 = arith.constant 16 : i32
            %mul3A_554 = arith.muli %scan3A_344, %mul3A_553 : i32
            %add3A_555 = arith.constant 11 : i32
            %add3A_556 = arith.addi %mul3A_554, %add3A_555 : i32
            %swap3A_557 = arith.constant 0 : i32
            %swap3A_558 = arith.constant 0 : i32
            %swap3A_559 = tpu.memref_slice %arg6[%rem3A_216, %swap3A_557, %swap3A_558] : memref<7x128x128xf32, #tpu.memory_space<vmem>> -> memref<1x128x128xf32, #tpu.memory_space<vmem>>
            %swap3A_560 = tpu.memref_squeeze %swap3A_559 : memref<1x128x128xf32, #tpu.memory_space<vmem>> -> memref<128x128xf32, #tpu.memory_space<vmem>>
            %swap3A_561 = arith.index_cast %add3A_556 : i32 to index
            %swap3A_562 = arith.constant 112 : index
            %swap3A_563 = tpu.vector_load %swap3A_560[%swap3A_561, %swap3A_562] {strides = array<i32>} : memref<128x128xf32, #tpu.memory_space<vmem>>, vector<1x16xf32>,
            %swap3A_564 = vector.shape_cast %swap3A_563 : vector<1x16xf32> to vector<16xf32>
            %swap3A_565 = vector.shape_cast %broadcast_in_dim3A_3 : vector<16xf32> to vector<1x16xf32>
            tpu.vector_store %swap3A_560[%swap3A_561, %swap3A_562], %swap3A_565 {strides = array<i32>} : memref<128x128xf32, #tpu.memory_space<vmem>>, vector<1x16xf32>,
          } else {
          }
          %slice3A_435 = vector.extract_strided_slice %get3A_350 {offsets = [12], sizes = [1], strides = [1]} : vector<16xi32> to vector<1xi32>
          %squeeze3A_436 = vector.extract %slice3A_435[0] : i32 from vector<1xi32>
          %eq3A_437 = arith.constant 0 : i32
          %eq3A_438 = arith.cmpi eq, %squeeze3A_436, %eq3A_437 : i32
          %convert_element_type3A_439 = arith.extui %eq3A_438 : i1 to i32
          %cond3A_440 = arith.constant 0 : i32
          %cond3A_441 = arith.cmpi ne, %convert_element_type3A_439, %cond3A_440 : i32
          scf.if %cond3A_441 {
            %mul3A_463 = arith.constant 16 : i32
            %mul3A_464 = arith.muli %scan3A_344, %mul3A_463 : i32
            %add3A_465 = arith.constant 12 : i32
            %add3A_466 = arith.addi %mul3A_464, %add3A_465 : i32
            %swap3A = arith.constant 0 : i32
            %swap3A_467 = arith.constant 0 : i32
            %swap3A_468 = tpu.memref_slice %arg6[%rem3A_216, %swap3A, %swap3A_467] : memref<7x128x128xf32, #tpu.memory_space<vmem>> -> memref<1x128x128xf32, #tpu.memory_space<vmem>>
            %swap3A_469 = tpu.memref_squeeze %swap3A_468 : memref<1x128x128xf32, #tpu.memory_space<vmem>> -> memref<128x128xf32, #tpu.memory_space<vmem>>
            %swap3A_470 = arith.index_cast %add3A_466 : i32 to index
            %swap3A_471 = arith.constant 0 : index
            %swap3A_472 = tpu.vector_load %swap3A_469[%swap3A_470, %swap3A_471] {strides = array<i32>} : memref<128x128xf32, #tpu.memory_space<vmem>>, vector<1x16xf32>,
            %swap3A_473 = vector.shape_cast %swap3A_472 : vector<1x16xf32> to vector<16xf32>
            %swap3A_474 = vector.shape_cast %broadcast_in_dim3A_3 : vector<16xf32> to vector<1x16xf32>
            tpu.vector_store %swap3A_469[%swap3A_470, %swap3A_471], %swap3A_474 {strides = array<i32>} : memref<128x128xf32, #tpu.memory_space<vmem>>, vector<1x16xf32>,
            %mul3A_475 = arith.constant 16 : i32
            %mul3A_476 = arith.muli %scan3A_344, %mul3A_475 : i32
            %add3A_477 = arith.constant 12 : i32
            %add3A_478 = arith.addi %mul3A_476, %add3A_477 : i32
            %swap3A_479 = arith.constant 0 : i32
            %swap3A_480 = arith.constant 0 : i32
            %swap3A_481 = tpu.memref_slice %arg6[%rem3A_216, %swap3A_479, %swap3A_480] : memref<7x128x128xf32, #tpu.memory_space<vmem>> -> memref<1x128x128xf32, #tpu.memory_space<vmem>>
            %swap3A_482 = tpu.memref_squeeze %swap3A_481 : memref<1x128x128xf32, #tpu.memory_space<vmem>> -> memref<128x128xf32, #tpu.memory_space<vmem>>
            %swap3A_483 = arith.index_cast %add3A_478 : i32 to index
            %swap3A_484 = arith.constant 16 : index
            %swap3A_485 = tpu.vector_load %swap3A_482[%swap3A_483, %swap3A_484] {strides = array<i32>} : memref<128x128xf32, #tpu.memory_space<vmem>>, vector<1x16xf32>,
            %swap3A_486 = vector.shape_cast %swap3A_485 : vector<1x16xf32> to vector<16xf32>
            %swap3A_487 = vector.shape_cast %broadcast_in_dim3A_3 : vector<16xf32> to vector<1x16xf32>
            tpu.vector_store %swap3A_482[%swap3A_483, %swap3A_484], %swap3A_487 {strides = array<i32>} : memref<128x128xf32, #tpu.memory_space<vmem>>, vector<1x16xf32>,
            %mul3A_488 = arith.constant 16 : i32
            %mul3A_489 = arith.muli %scan3A_344, %mul3A_488 : i32
            %add3A_490 = arith.constant 12 : i32
            %add3A_491 = arith.addi %mul3A_489, %add3A_490 : i32
            %swap3A_492 = arith.constant 0 : i32
            %swap3A_493 = arith.constant 0 : i32
            %swap3A_494 = tpu.memref_slice %arg6[%rem3A_216, %swap3A_492, %swap3A_493] : memref<7x128x128xf32, #tpu.memory_space<vmem>> -> memref<1x128x128xf32, #tpu.memory_space<vmem>>
            %swap3A_495 = tpu.memref_squeeze %swap3A_494 : memref<1x128x128xf32, #tpu.memory_space<vmem>> -> memref<128x128xf32, #tpu.memory_space<vmem>>
            %swap3A_496 = arith.index_cast %add3A_491 : i32 to index
            %swap3A_497 = arith.constant 32 : index
            %swap3A_498 = tpu.vector_load %swap3A_495[%swap3A_496, %swap3A_497] {strides = array<i32>} : memref<128x128xf32, #tpu.memory_space<vmem>>, vector<1x16xf32>,
            %swap3A_499 = vector.shape_cast %swap3A_498 : vector<1x16xf32> to vector<16xf32>
            %swap3A_500 = vector.shape_cast %broadcast_in_dim3A_3 : vector<16xf32> to vector<1x16xf32>
            tpu.vector_store %swap3A_495[%swap3A_496, %swap3A_497], %swap3A_500 {strides = array<i32>} : memref<128x128xf32, #tpu.memory_space<vmem>>, vector<1x16xf32>,
            %mul3A_501 = arith.constant 16 : i32
            %mul3A_502 = arith.muli %scan3A_344, %mul3A_501 : i32
            %add3A_503 = arith.constant 12 : i32
            %add3A_504 = arith.addi %mul3A_502, %add3A_503 : i32
            %swap3A_505 = arith.constant 0 : i32
            %swap3A_506 = arith.constant 0 : i32
            %swap3A_507 = tpu.memref_slice %arg6[%rem3A_216, %swap3A_505, %swap3A_506] : memref<7x128x128xf32, #tpu.memory_space<vmem>> -> memref<1x128x128xf32, #tpu.memory_space<vmem>>
            %swap3A_508 = tpu.memref_squeeze %swap3A_507 : memref<1x128x128xf32, #tpu.memory_space<vmem>> -> memref<128x128xf32, #tpu.memory_space<vmem>>
            %swap3A_509 = arith.index_cast %add3A_504 : i32 to index
            %swap3A_510 = arith.constant 48 : index
            %swap3A_511 = tpu.vector_load %swap3A_508[%swap3A_509, %swap3A_510] {strides = array<i32>} : memref<128x128xf32, #tpu.memory_space<vmem>>, vector<1x16xf32>,
            %swap3A_512 = vector.shape_cast %swap3A_511 : vector<1x16xf32> to vector<16xf32>
            %swap3A_513 = vector.shape_cast %broadcast_in_dim3A_3 : vector<16xf32> to vector<1x16xf32>
            tpu.vector_store %swap3A_508[%swap3A_509, %swap3A_510], %swap3A_513 {strides = array<i32>} : memref<128x128xf32, #tpu.memory_space<vmem>>, vector<1x16xf32>,
            %mul3A_514 = arith.constant 16 : i32
            %mul3A_515 = arith.muli %scan3A_344, %mul3A_514 : i32
            %add3A_516 = arith.constant 12 : i32
            %add3A_517 = arith.addi %mul3A_515, %add3A_516 : i32
            %swap3A_518 = arith.constant 0 : i32
            %swap3A_519 = arith.constant 0 : i32
            %swap3A_520 = tpu.memref_slice %arg6[%rem3A_216, %swap3A_518, %swap3A_519] : memref<7x128x128xf32, #tpu.memory_space<vmem>> -> memref<1x128x128xf32, #tpu.memory_space<vmem>>
            %swap3A_521 = tpu.memref_squeeze %swap3A_520 : memref<1x128x128xf32, #tpu.memory_space<vmem>> -> memref<128x128xf32, #tpu.memory_space<vmem>>
            %swap3A_522 = arith.index_cast %add3A_517 : i32 to index
            %swap3A_523 = arith.constant 64 : index
            %swap3A_524 = tpu.vector_load %swap3A_521[%swap3A_522, %swap3A_523] {strides = array<i32>} : memref<128x128xf32, #tpu.memory_space<vmem>>, vector<1x16xf32>,
            %swap3A_525 = vector.shape_cast %swap3A_524 : vector<1x16xf32> to vector<16xf32>
            %swap3A_526 = vector.shape_cast %broadcast_in_dim3A_3 : vector<16xf32> to vector<1x16xf32>
            tpu.vector_store %swap3A_521[%swap3A_522, %swap3A_523], %swap3A_526 {strides = array<i32>} : memref<128x128xf32, #tpu.memory_space<vmem>>, vector<1x16xf32>,
            %mul3A_527 = arith.constant 16 : i32
            %mul3A_528 = arith.muli %scan3A_344, %mul3A_527 : i32
            %add3A_529 = arith.constant 12 : i32
            %add3A_530 = arith.addi %mul3A_528, %add3A_529 : i32
            %swap3A_531 = arith.constant 0 : i32
            %swap3A_532 = arith.constant 0 : i32
            %swap3A_533 = tpu.memref_slice %arg6[%rem3A_216, %swap3A_531, %swap3A_532] : memref<7x128x128xf32, #tpu.memory_space<vmem>> -> memref<1x128x128xf32, #tpu.memory_space<vmem>>
            %swap3A_534 = tpu.memref_squeeze %swap3A_533 : memref<1x128x128xf32, #tpu.memory_space<vmem>> -> memref<128x128xf32, #tpu.memory_space<vmem>>
            %swap3A_535 = arith.index_cast %add3A_530 : i32 to index
            %swap3A_536 = arith.constant 80 : index
            %swap3A_537 = tpu.vector_load %swap3A_534[%swap3A_535, %swap3A_536] {strides = array<i32>} : memref<128x128xf32, #tpu.memory_space<vmem>>, vector<1x16xf32>,
            %swap3A_538 = vector.shape_cast %swap3A_537 : vector<1x16xf32> to vector<16xf32>
            %swap3A_539 = vector.shape_cast %broadcast_in_dim3A_3 : vector<16xf32> to vector<1x16xf32>
            tpu.vector_store %swap3A_534[%swap3A_535, %swap3A_536], %swap3A_539 {strides = array<i32>} : memref<128x128xf32, #tpu.memory_space<vmem>>, vector<1x16xf32>,
            %mul3A_540 = arith.constant 16 : i32
            %mul3A_541 = arith.muli %scan3A_344, %mul3A_540 : i32
            %add3A_542 = arith.constant 12 : i32
            %add3A_543 = arith.addi %mul3A_541, %add3A_542 : i32
            %swap3A_544 = arith.constant 0 : i32
            %swap3A_545 = arith.constant 0 : i32
            %swap3A_546 = tpu.memref_slice %arg6[%rem3A_216, %swap3A_544, %swap3A_545] : memref<7x128x128xf32, #tpu.memory_space<vmem>> -> memref<1x128x128xf32, #tpu.memory_space<vmem>>
            %swap3A_547 = tpu.memref_squeeze %swap3A_546 : memref<1x128x128xf32, #tpu.memory_space<vmem>> -> memref<128x128xf32, #tpu.memory_space<vmem>>
            %swap3A_548 = arith.index_cast %add3A_543 : i32 to index
            %swap3A_549 = arith.constant 96 : index
            %swap3A_550 = tpu.vector_load %swap3A_547[%swap3A_548, %swap3A_549] {strides = array<i32>} : memref<128x128xf32, #tpu.memory_space<vmem>>, vector<1x16xf32>,
            %swap3A_551 = vector.shape_cast %swap3A_550 : vector<1x16xf32> to vector<16xf32>
            %swap3A_552 = vector.shape_cast %broadcast_in_dim3A_3 : vector<16xf32> to vector<1x16xf32>
            tpu.vector_store %swap3A_547[%swap3A_548, %swap3A_549], %swap3A_552 {strides = array<i32>} : memref<128x128xf32, #tpu.memory_space<vmem>>, vector<1x16xf32>,
            %mul3A_553 = arith.constant 16 : i32
            %mul3A_554 = arith.muli %scan3A_344, %mul3A_553 : i32
            %add3A_555 = arith.constant 12 : i32
            %add3A_556 = arith.addi %mul3A_554, %add3A_555 : i32
            %swap3A_557 = arith.constant 0 : i32
            %swap3A_558 = arith.constant 0 : i32
            %swap3A_559 = tpu.memref_slice %arg6[%rem3A_216, %swap3A_557, %swap3A_558] : memref<7x128x128xf32, #tpu.memory_space<vmem>> -> memref<1x128x128xf32, #tpu.memory_space<vmem>>
            %swap3A_560 = tpu.memref_squeeze %swap3A_559 : memref<1x128x128xf32, #tpu.memory_space<vmem>> -> memref<128x128xf32, #tpu.memory_space<vmem>>
            %swap3A_561 = arith.index_cast %add3A_556 : i32 to index
            %swap3A_562 = arith.constant 112 : index
            %swap3A_563 = tpu.vector_load %swap3A_560[%swap3A_561, %swap3A_562] {strides = array<i32>} : memref<128x128xf32, #tpu.memory_space<vmem>>, vector<1x16xf32>,
            %swap3A_564 = vector.shape_cast %swap3A_563 : vector<1x16xf32> to vector<16xf32>
            %swap3A_565 = vector.shape_cast %broadcast_in_dim3A_3 : vector<16xf32> to vector<1x16xf32>
            tpu.vector_store %swap3A_560[%swap3A_561, %swap3A_562], %swap3A_565 {strides = array<i32>} : memref<128x128xf32, #tpu.memory_space<vmem>>, vector<1x16xf32>,
          } else {
          }
          %slice3A_442 = vector.extract_strided_slice %get3A_350 {offsets = [13], sizes = [1], strides = [1]} : vector<16xi32> to vector<1xi32>
          %squeeze3A_443 = vector.extract %slice3A_442[0] : i32 from vector<1xi32>
          %eq3A_444 = arith.constant 0 : i32
          %eq3A_445 = arith.cmpi eq, %squeeze3A_443, %eq3A_444 : i32
          %convert_element_type3A_446 = arith.extui %eq3A_445 : i1 to i32
          %cond3A_447 = arith.constant 0 : i32
          %cond3A_448 = arith.cmpi ne, %convert_element_type3A_446, %cond3A_447 : i32
          scf.if %cond3A_448 {
            %mul3A_463 = arith.constant 16 : i32
            %mul3A_464 = arith.muli %scan3A_344, %mul3A_463 : i32
            %add3A_465 = arith.constant 13 : i32
            %add3A_466 = arith.addi %mul3A_464, %add3A_465 : i32
            %swap3A = arith.constant 0 : i32
            %swap3A_467 = arith.constant 0 : i32
            %swap3A_468 = tpu.memref_slice %arg6[%rem3A_216, %swap3A, %swap3A_467] : memref<7x128x128xf32, #tpu.memory_space<vmem>> -> memref<1x128x128xf32, #tpu.memory_space<vmem>>
            %swap3A_469 = tpu.memref_squeeze %swap3A_468 : memref<1x128x128xf32, #tpu.memory_space<vmem>> -> memref<128x128xf32, #tpu.memory_space<vmem>>
            %swap3A_470 = arith.index_cast %add3A_466 : i32 to index
            %swap3A_471 = arith.constant 0 : index
            %swap3A_472 = tpu.vector_load %swap3A_469[%swap3A_470, %swap3A_471] {strides = array<i32>} : memref<128x128xf32, #tpu.memory_space<vmem>>, vector<1x16xf32>,
            %swap3A_473 = vector.shape_cast %swap3A_472 : vector<1x16xf32> to vector<16xf32>
            %swap3A_474 = vector.shape_cast %broadcast_in_dim3A_3 : vector<16xf32> to vector<1x16xf32>
            tpu.vector_store %swap3A_469[%swap3A_470, %swap3A_471], %swap3A_474 {strides = array<i32>} : memref<128x128xf32, #tpu.memory_space<vmem>>, vector<1x16xf32>,
            %mul3A_475 = arith.constant 16 : i32
            %mul3A_476 = arith.muli %scan3A_344, %mul3A_475 : i32
            %add3A_477 = arith.constant 13 : i32
            %add3A_478 = arith.addi %mul3A_476, %add3A_477 : i32
            %swap3A_479 = arith.constant 0 : i32
            %swap3A_480 = arith.constant 0 : i32
            %swap3A_481 = tpu.memref_slice %arg6[%rem3A_216, %swap3A_479, %swap3A_480] : memref<7x128x128xf32, #tpu.memory_space<vmem>> -> memref<1x128x128xf32, #tpu.memory_space<vmem>>
            %swap3A_482 = tpu.memref_squeeze %swap3A_481 : memref<1x128x128xf32, #tpu.memory_space<vmem>> -> memref<128x128xf32, #tpu.memory_space<vmem>>
            %swap3A_483 = arith.index_cast %add3A_478 : i32 to index
            %swap3A_484 = arith.constant 16 : index
            %swap3A_485 = tpu.vector_load %swap3A_482[%swap3A_483, %swap3A_484] {strides = array<i32>} : memref<128x128xf32, #tpu.memory_space<vmem>>, vector<1x16xf32>,
            %swap3A_486 = vector.shape_cast %swap3A_485 : vector<1x16xf32> to vector<16xf32>
            %swap3A_487 = vector.shape_cast %broadcast_in_dim3A_3 : vector<16xf32> to vector<1x16xf32>
            tpu.vector_store %swap3A_482[%swap3A_483, %swap3A_484], %swap3A_487 {strides = array<i32>} : memref<128x128xf32, #tpu.memory_space<vmem>>, vector<1x16xf32>,
            %mul3A_488 = arith.constant 16 : i32
            %mul3A_489 = arith.muli %scan3A_344, %mul3A_488 : i32
            %add3A_490 = arith.constant 13 : i32
            %add3A_491 = arith.addi %mul3A_489, %add3A_490 : i32
            %swap3A_492 = arith.constant 0 : i32
            %swap3A_493 = arith.constant 0 : i32
            %swap3A_494 = tpu.memref_slice %arg6[%rem3A_216, %swap3A_492, %swap3A_493] : memref<7x128x128xf32, #tpu.memory_space<vmem>> -> memref<1x128x128xf32, #tpu.memory_space<vmem>>
            %swap3A_495 = tpu.memref_squeeze %swap3A_494 : memref<1x128x128xf32, #tpu.memory_space<vmem>> -> memref<128x128xf32, #tpu.memory_space<vmem>>
            %swap3A_496 = arith.index_cast %add3A_491 : i32 to index
            %swap3A_497 = arith.constant 32 : index
            %swap3A_498 = tpu.vector_load %swap3A_495[%swap3A_496, %swap3A_497] {strides = array<i32>} : memref<128x128xf32, #tpu.memory_space<vmem>>, vector<1x16xf32>,
            %swap3A_499 = vector.shape_cast %swap3A_498 : vector<1x16xf32> to vector<16xf32>
            %swap3A_500 = vector.shape_cast %broadcast_in_dim3A_3 : vector<16xf32> to vector<1x16xf32>
            tpu.vector_store %swap3A_495[%swap3A_496, %swap3A_497], %swap3A_500 {strides = array<i32>} : memref<128x128xf32, #tpu.memory_space<vmem>>, vector<1x16xf32>,
            %mul3A_501 = arith.constant 16 : i32
            %mul3A_502 = arith.muli %scan3A_344, %mul3A_501 : i32
            %add3A_503 = arith.constant 13 : i32
            %add3A_504 = arith.addi %mul3A_502, %add3A_503 : i32
            %swap3A_505 = arith.constant 0 : i32
            %swap3A_506 = arith.constant 0 : i32
            %swap3A_507 = tpu.memref_slice %arg6[%rem3A_216, %swap3A_505, %swap3A_506] : memref<7x128x128xf32, #tpu.memory_space<vmem>> -> memref<1x128x128xf32, #tpu.memory_space<vmem>>
            %swap3A_508 = tpu.memref_squeeze %swap3A_507 : memref<1x128x128xf32, #tpu.memory_space<vmem>> -> memref<128x128xf32, #tpu.memory_space<vmem>>
            %swap3A_509 = arith.index_cast %add3A_504 : i32 to index
            %swap3A_510 = arith.constant 48 : index
            %swap3A_511 = tpu.vector_load %swap3A_508[%swap3A_509, %swap3A_510] {strides = array<i32>} : memref<128x128xf32, #tpu.memory_space<vmem>>, vector<1x16xf32>,
            %swap3A_512 = vector.shape_cast %swap3A_511 : vector<1x16xf32> to vector<16xf32>
            %swap3A_513 = vector.shape_cast %broadcast_in_dim3A_3 : vector<16xf32> to vector<1x16xf32>
            tpu.vector_store %swap3A_508[%swap3A_509, %swap3A_510], %swap3A_513 {strides = array<i32>} : memref<128x128xf32, #tpu.memory_space<vmem>>, vector<1x16xf32>,
            %mul3A_514 = arith.constant 16 : i32
            %mul3A_515 = arith.muli %scan3A_344, %mul3A_514 : i32
            %add3A_516 = arith.constant 13 : i32
            %add3A_517 = arith.addi %mul3A_515, %add3A_516 : i32
            %swap3A_518 = arith.constant 0 : i32
            %swap3A_519 = arith.constant 0 : i32
            %swap3A_520 = tpu.memref_slice %arg6[%rem3A_216, %swap3A_518, %swap3A_519] : memref<7x128x128xf32, #tpu.memory_space<vmem>> -> memref<1x128x128xf32, #tpu.memory_space<vmem>>
            %swap3A_521 = tpu.memref_squeeze %swap3A_520 : memref<1x128x128xf32, #tpu.memory_space<vmem>> -> memref<128x128xf32, #tpu.memory_space<vmem>>
            %swap3A_522 = arith.index_cast %add3A_517 : i32 to index
            %swap3A_523 = arith.constant 64 : index
            %swap3A_524 = tpu.vector_load %swap3A_521[%swap3A_522, %swap3A_523] {strides = array<i32>} : memref<128x128xf32, #tpu.memory_space<vmem>>, vector<1x16xf32>,
            %swap3A_525 = vector.shape_cast %swap3A_524 : vector<1x16xf32> to vector<16xf32>
            %swap3A_526 = vector.shape_cast %broadcast_in_dim3A_3 : vector<16xf32> to vector<1x16xf32>
            tpu.vector_store %swap3A_521[%swap3A_522, %swap3A_523], %swap3A_526 {strides = array<i32>} : memref<128x128xf32, #tpu.memory_space<vmem>>, vector<1x16xf32>,
            %mul3A_527 = arith.constant 16 : i32
            %mul3A_528 = arith.muli %scan3A_344, %mul3A_527 : i32
            %add3A_529 = arith.constant 13 : i32
            %add3A_530 = arith.addi %mul3A_528, %add3A_529 : i32
            %swap3A_531 = arith.constant 0 : i32
            %swap3A_532 = arith.constant 0 : i32
            %swap3A_533 = tpu.memref_slice %arg6[%rem3A_216, %swap3A_531, %swap3A_532] : memref<7x128x128xf32, #tpu.memory_space<vmem>> -> memref<1x128x128xf32, #tpu.memory_space<vmem>>
            %swap3A_534 = tpu.memref_squeeze %swap3A_533 : memref<1x128x128xf32, #tpu.memory_space<vmem>> -> memref<128x128xf32, #tpu.memory_space<vmem>>
            %swap3A_535 = arith.index_cast %add3A_530 : i32 to index
            %swap3A_536 = arith.constant 80 : index
            %swap3A_537 = tpu.vector_load %swap3A_534[%swap3A_535, %swap3A_536] {strides = array<i32>} : memref<128x128xf32, #tpu.memory_space<vmem>>, vector<1x16xf32>,
            %swap3A_538 = vector.shape_cast %swap3A_537 : vector<1x16xf32> to vector<16xf32>
            %swap3A_539 = vector.shape_cast %broadcast_in_dim3A_3 : vector<16xf32> to vector<1x16xf32>
            tpu.vector_store %swap3A_534[%swap3A_535, %swap3A_536], %swap3A_539 {strides = array<i32>} : memref<128x128xf32, #tpu.memory_space<vmem>>, vector<1x16xf32>,
            %mul3A_540 = arith.constant 16 : i32
            %mul3A_541 = arith.muli %scan3A_344, %mul3A_540 : i32
            %add3A_542 = arith.constant 13 : i32
            %add3A_543 = arith.addi %mul3A_541, %add3A_542 : i32
            %swap3A_544 = arith.constant 0 : i32
            %swap3A_545 = arith.constant 0 : i32
            %swap3A_546 = tpu.memref_slice %arg6[%rem3A_216, %swap3A_544, %swap3A_545] : memref<7x128x128xf32, #tpu.memory_space<vmem>> -> memref<1x128x128xf32, #tpu.memory_space<vmem>>
            %swap3A_547 = tpu.memref_squeeze %swap3A_546 : memref<1x128x128xf32, #tpu.memory_space<vmem>> -> memref<128x128xf32, #tpu.memory_space<vmem>>
            %swap3A_548 = arith.index_cast %add3A_543 : i32 to index
            %swap3A_549 = arith.constant 96 : index
            %swap3A_550 = tpu.vector_load %swap3A_547[%swap3A_548, %swap3A_549] {strides = array<i32>} : memref<128x128xf32, #tpu.memory_space<vmem>>, vector<1x16xf32>,
            %swap3A_551 = vector.shape_cast %swap3A_550 : vector<1x16xf32> to vector<16xf32>
            %swap3A_552 = vector.shape_cast %broadcast_in_dim3A_3 : vector<16xf32> to vector<1x16xf32>
            tpu.vector_store %swap3A_547[%swap3A_548, %swap3A_549], %swap3A_552 {strides = array<i32>} : memref<128x128xf32, #tpu.memory_space<vmem>>, vector<1x16xf32>,
            %mul3A_553 = arith.constant 16 : i32
            %mul3A_554 = arith.muli %scan3A_344, %mul3A_553 : i32
            %add3A_555 = arith.constant 13 : i32
            %add3A_556 = arith.addi %mul3A_554, %add3A_555 : i32
            %swap3A_557 = arith.constant 0 : i32
            %swap3A_558 = arith.constant 0 : i32
            %swap3A_559 = tpu.memref_slice %arg6[%rem3A_216, %swap3A_557, %swap3A_558] : memref<7x128x128xf32, #tpu.memory_space<vmem>> -> memref<1x128x128xf32, #tpu.memory_space<vmem>>
            %swap3A_560 = tpu.memref_squeeze %swap3A_559 : memref<1x128x128xf32, #tpu.memory_space<vmem>> -> memref<128x128xf32, #tpu.memory_space<vmem>>
            %swap3A_561 = arith.index_cast %add3A_556 : i32 to index
            %swap3A_562 = arith.constant 112 : index
            %swap3A_563 = tpu.vector_load %swap3A_560[%swap3A_561, %swap3A_562] {strides = array<i32>} : memref<128x128xf32, #tpu.memory_space<vmem>>, vector<1x16xf32>,
            %swap3A_564 = vector.shape_cast %swap3A_563 : vector<1x16xf32> to vector<16xf32>
            %swap3A_565 = vector.shape_cast %broadcast_in_dim3A_3 : vector<16xf32> to vector<1x16xf32>
            tpu.vector_store %swap3A_560[%swap3A_561, %swap3A_562], %swap3A_565 {strides = array<i32>} : memref<128x128xf32, #tpu.memory_space<vmem>>, vector<1x16xf32>,
          } else {
          }
          %slice3A_449 = vector.extract_strided_slice %get3A_350 {offsets = [14], sizes = [1], strides = [1]} : vector<16xi32> to vector<1xi32>
          %squeeze3A_450 = vector.extract %slice3A_449[0] : i32 from vector<1xi32>
          %eq3A_451 = arith.constant 0 : i32
          %eq3A_452 = arith.cmpi eq, %squeeze3A_450, %eq3A_451 : i32
          %convert_element_type3A_453 = arith.extui %eq3A_452 : i1 to i32
          %cond3A_454 = arith.constant 0 : i32
          %cond3A_455 = arith.cmpi ne, %convert_element_type3A_453, %cond3A_454 : i32
          scf.if %cond3A_455 {
            %mul3A_463 = arith.constant 16 : i32
            %mul3A_464 = arith.muli %scan3A_344, %mul3A_463 : i32
            %add3A_465 = arith.constant 14 : i32
            %add3A_466 = arith.addi %mul3A_464, %add3A_465 : i32
            %swap3A = arith.constant 0 : i32
            %swap3A_467 = arith.constant 0 : i32
            %swap3A_468 = tpu.memref_slice %arg6[%rem3A_216, %swap3A, %swap3A_467] : memref<7x128x128xf32, #tpu.memory_space<vmem>> -> memref<1x128x128xf32, #tpu.memory_space<vmem>>
            %swap3A_469 = tpu.memref_squeeze %swap3A_468 : memref<1x128x128xf32, #tpu.memory_space<vmem>> -> memref<128x128xf32, #tpu.memory_space<vmem>>
            %swap3A_470 = arith.index_cast %add3A_466 : i32 to index
            %swap3A_471 = arith.constant 0 : index
            %swap3A_472 = tpu.vector_load %swap3A_469[%swap3A_470, %swap3A_471] {strides = array<i32>} : memref<128x128xf32, #tpu.memory_space<vmem>>, vector<1x16xf32>,
            %swap3A_473 = vector.shape_cast %swap3A_472 : vector<1x16xf32> to vector<16xf32>
            %swap3A_474 = vector.shape_cast %broadcast_in_dim3A_3 : vector<16xf32> to vector<1x16xf32>
            tpu.vector_store %swap3A_469[%swap3A_470, %swap3A_471], %swap3A_474 {strides = array<i32>} : memref<128x128xf32, #tpu.memory_space<vmem>>, vector<1x16xf32>,
            %mul3A_475 = arith.constant 16 : i32
            %mul3A_476 = arith.muli %scan3A_344, %mul3A_475 : i32
            %add3A_477 = arith.constant 14 : i32
            %add3A_478 = arith.addi %mul3A_476, %add3A_477 : i32
            %swap3A_479 = arith.constant 0 : i32
            %swap3A_480 = arith.constant 0 : i32
            %swap3A_481 = tpu.memref_slice %arg6[%rem3A_216, %swap3A_479, %swap3A_480] : memref<7x128x128xf32, #tpu.memory_space<vmem>> -> memref<1x128x128xf32, #tpu.memory_space<vmem>>
            %swap3A_482 = tpu.memref_squeeze %swap3A_481 : memref<1x128x128xf32, #tpu.memory_space<vmem>> -> memref<128x128xf32, #tpu.memory_space<vmem>>
            %swap3A_483 = arith.index_cast %add3A_478 : i32 to index
            %swap3A_484 = arith.constant 16 : index
            %swap3A_485 = tpu.vector_load %swap3A_482[%swap3A_483, %swap3A_484] {strides = array<i32>} : memref<128x128xf32, #tpu.memory_space<vmem>>, vector<1x16xf32>,
            %swap3A_486 = vector.shape_cast %swap3A_485 : vector<1x16xf32> to vector<16xf32>
            %swap3A_487 = vector.shape_cast %broadcast_in_dim3A_3 : vector<16xf32> to vector<1x16xf32>
            tpu.vector_store %swap3A_482[%swap3A_483, %swap3A_484], %swap3A_487 {strides = array<i32>} : memref<128x128xf32, #tpu.memory_space<vmem>>, vector<1x16xf32>,
            %mul3A_488 = arith.constant 16 : i32
            %mul3A_489 = arith.muli %scan3A_344, %mul3A_488 : i32
            %add3A_490 = arith.constant 14 : i32
            %add3A_491 = arith.addi %mul3A_489, %add3A_490 : i32
            %swap3A_492 = arith.constant 0 : i32
            %swap3A_493 = arith.constant 0 : i32
            %swap3A_494 = tpu.memref_slice %arg6[%rem3A_216, %swap3A_492, %swap3A_493] : memref<7x128x128xf32, #tpu.memory_space<vmem>> -> memref<1x128x128xf32, #tpu.memory_space<vmem>>
            %swap3A_495 = tpu.memref_squeeze %swap3A_494 : memref<1x128x128xf32, #tpu.memory_space<vmem>> -> memref<128x128xf32, #tpu.memory_space<vmem>>
            %swap3A_496 = arith.index_cast %add3A_491 : i32 to index
            %swap3A_497 = arith.constant 32 : index
            %swap3A_498 = tpu.vector_load %swap3A_495[%swap3A_496, %swap3A_497] {strides = array<i32>} : memref<128x128xf32, #tpu.memory_space<vmem>>, vector<1x16xf32>,
            %swap3A_499 = vector.shape_cast %swap3A_498 : vector<1x16xf32> to vector<16xf32>
            %swap3A_500 = vector.shape_cast %broadcast_in_dim3A_3 : vector<16xf32> to vector<1x16xf32>
            tpu.vector_store %swap3A_495[%swap3A_496, %swap3A_497], %swap3A_500 {strides = array<i32>} : memref<128x128xf32, #tpu.memory_space<vmem>>, vector<1x16xf32>,
            %mul3A_501 = arith.constant 16 : i32
            %mul3A_502 = arith.muli %scan3A_344, %mul3A_501 : i32
            %add3A_503 = arith.constant 14 : i32
            %add3A_504 = arith.addi %mul3A_502, %add3A_503 : i32
            %swap3A_505 = arith.constant 0 : i32
            %swap3A_506 = arith.constant 0 : i32
            %swap3A_507 = tpu.memref_slice %arg6[%rem3A_216, %swap3A_505, %swap3A_506] : memref<7x128x128xf32, #tpu.memory_space<vmem>> -> memref<1x128x128xf32, #tpu.memory_space<vmem>>
            %swap3A_508 = tpu.memref_squeeze %swap3A_507 : memref<1x128x128xf32, #tpu.memory_space<vmem>> -> memref<128x128xf32, #tpu.memory_space<vmem>>
            %swap3A_509 = arith.index_cast %add3A_504 : i32 to index
            %swap3A_510 = arith.constant 48 : index
            %swap3A_511 = tpu.vector_load %swap3A_508[%swap3A_509, %swap3A_510] {strides = array<i32>} : memref<128x128xf32, #tpu.memory_space<vmem>>, vector<1x16xf32>,
            %swap3A_512 = vector.shape_cast %swap3A_511 : vector<1x16xf32> to vector<16xf32>
            %swap3A_513 = vector.shape_cast %broadcast_in_dim3A_3 : vector<16xf32> to vector<1x16xf32>
            tpu.vector_store %swap3A_508[%swap3A_509, %swap3A_510], %swap3A_513 {strides = array<i32>} : memref<128x128xf32, #tpu.memory_space<vmem>>, vector<1x16xf32>,
            %mul3A_514 = arith.constant 16 : i32
            %mul3A_515 = arith.muli %scan3A_344, %mul3A_514 : i32
            %add3A_516 = arith.constant 14 : i32
            %add3A_517 = arith.addi %mul3A_515, %add3A_516 : i32
            %swap3A_518 = arith.constant 0 : i32
            %swap3A_519 = arith.constant 0 : i32
            %swap3A_520 = tpu.memref_slice %arg6[%rem3A_216, %swap3A_518, %swap3A_519] : memref<7x128x128xf32, #tpu.memory_space<vmem>> -> memref<1x128x128xf32, #tpu.memory_space<vmem>>
            %swap3A_521 = tpu.memref_squeeze %swap3A_520 : memref<1x128x128xf32, #tpu.memory_space<vmem>> -> memref<128x128xf32, #tpu.memory_space<vmem>>
            %swap3A_522 = arith.index_cast %add3A_517 : i32 to index
            %swap3A_523 = arith.constant 64 : index
            %swap3A_524 = tpu.vector_load %swap3A_521[%swap3A_522, %swap3A_523] {strides = array<i32>} : memref<128x128xf32, #tpu.memory_space<vmem>>, vector<1x16xf32>,
            %swap3A_525 = vector.shape_cast %swap3A_524 : vector<1x16xf32> to vector<16xf32>
            %swap3A_526 = vector.shape_cast %broadcast_in_dim3A_3 : vector<16xf32> to vector<1x16xf32>
            tpu.vector_store %swap3A_521[%swap3A_522, %swap3A_523], %swap3A_526 {strides = array<i32>} : memref<128x128xf32, #tpu.memory_space<vmem>>, vector<1x16xf32>,
            %mul3A_527 = arith.constant 16 : i32
            %mul3A_528 = arith.muli %scan3A_344, %mul3A_527 : i32
            %add3A_529 = arith.constant 14 : i32
            %add3A_530 = arith.addi %mul3A_528, %add3A_529 : i32
            %swap3A_531 = arith.constant 0 : i32
            %swap3A_532 = arith.constant 0 : i32
            %swap3A_533 = tpu.memref_slice %arg6[%rem3A_216, %swap3A_531, %swap3A_532] : memref<7x128x128xf32, #tpu.memory_space<vmem>> -> memref<1x128x128xf32, #tpu.memory_space<vmem>>
            %swap3A_534 = tpu.memref_squeeze %swap3A_533 : memref<1x128x128xf32, #tpu.memory_space<vmem>> -> memref<128x128xf32, #tpu.memory_space<vmem>>
            %swap3A_535 = arith.index_cast %add3A_530 : i32 to index
            %swap3A_536 = arith.constant 80 : index
            %swap3A_537 = tpu.vector_load %swap3A_534[%swap3A_535, %swap3A_536] {strides = array<i32>} : memref<128x128xf32, #tpu.memory_space<vmem>>, vector<1x16xf32>,
            %swap3A_538 = vector.shape_cast %swap3A_537 : vector<1x16xf32> to vector<16xf32>
            %swap3A_539 = vector.shape_cast %broadcast_in_dim3A_3 : vector<16xf32> to vector<1x16xf32>
            tpu.vector_store %swap3A_534[%swap3A_535, %swap3A_536], %swap3A_539 {strides = array<i32>} : memref<128x128xf32, #tpu.memory_space<vmem>>, vector<1x16xf32>,
            %mul3A_540 = arith.constant 16 : i32
            %mul3A_541 = arith.muli %scan3A_344, %mul3A_540 : i32
            %add3A_542 = arith.constant 14 : i32
            %add3A_543 = arith.addi %mul3A_541, %add3A_542 : i32
            %swap3A_544 = arith.constant 0 : i32
            %swap3A_545 = arith.constant 0 : i32
            %swap3A_546 = tpu.memref_slice %arg6[%rem3A_216, %swap3A_544, %swap3A_545] : memref<7x128x128xf32, #tpu.memory_space<vmem>> -> memref<1x128x128xf32, #tpu.memory_space<vmem>>
            %swap3A_547 = tpu.memref_squeeze %swap3A_546 : memref<1x128x128xf32, #tpu.memory_space<vmem>> -> memref<128x128xf32, #tpu.memory_space<vmem>>
            %swap3A_548 = arith.index_cast %add3A_543 : i32 to index
            %swap3A_549 = arith.constant 96 : index
            %swap3A_550 = tpu.vector_load %swap3A_547[%swap3A_548, %swap3A_549] {strides = array<i32>} : memref<128x128xf32, #tpu.memory_space<vmem>>, vector<1x16xf32>,
            %swap3A_551 = vector.shape_cast %swap3A_550 : vector<1x16xf32> to vector<16xf32>
            %swap3A_552 = vector.shape_cast %broadcast_in_dim3A_3 : vector<16xf32> to vector<1x16xf32>
            tpu.vector_store %swap3A_547[%swap3A_548, %swap3A_549], %swap3A_552 {strides = array<i32>} : memref<128x128xf32, #tpu.memory_space<vmem>>, vector<1x16xf32>,
            %mul3A_553 = arith.constant 16 : i32
            %mul3A_554 = arith.muli %scan3A_344, %mul3A_553 : i32
            %add3A_555 = arith.constant 14 : i32
            %add3A_556 = arith.addi %mul3A_554, %add3A_555 : i32
            %swap3A_557 = arith.constant 0 : i32
            %swap3A_558 = arith.constant 0 : i32
            %swap3A_559 = tpu.memref_slice %arg6[%rem3A_216, %swap3A_557, %swap3A_558] : memref<7x128x128xf32, #tpu.memory_space<vmem>> -> memref<1x128x128xf32, #tpu.memory_space<vmem>>
            %swap3A_560 = tpu.memref_squeeze %swap3A_559 : memref<1x128x128xf32, #tpu.memory_space<vmem>> -> memref<128x128xf32, #tpu.memory_space<vmem>>
            %swap3A_561 = arith.index_cast %add3A_556 : i32 to index
            %swap3A_562 = arith.constant 112 : index
            %swap3A_563 = tpu.vector_load %swap3A_560[%swap3A_561, %swap3A_562] {strides = array<i32>} : memref<128x128xf32, #tpu.memory_space<vmem>>, vector<1x16xf32>,
            %swap3A_564 = vector.shape_cast %swap3A_563 : vector<1x16xf32> to vector<16xf32>
            %swap3A_565 = vector.shape_cast %broadcast_in_dim3A_3 : vector<16xf32> to vector<1x16xf32>
            tpu.vector_store %swap3A_560[%swap3A_561, %swap3A_562], %swap3A_565 {strides = array<i32>} : memref<128x128xf32, #tpu.memory_space<vmem>>, vector<1x16xf32>,
          } else {
          }
          %slice3A_456 = vector.extract_strided_slice %get3A_350 {offsets = [15], sizes = [1], strides = [1]} : vector<16xi32> to vector<1xi32>
          %squeeze3A_457 = vector.extract %slice3A_456[0] : i32 from vector<1xi32>
          %eq3A_458 = arith.constant 0 : i32
          %eq3A_459 = arith.cmpi eq, %squeeze3A_457, %eq3A_458 : i32
          %convert_element_type3A_460 = arith.extui %eq3A_459 : i1 to i32
          %cond3A_461 = arith.constant 0 : i32
          %cond3A_462 = arith.cmpi ne, %convert_element_type3A_460, %cond3A_461 : i32
          scf.if %cond3A_462 {
            %mul3A_463 = arith.constant 16 : i32
            %mul3A_464 = arith.muli %scan3A_344, %mul3A_463 : i32
            %add3A_465 = arith.constant 15 : i32
            %add3A_466 = arith.addi %mul3A_464, %add3A_465 : i32
            %swap3A = arith.constant 0 : i32
            %swap3A_467 = arith.constant 0 : i32
            %swap3A_468 = tpu.memref_slice %arg6[%rem3A_216, %swap3A, %swap3A_467] : memref<7x128x128xf32, #tpu.memory_space<vmem>> -> memref<1x128x128xf32, #tpu.memory_space<vmem>>
            %swap3A_469 = tpu.memref_squeeze %swap3A_468 : memref<1x128x128xf32, #tpu.memory_space<vmem>> -> memref<128x128xf32, #tpu.memory_space<vmem>>
            %swap3A_470 = arith.index_cast %add3A_466 : i32 to index
            %swap3A_471 = arith.constant 0 : index
            %swap3A_472 = tpu.vector_load %swap3A_469[%swap3A_470, %swap3A_471] {strides = array<i32>} : memref<128x128xf32, #tpu.memory_space<vmem>>, vector<1x16xf32>,
            %swap3A_473 = vector.shape_cast %swap3A_472 : vector<1x16xf32> to vector<16xf32>
            %swap3A_474 = vector.shape_cast %broadcast_in_dim3A_3 : vector<16xf32> to vector<1x16xf32>
            tpu.vector_store %swap3A_469[%swap3A_470, %swap3A_471], %swap3A_474 {strides = array<i32>} : memref<128x128xf32, #tpu.memory_space<vmem>>, vector<1x16xf32>,
            %mul3A_475 = arith.constant 16 : i32
            %mul3A_476 = arith.muli %scan3A_344, %mul3A_475 : i32
            %add3A_477 = arith.constant 15 : i32
            %add3A_478 = arith.addi %mul3A_476, %add3A_477 : i32
            %swap3A_479 = arith.constant 0 : i32
            %swap3A_480 = arith.constant 0 : i32
            %swap3A_481 = tpu.memref_slice %arg6[%rem3A_216, %swap3A_479, %swap3A_480] : memref<7x128x128xf32, #tpu.memory_space<vmem>> -> memref<1x128x128xf32, #tpu.memory_space<vmem>>
            %swap3A_482 = tpu.memref_squeeze %swap3A_481 : memref<1x128x128xf32, #tpu.memory_space<vmem>> -> memref<128x128xf32, #tpu.memory_space<vmem>>
            %swap3A_483 = arith.index_cast %add3A_478 : i32 to index
            %swap3A_484 = arith.constant 16 : index
            %swap3A_485 = tpu.vector_load %swap3A_482[%swap3A_483, %swap3A_484] {strides = array<i32>} : memref<128x128xf32, #tpu.memory_space<vmem>>, vector<1x16xf32>,
            %swap3A_486 = vector.shape_cast %swap3A_485 : vector<1x16xf32> to vector<16xf32>
            %swap3A_487 = vector.shape_cast %broadcast_in_dim3A_3 : vector<16xf32> to vector<1x16xf32>
            tpu.vector_store %swap3A_482[%swap3A_483, %swap3A_484], %swap3A_487 {strides = array<i32>} : memref<128x128xf32, #tpu.memory_space<vmem>>, vector<1x16xf32>,
            %mul3A_488 = arith.constant 16 : i32
            %mul3A_489 = arith.muli %scan3A_344, %mul3A_488 : i32
            %add3A_490 = arith.constant 15 : i32
            %add3A_491 = arith.addi %mul3A_489, %add3A_490 : i32
            %swap3A_492 = arith.constant 0 : i32
            %swap3A_493 = arith.constant 0 : i32
            %swap3A_494 = tpu.memref_slice %arg6[%rem3A_216, %swap3A_492, %swap3A_493] : memref<7x128x128xf32, #tpu.memory_space<vmem>> -> memref<1x128x128xf32, #tpu.memory_space<vmem>>
            %swap3A_495 = tpu.memref_squeeze %swap3A_494 : memref<1x128x128xf32, #tpu.memory_space<vmem>> -> memref<128x128xf32, #tpu.memory_space<vmem>>
            %swap3A_496 = arith.index_cast %add3A_491 : i32 to index
            %swap3A_497 = arith.constant 32 : index
            %swap3A_498 = tpu.vector_load %swap3A_495[%swap3A_496, %swap3A_497] {strides = array<i32>} : memref<128x128xf32, #tpu.memory_space<vmem>>, vector<1x16xf32>,
            %swap3A_499 = vector.shape_cast %swap3A_498 : vector<1x16xf32> to vector<16xf32>
            %swap3A_500 = vector.shape_cast %broadcast_in_dim3A_3 : vector<16xf32> to vector<1x16xf32>
            tpu.vector_store %swap3A_495[%swap3A_496, %swap3A_497], %swap3A_500 {strides = array<i32>} : memref<128x128xf32, #tpu.memory_space<vmem>>, vector<1x16xf32>,
            %mul3A_501 = arith.constant 16 : i32
            %mul3A_502 = arith.muli %scan3A_344, %mul3A_501 : i32
            %add3A_503 = arith.constant 15 : i32
            %add3A_504 = arith.addi %mul3A_502, %add3A_503 : i32
            %swap3A_505 = arith.constant 0 : i32
            %swap3A_506 = arith.constant 0 : i32
            %swap3A_507 = tpu.memref_slice %arg6[%rem3A_216, %swap3A_505, %swap3A_506] : memref<7x128x128xf32, #tpu.memory_space<vmem>> -> memref<1x128x128xf32, #tpu.memory_space<vmem>>
            %swap3A_508 = tpu.memref_squeeze %swap3A_507 : memref<1x128x128xf32, #tpu.memory_space<vmem>> -> memref<128x128xf32, #tpu.memory_space<vmem>>
            %swap3A_509 = arith.index_cast %add3A_504 : i32 to index
            %swap3A_510 = arith.constant 48 : index
            %swap3A_511 = tpu.vector_load %swap3A_508[%swap3A_509, %swap3A_510] {strides = array<i32>} : memref<128x128xf32, #tpu.memory_space<vmem>>, vector<1x16xf32>,
            %swap3A_512 = vector.shape_cast %swap3A_511 : vector<1x16xf32> to vector<16xf32>
            %swap3A_513 = vector.shape_cast %broadcast_in_dim3A_3 : vector<16xf32> to vector<1x16xf32>
            tpu.vector_store %swap3A_508[%swap3A_509, %swap3A_510], %swap3A_513 {strides = array<i32>} : memref<128x128xf32, #tpu.memory_space<vmem>>, vector<1x16xf32>,
            %mul3A_514 = arith.constant 16 : i32
            %mul3A_515 = arith.muli %scan3A_344, %mul3A_514 : i32
            %add3A_516 = arith.constant 15 : i32
            %add3A_517 = arith.addi %mul3A_515, %add3A_516 : i32
            %swap3A_518 = arith.constant 0 : i32
            %swap3A_519 = arith.constant 0 : i32
            %swap3A_520 = tpu.memref_slice %arg6[%rem3A_216, %swap3A_518, %swap3A_519] : memref<7x128x128xf32, #tpu.memory_space<vmem>> -> memref<1x128x128xf32, #tpu.memory_space<vmem>>
            %swap3A_521 = tpu.memref_squeeze %swap3A_520 : memref<1x128x128xf32, #tpu.memory_space<vmem>> -> memref<128x128xf32, #tpu.memory_space<vmem>>
            %swap3A_522 = arith.index_cast %add3A_517 : i32 to index
            %swap3A_523 = arith.constant 64 : index
            %swap3A_524 = tpu.vector_load %swap3A_521[%swap3A_522, %swap3A_523] {strides = array<i32>} : memref<128x128xf32, #tpu.memory_space<vmem>>, vector<1x16xf32>,
            %swap3A_525 = vector.shape_cast %swap3A_524 : vector<1x16xf32> to vector<16xf32>
            %swap3A_526 = vector.shape_cast %broadcast_in_dim3A_3 : vector<16xf32> to vector<1x16xf32>
            tpu.vector_store %swap3A_521[%swap3A_522, %swap3A_523], %swap3A_526 {strides = array<i32>} : memref<128x128xf32, #tpu.memory_space<vmem>>, vector<1x16xf32>,
            %mul3A_527 = arith.constant 16 : i32
            %mul3A_528 = arith.muli %scan3A_344, %mul3A_527 : i32
            %add3A_529 = arith.constant 15 : i32
            %add3A_530 = arith.addi %mul3A_528, %add3A_529 : i32
            %swap3A_531 = arith.constant 0 : i32
            %swap3A_532 = arith.constant 0 : i32
            %swap3A_533 = tpu.memref_slice %arg6[%rem3A_216, %swap3A_531, %swap3A_532] : memref<7x128x128xf32, #tpu.memory_space<vmem>> -> memref<1x128x128xf32, #tpu.memory_space<vmem>>
            %swap3A_534 = tpu.memref_squeeze %swap3A_533 : memref<1x128x128xf32, #tpu.memory_space<vmem>> -> memref<128x128xf32, #tpu.memory_space<vmem>>
            %swap3A_535 = arith.index_cast %add3A_530 : i32 to index
            %swap3A_536 = arith.constant 80 : index
            %swap3A_537 = tpu.vector_load %swap3A_534[%swap3A_535, %swap3A_536] {strides = array<i32>} : memref<128x128xf32, #tpu.memory_space<vmem>>, vector<1x16xf32>,
            %swap3A_538 = vector.shape_cast %swap3A_537 : vector<1x16xf32> to vector<16xf32>
            %swap3A_539 = vector.shape_cast %broadcast_in_dim3A_3 : vector<16xf32> to vector<1x16xf32>
            tpu.vector_store %swap3A_534[%swap3A_535, %swap3A_536], %swap3A_539 {strides = array<i32>} : memref<128x128xf32, #tpu.memory_space<vmem>>, vector<1x16xf32>,
            %mul3A_540 = arith.constant 16 : i32
            %mul3A_541 = arith.muli %scan3A_344, %mul3A_540 : i32
            %add3A_542 = arith.constant 15 : i32
            %add3A_543 = arith.addi %mul3A_541, %add3A_542 : i32
            %swap3A_544 = arith.constant 0 : i32
            %swap3A_545 = arith.constant 0 : i32
            %swap3A_546 = tpu.memref_slice %arg6[%rem3A_216, %swap3A_544, %swap3A_545] : memref<7x128x128xf32, #tpu.memory_space<vmem>> -> memref<1x128x128xf32, #tpu.memory_space<vmem>>
            %swap3A_547 = tpu.memref_squeeze %swap3A_546 : memref<1x128x128xf32, #tpu.memory_space<vmem>> -> memref<128x128xf32, #tpu.memory_space<vmem>>
            %swap3A_548 = arith.index_cast %add3A_543 : i32 to index
            %swap3A_549 = arith.constant 96 : index
            %swap3A_550 = tpu.vector_load %swap3A_547[%swap3A_548, %swap3A_549] {strides = array<i32>} : memref<128x128xf32, #tpu.memory_space<vmem>>, vector<1x16xf32>,
            %swap3A_551 = vector.shape_cast %swap3A_550 : vector<1x16xf32> to vector<16xf32>
            %swap3A_552 = vector.shape_cast %broadcast_in_dim3A_3 : vector<16xf32> to vector<1x16xf32>
            tpu.vector_store %swap3A_547[%swap3A_548, %swap3A_549], %swap3A_552 {strides = array<i32>} : memref<128x128xf32, #tpu.memory_space<vmem>>, vector<1x16xf32>,
            %mul3A_553 = arith.constant 16 : i32
            %mul3A_554 = arith.muli %scan3A_344, %mul3A_553 : i32
            %add3A_555 = arith.constant 15 : i32
            %add3A_556 = arith.addi %mul3A_554, %add3A_555 : i32
            %swap3A_557 = arith.constant 0 : i32
            %swap3A_558 = arith.constant 0 : i32
            %swap3A_559 = tpu.memref_slice %arg6[%rem3A_216, %swap3A_557, %swap3A_558] : memref<7x128x128xf32, #tpu.memory_space<vmem>> -> memref<1x128x128xf32, #tpu.memory_space<vmem>>
            %swap3A_560 = tpu.memref_squeeze %swap3A_559 : memref<1x128x128xf32, #tpu.memory_space<vmem>> -> memref<128x128xf32, #tpu.memory_space<vmem>>
            %swap3A_561 = arith.index_cast %add3A_556 : i32 to index
            %swap3A_562 = arith.constant 112 : index
            %swap3A_563 = tpu.vector_load %swap3A_560[%swap3A_561, %swap3A_562] {strides = array<i32>} : memref<128x128xf32, #tpu.memory_space<vmem>>, vector<1x16xf32>,
            %swap3A_564 = vector.shape_cast %swap3A_563 : vector<1x16xf32> to vector<16xf32>
            %swap3A_565 = vector.shape_cast %broadcast_in_dim3A_3 : vector<16xf32> to vector<1x16xf32>
            tpu.vector_store %swap3A_560[%swap3A_561, %swap3A_562], %swap3A_565 {strides = array<i32>} : memref<128x128xf32, #tpu.memory_space<vmem>>, vector<1x16xf32>,
          } else {
          }
        }
        %scan3A_343 = arith.constant 8 : i32
      } else {
      }
      %dma_start3A_322 = arith.constant 0 : i32
      %dma_start3A_323 = arith.constant 0 : i32
      %dma_start3A_324 = tpu.memref_slice %arg6[%rem3A_216, %dma_start3A_322, %dma_start3A_323] : memref<7x128x128xf32, #tpu.memory_space<vmem>> -> memref<1x128x128xf32, #tpu.memory_space<vmem>>
      %dma_start3A_325 = tpu.memref_squeeze %dma_start3A_324 : memref<1x128x128xf32, #tpu.memory_space<vmem>> -> memref<128x128xf32, #tpu.memory_space<vmem>>
      %dma_start3A_326 = arith.constant 0 : i32
      %dma_start3A_327 = tpu.memref_slice %arg4[%scan3A_215, %mul3A_2, %dma_start3A_326] : memref<50x4096x128xf32, #tpu.memory_space<hbm>> -> memref<1x128x128xf32, #tpu.memory_space<hbm>>
      %dma_start3A_328 = tpu.memref_squeeze %dma_start3A_327 : memref<1x128x128xf32, #tpu.memory_space<hbm>> -> memref<128x128xf32, #tpu.memory_space<hbm>>
      %dma_start3A_329 = tpu.memref_slice %arg8[%rem3A_216] : memref<7x!tpu.dma_semaphore, #tpu.memory_space<semaphore_mem>> -> memref<1x!tpu.dma_semaphore, #tpu.memory_space<semaphore_mem>>
      %dma_start3A_330 = tpu.memref_squeeze %dma_start3A_329 : memref<1x!tpu.dma_semaphore, #tpu.memory_space<semaphore_mem>> -> memref<!tpu.dma_semaphore, #tpu.memory_space<semaphore_mem>>
      %dma_start3A_331 = arith.constant 0 : i32
      %dma_start3A_332 = tpu.memref_slice %arg4[%scan3A_215, %mul3A_2, %dma_start3A_331] : memref<50x4096x128xf32, #tpu.memory_space<hbm>> -> memref<1x128x128xf32, #tpu.memory_space<hbm>>
      %dma_start3A_333 = tpu.memref_squeeze %dma_start3A_332 : memref<1x128x128xf32, #tpu.memory_space<hbm>> -> memref<128x128xf32, #tpu.memory_space<hbm>>
      %dma_start3A_334 = arith.constant 0 : i32
      %dma_start3A_335 = arith.constant 0 : i32
      %dma_start3A_336 = tpu.memref_slice %arg6[%rem3A_216, %dma_start3A_334, %dma_start3A_335] : memref<7x128x128xf32, #tpu.memory_space<vmem>> -> memref<1x128x128xf32, #tpu.memory_space<vmem>>
      %dma_start3A_337 = tpu.memref_squeeze %dma_start3A_336 : memref<1x128x128xf32, #tpu.memory_space<vmem>> -> memref<128x128xf32, #tpu.memory_space<vmem>>
      tpu.enqueue_dma source(%dma_start3A_337 : memref<128x128xf32, #tpu.memory_space<vmem>>) target(%dma_start3A_333 : memref<128x128xf32, #tpu.memory_space<hbm>>) target_semaphore(%dma_start3A_330 : memref<!tpu.dma_semaphore, #tpu.memory_space<semaphore_mem>>)
    }
    %scan3A_82 = arith.constant 50 : i32
    %dma_wait3A = arith.constant 1 : i32
    %dma_wait3A_83 = arith.constant 43 : i32
    %dma_wait3A_84 = arith.constant 1 : i32
    %dma_wait3A_85 = arith.constant 0 : i32
    %dma_wait3A_86 = arith.constant 0 : i32
    %dma_wait3A_87 = tpu.memref_slice %arg6[%dma_wait3A, %dma_wait3A_85, %dma_wait3A_86] : memref<7x128x128xf32, #tpu.memory_space<vmem>> -> memref<1x128x128xf32, #tpu.memory_space<vmem>>
    %dma_wait3A_88 = tpu.memref_squeeze %dma_wait3A_87 : memref<1x128x128xf32, #tpu.memory_space<vmem>> -> memref<128x128xf32, #tpu.memory_space<vmem>>
    %dma_wait3A_89 = arith.constant 0 : i32
    %dma_wait3A_90 = tpu.memref_slice %arg4[%dma_wait3A_83, %mul3A_2, %dma_wait3A_89] : memref<50x4096x128xf32, #tpu.memory_space<hbm>> -> memref<1x128x128xf32, #tpu.memory_space<hbm>>
    %dma_wait3A_91 = tpu.memref_squeeze %dma_wait3A_90 : memref<1x128x128xf32, #tpu.memory_space<hbm>> -> memref<128x128xf32, #tpu.memory_space<hbm>>
    %dma_wait3A_92 = tpu.memref_slice %arg8[%dma_wait3A_84] : memref<7x!tpu.dma_semaphore, #tpu.memory_space<semaphore_mem>> -> memref<1x!tpu.dma_semaphore, #tpu.memory_space<semaphore_mem>>
    %dma_wait3A_93 = tpu.memref_squeeze %dma_wait3A_92 : memref<1x!tpu.dma_semaphore, #tpu.memory_space<semaphore_mem>> -> memref<!tpu.dma_semaphore, #tpu.memory_space<semaphore_mem>>
    %dma_wait3A_94 = arith.constant 0 : i32
    %dma_wait3A_95 = tpu.memref_slice %arg4[%dma_wait3A_83, %mul3A_2, %dma_wait3A_94] : memref<50x4096x128xf32, #tpu.memory_space<hbm>> -> memref<1x128x128xf32, #tpu.memory_space<hbm>>
    %dma_wait3A_96 = tpu.memref_squeeze %dma_wait3A_95 : memref<1x128x128xf32, #tpu.memory_space<hbm>> -> memref<128x128xf32, #tpu.memory_space<hbm>>
    %dma_wait3A_97 = arith.constant 0 : i32
    %dma_wait3A_98 = arith.constant 0 : i32
    %dma_wait3A_99 = tpu.memref_slice %arg6[%dma_wait3A, %dma_wait3A_97, %dma_wait3A_98] : memref<7x128x128xf32, #tpu.memory_space<vmem>> -> memref<1x128x128xf32, #tpu.memory_space<vmem>>
    %dma_wait3A_100 = tpu.memref_squeeze %dma_wait3A_99 : memref<1x128x128xf32, #tpu.memory_space<vmem>> -> memref<128x128xf32, #tpu.memory_space<vmem>>
    tpu.wait_dma2 semaphore(%dma_wait3A_93 : memref<!tpu.dma_semaphore, #tpu.memory_space<semaphore_mem>>) src(%dma_wait3A_100 : memref<128x128xf32, #tpu.memory_space<vmem>>) dst(%dma_wait3A_96 : memref<128x128xf32, #tpu.memory_space<hbm>>)
    %dma_wait3A_101 = arith.constant 2 : i32
    %dma_wait3A_102 = arith.constant 44 : i32
    %dma_wait3A_103 = arith.constant 2 : i32
    %dma_wait3A_104 = arith.constant 0 : i32
    %dma_wait3A_105 = arith.constant 0 : i32
    %dma_wait3A_106 = tpu.memref_slice %arg6[%dma_wait3A_101, %dma_wait3A_104, %dma_wait3A_105] : memref<7x128x128xf32, #tpu.memory_space<vmem>> -> memref<1x128x128xf32, #tpu.memory_space<vmem>>
    %dma_wait3A_107 = tpu.memref_squeeze %dma_wait3A_106 : memref<1x128x128xf32, #tpu.memory_space<vmem>> -> memref<128x128xf32, #tpu.memory_space<vmem>>
    %dma_wait3A_108 = arith.constant 0 : i32
    %dma_wait3A_109 = tpu.memref_slice %arg4[%dma_wait3A_102, %mul3A_2, %dma_wait3A_108] : memref<50x4096x128xf32, #tpu.memory_space<hbm>> -> memref<1x128x128xf32, #tpu.memory_space<hbm>>
    %dma_wait3A_110 = tpu.memref_squeeze %dma_wait3A_109 : memref<1x128x128xf32, #tpu.memory_space<hbm>> -> memref<128x128xf32, #tpu.memory_space<hbm>>
    %dma_wait3A_111 = tpu.memref_slice %arg8[%dma_wait3A_103] : memref<7x!tpu.dma_semaphore, #tpu.memory_space<semaphore_mem>> -> memref<1x!tpu.dma_semaphore, #tpu.memory_space<semaphore_mem>>
    %dma_wait3A_112 = tpu.memref_squeeze %dma_wait3A_111 : memref<1x!tpu.dma_semaphore, #tpu.memory_space<semaphore_mem>> -> memref<!tpu.dma_semaphore, #tpu.memory_space<semaphore_mem>>
    %dma_wait3A_113 = arith.constant 0 : i32
    %dma_wait3A_114 = tpu.memref_slice %arg4[%dma_wait3A_102, %mul3A_2, %dma_wait3A_113] : memref<50x4096x128xf32, #tpu.memory_space<hbm>> -> memref<1x128x128xf32, #tpu.memory_space<hbm>>
    %dma_wait3A_115 = tpu.memref_squeeze %dma_wait3A_114 : memref<1x128x128xf32, #tpu.memory_space<hbm>> -> memref<128x128xf32, #tpu.memory_space<hbm>>
    %dma_wait3A_116 = arith.constant 0 : i32
    %dma_wait3A_117 = arith.constant 0 : i32
    %dma_wait3A_118 = tpu.memref_slice %arg6[%dma_wait3A_101, %dma_wait3A_116, %dma_wait3A_117] : memref<7x128x128xf32, #tpu.memory_space<vmem>> -> memref<1x128x128xf32, #tpu.memory_space<vmem>>
    %dma_wait3A_119 = tpu.memref_squeeze %dma_wait3A_118 : memref<1x128x128xf32, #tpu.memory_space<vmem>> -> memref<128x128xf32, #tpu.memory_space<vmem>>
    tpu.wait_dma2 semaphore(%dma_wait3A_112 : memref<!tpu.dma_semaphore, #tpu.memory_space<semaphore_mem>>) src(%dma_wait3A_119 : memref<128x128xf32, #tpu.memory_space<vmem>>) dst(%dma_wait3A_115 : memref<128x128xf32, #tpu.memory_space<hbm>>)
    %dma_wait3A_120 = arith.constant 3 : i32
    %dma_wait3A_121 = arith.constant 45 : i32
    %dma_wait3A_122 = arith.constant 3 : i32
    %dma_wait3A_123 = arith.constant 0 : i32
    %dma_wait3A_124 = arith.constant 0 : i32
    %dma_wait3A_125 = tpu.memref_slice %arg6[%dma_wait3A_120, %dma_wait3A_123, %dma_wait3A_124] : memref<7x128x128xf32, #tpu.memory_space<vmem>> -> memref<1x128x128xf32, #tpu.memory_space<vmem>>
    %dma_wait3A_126 = tpu.memref_squeeze %dma_wait3A_125 : memref<1x128x128xf32, #tpu.memory_space<vmem>> -> memref<128x128xf32, #tpu.memory_space<vmem>>
    %dma_wait3A_127 = arith.constant 0 : i32
    %dma_wait3A_128 = tpu.memref_slice %arg4[%dma_wait3A_121, %mul3A_2, %dma_wait3A_127] : memref<50x4096x128xf32, #tpu.memory_space<hbm>> -> memref<1x128x128xf32, #tpu.memory_space<hbm>>
    %dma_wait3A_129 = tpu.memref_squeeze %dma_wait3A_128 : memref<1x128x128xf32, #tpu.memory_space<hbm>> -> memref<128x128xf32, #tpu.memory_space<hbm>>
    %dma_wait3A_130 = tpu.memref_slice %arg8[%dma_wait3A_122] : memref<7x!tpu.dma_semaphore, #tpu.memory_space<semaphore_mem>> -> memref<1x!tpu.dma_semaphore, #tpu.memory_space<semaphore_mem>>
    %dma_wait3A_131 = tpu.memref_squeeze %dma_wait3A_130 : memref<1x!tpu.dma_semaphore, #tpu.memory_space<semaphore_mem>> -> memref<!tpu.dma_semaphore, #tpu.memory_space<semaphore_mem>>
    %dma_wait3A_132 = arith.constant 0 : i32
    %dma_wait3A_133 = tpu.memref_slice %arg4[%dma_wait3A_121, %mul3A_2, %dma_wait3A_132] : memref<50x4096x128xf32, #tpu.memory_space<hbm>> -> memref<1x128x128xf32, #tpu.memory_space<hbm>>
    %dma_wait3A_134 = tpu.memref_squeeze %dma_wait3A_133 : memref<1x128x128xf32, #tpu.memory_space<hbm>> -> memref<128x128xf32, #tpu.memory_space<hbm>>
    %dma_wait3A_135 = arith.constant 0 : i32
    %dma_wait3A_136 = arith.constant 0 : i32
    %dma_wait3A_137 = tpu.memref_slice %arg6[%dma_wait3A_120, %dma_wait3A_135, %dma_wait3A_136] : memref<7x128x128xf32, #tpu.memory_space<vmem>> -> memref<1x128x128xf32, #tpu.memory_space<vmem>>
    %dma_wait3A_138 = tpu.memref_squeeze %dma_wait3A_137 : memref<1x128x128xf32, #tpu.memory_space<vmem>> -> memref<128x128xf32, #tpu.memory_space<vmem>>
    tpu.wait_dma2 semaphore(%dma_wait3A_131 : memref<!tpu.dma_semaphore, #tpu.memory_space<semaphore_mem>>) src(%dma_wait3A_138 : memref<128x128xf32, #tpu.memory_space<vmem>>) dst(%dma_wait3A_134 : memref<128x128xf32, #tpu.memory_space<hbm>>)
    %dma_wait3A_139 = arith.constant 4 : i32
    %dma_wait3A_140 = arith.constant 46 : i32
    %dma_wait3A_141 = arith.constant 4 : i32
    %dma_wait3A_142 = arith.constant 0 : i32
    %dma_wait3A_143 = arith.constant 0 : i32
    %dma_wait3A_144 = tpu.memref_slice %arg6[%dma_wait3A_139, %dma_wait3A_142, %dma_wait3A_143] : memref<7x128x128xf32, #tpu.memory_space<vmem>> -> memref<1x128x128xf32, #tpu.memory_space<vmem>>
    %dma_wait3A_145 = tpu.memref_squeeze %dma_wait3A_144 : memref<1x128x128xf32, #tpu.memory_space<vmem>> -> memref<128x128xf32, #tpu.memory_space<vmem>>
    %dma_wait3A_146 = arith.constant 0 : i32
    %dma_wait3A_147 = tpu.memref_slice %arg4[%dma_wait3A_140, %mul3A_2, %dma_wait3A_146] : memref<50x4096x128xf32, #tpu.memory_space<hbm>> -> memref<1x128x128xf32, #tpu.memory_space<hbm>>
    %dma_wait3A_148 = tpu.memref_squeeze %dma_wait3A_147 : memref<1x128x128xf32, #tpu.memory_space<hbm>> -> memref<128x128xf32, #tpu.memory_space<hbm>>
    %dma_wait3A_149 = tpu.memref_slice %arg8[%dma_wait3A_141] : memref<7x!tpu.dma_semaphore, #tpu.memory_space<semaphore_mem>> -> memref<1x!tpu.dma_semaphore, #tpu.memory_space<semaphore_mem>>
    %dma_wait3A_150 = tpu.memref_squeeze %dma_wait3A_149 : memref<1x!tpu.dma_semaphore, #tpu.memory_space<semaphore_mem>> -> memref<!tpu.dma_semaphore, #tpu.memory_space<semaphore_mem>>
    %dma_wait3A_151 = arith.constant 0 : i32
    %dma_wait3A_152 = tpu.memref_slice %arg4[%dma_wait3A_140, %mul3A_2, %dma_wait3A_151] : memref<50x4096x128xf32, #tpu.memory_space<hbm>> -> memref<1x128x128xf32, #tpu.memory_space<hbm>>
    %dma_wait3A_153 = tpu.memref_squeeze %dma_wait3A_152 : memref<1x128x128xf32, #tpu.memory_space<hbm>> -> memref<128x128xf32, #tpu.memory_space<hbm>>
    %dma_wait3A_154 = arith.constant 0 : i32
    %dma_wait3A_155 = arith.constant 0 : i32
    %dma_wait3A_156 = tpu.memref_slice %arg6[%dma_wait3A_139, %dma_wait3A_154, %dma_wait3A_155] : memref<7x128x128xf32, #tpu.memory_space<vmem>> -> memref<1x128x128xf32, #tpu.memory_space<vmem>>
    %dma_wait3A_157 = tpu.memref_squeeze %dma_wait3A_156 : memref<1x128x128xf32, #tpu.memory_space<vmem>> -> memref<128x128xf32, #tpu.memory_space<vmem>>
    tpu.wait_dma2 semaphore(%dma_wait3A_150 : memref<!tpu.dma_semaphore, #tpu.memory_space<semaphore_mem>>) src(%dma_wait3A_157 : memref<128x128xf32, #tpu.memory_space<vmem>>) dst(%dma_wait3A_153 : memref<128x128xf32, #tpu.memory_space<hbm>>)
    %dma_wait3A_158 = arith.constant 5 : i32
    %dma_wait3A_159 = arith.constant 47 : i32
    %dma_wait3A_160 = arith.constant 5 : i32
    %dma_wait3A_161 = arith.constant 0 : i32
    %dma_wait3A_162 = arith.constant 0 : i32
    %dma_wait3A_163 = tpu.memref_slice %arg6[%dma_wait3A_158, %dma_wait3A_161, %dma_wait3A_162] : memref<7x128x128xf32, #tpu.memory_space<vmem>> -> memref<1x128x128xf32, #tpu.memory_space<vmem>>
    %dma_wait3A_164 = tpu.memref_squeeze %dma_wait3A_163 : memref<1x128x128xf32, #tpu.memory_space<vmem>> -> memref<128x128xf32, #tpu.memory_space<vmem>>
    %dma_wait3A_165 = arith.constant 0 : i32
    %dma_wait3A_166 = tpu.memref_slice %arg4[%dma_wait3A_159, %mul3A_2, %dma_wait3A_165] : memref<50x4096x128xf32, #tpu.memory_space<hbm>> -> memref<1x128x128xf32, #tpu.memory_space<hbm>>
    %dma_wait3A_167 = tpu.memref_squeeze %dma_wait3A_166 : memref<1x128x128xf32, #tpu.memory_space<hbm>> -> memref<128x128xf32, #tpu.memory_space<hbm>>
    %dma_wait3A_168 = tpu.memref_slice %arg8[%dma_wait3A_160] : memref<7x!tpu.dma_semaphore, #tpu.memory_space<semaphore_mem>> -> memref<1x!tpu.dma_semaphore, #tpu.memory_space<semaphore_mem>>
    %dma_wait3A_169 = tpu.memref_squeeze %dma_wait3A_168 : memref<1x!tpu.dma_semaphore, #tpu.memory_space<semaphore_mem>> -> memref<!tpu.dma_semaphore, #tpu.memory_space<semaphore_mem>>
    %dma_wait3A_170 = arith.constant 0 : i32
    %dma_wait3A_171 = tpu.memref_slice %arg4[%dma_wait3A_159, %mul3A_2, %dma_wait3A_170] : memref<50x4096x128xf32, #tpu.memory_space<hbm>> -> memref<1x128x128xf32, #tpu.memory_space<hbm>>
    %dma_wait3A_172 = tpu.memref_squeeze %dma_wait3A_171 : memref<1x128x128xf32, #tpu.memory_space<hbm>> -> memref<128x128xf32, #tpu.memory_space<hbm>>
    %dma_wait3A_173 = arith.constant 0 : i32
    %dma_wait3A_174 = arith.constant 0 : i32
    %dma_wait3A_175 = tpu.memref_slice %arg6[%dma_wait3A_158, %dma_wait3A_173, %dma_wait3A_174] : memref<7x128x128xf32, #tpu.memory_space<vmem>> -> memref<1x128x128xf32, #tpu.memory_space<vmem>>
    %dma_wait3A_176 = tpu.memref_squeeze %dma_wait3A_175 : memref<1x128x128xf32, #tpu.memory_space<vmem>> -> memref<128x128xf32, #tpu.memory_space<vmem>>
    tpu.wait_dma2 semaphore(%dma_wait3A_169 : memref<!tpu.dma_semaphore, #tpu.memory_space<semaphore_mem>>) src(%dma_wait3A_176 : memref<128x128xf32, #tpu.memory_space<vmem>>) dst(%dma_wait3A_172 : memref<128x128xf32, #tpu.memory_space<hbm>>)
    %dma_wait3A_177 = arith.constant 6 : i32
    %dma_wait3A_178 = arith.constant 48 : i32
    %dma_wait3A_179 = arith.constant 6 : i32
    %dma_wait3A_180 = arith.constant 0 : i32
    %dma_wait3A_181 = arith.constant 0 : i32
    %dma_wait3A_182 = tpu.memref_slice %arg6[%dma_wait3A_177, %dma_wait3A_180, %dma_wait3A_181] : memref<7x128x128xf32, #tpu.memory_space<vmem>> -> memref<1x128x128xf32, #tpu.memory_space<vmem>>
    %dma_wait3A_183 = tpu.memref_squeeze %dma_wait3A_182 : memref<1x128x128xf32, #tpu.memory_space<vmem>> -> memref<128x128xf32, #tpu.memory_space<vmem>>
    %dma_wait3A_184 = arith.constant 0 : i32
    %dma_wait3A_185 = tpu.memref_slice %arg4[%dma_wait3A_178, %mul3A_2, %dma_wait3A_184] : memref<50x4096x128xf32, #tpu.memory_space<hbm>> -> memref<1x128x128xf32, #tpu.memory_space<hbm>>
    %dma_wait3A_186 = tpu.memref_squeeze %dma_wait3A_185 : memref<1x128x128xf32, #tpu.memory_space<hbm>> -> memref<128x128xf32, #tpu.memory_space<hbm>>
    %dma_wait3A_187 = tpu.memref_slice %arg8[%dma_wait3A_179] : memref<7x!tpu.dma_semaphore, #tpu.memory_space<semaphore_mem>> -> memref<1x!tpu.dma_semaphore, #tpu.memory_space<semaphore_mem>>
    %dma_wait3A_188 = tpu.memref_squeeze %dma_wait3A_187 : memref<1x!tpu.dma_semaphore, #tpu.memory_space<semaphore_mem>> -> memref<!tpu.dma_semaphore, #tpu.memory_space<semaphore_mem>>
    %dma_wait3A_189 = arith.constant 0 : i32
    %dma_wait3A_190 = tpu.memref_slice %arg4[%dma_wait3A_178, %mul3A_2, %dma_wait3A_189] : memref<50x4096x128xf32, #tpu.memory_space<hbm>> -> memref<1x128x128xf32, #tpu.memory_space<hbm>>
    %dma_wait3A_191 = tpu.memref_squeeze %dma_wait3A_190 : memref<1x128x128xf32, #tpu.memory_space<hbm>> -> memref<128x128xf32, #tpu.memory_space<hbm>>
    %dma_wait3A_192 = arith.constant 0 : i32
    %dma_wait3A_193 = arith.constant 0 : i32
    %dma_wait3A_194 = tpu.memref_slice %arg6[%dma_wait3A_177, %dma_wait3A_192, %dma_wait3A_193] : memref<7x128x128xf32, #tpu.memory_space<vmem>> -> memref<1x128x128xf32, #tpu.memory_space<vmem>>
    %dma_wait3A_195 = tpu.memref_squeeze %dma_wait3A_194 : memref<1x128x128xf32, #tpu.memory_space<vmem>> -> memref<128x128xf32, #tpu.memory_space<vmem>>
    tpu.wait_dma2 semaphore(%dma_wait3A_188 : memref<!tpu.dma_semaphore, #tpu.memory_space<semaphore_mem>>) src(%dma_wait3A_195 : memref<128x128xf32, #tpu.memory_space<vmem>>) dst(%dma_wait3A_191 : memref<128x128xf32, #tpu.memory_space<hbm>>)
    %dma_wait3A_196 = arith.constant 0 : i32
    %dma_wait3A_197 = arith.constant 49 : i32
    %dma_wait3A_198 = arith.constant 0 : i32
    %dma_wait3A_199 = arith.constant 0 : i32
    %dma_wait3A_200 = arith.constant 0 : i32
    %dma_wait3A_201 = tpu.memref_slice %arg6[%dma_wait3A_196, %dma_wait3A_199, %dma_wait3A_200] : memref<7x128x128xf32, #tpu.memory_space<vmem>> -> memref<1x128x128xf32, #tpu.memory_space<vmem>>
    %dma_wait3A_202 = tpu.memref_squeeze %dma_wait3A_201 : memref<1x128x128xf32, #tpu.memory_space<vmem>> -> memref<128x128xf32, #tpu.memory_space<vmem>>
    %dma_wait3A_203 = arith.constant 0 : i32
    %dma_wait3A_204 = tpu.memref_slice %arg4[%dma_wait3A_197, %mul3A_2, %dma_wait3A_203] : memref<50x4096x128xf32, #tpu.memory_space<hbm>> -> memref<1x128x128xf32, #tpu.memory_space<hbm>>
    %dma_wait3A_205 = tpu.memref_squeeze %dma_wait3A_204 : memref<1x128x128xf32, #tpu.memory_space<hbm>> -> memref<128x128xf32, #tpu.memory_space<hbm>>
    %dma_wait3A_206 = tpu.memref_slice %arg8[%dma_wait3A_198] : memref<7x!tpu.dma_semaphore, #tpu.memory_space<semaphore_mem>> -> memref<1x!tpu.dma_semaphore, #tpu.memory_space<semaphore_mem>>
    %dma_wait3A_207 = tpu.memref_squeeze %dma_wait3A_206 : memref<1x!tpu.dma_semaphore, #tpu.memory_space<semaphore_mem>> -> memref<!tpu.dma_semaphore, #tpu.memory_space<semaphore_mem>>
    %dma_wait3A_208 = arith.constant 0 : i32
    %dma_wait3A_209 = tpu.memref_slice %arg4[%dma_wait3A_197, %mul3A_2, %dma_wait3A_208] : memref<50x4096x128xf32, #tpu.memory_space<hbm>> -> memref<1x128x128xf32, #tpu.memory_space<hbm>>
    %dma_wait3A_210 = tpu.memref_squeeze %dma_wait3A_209 : memref<1x128x128xf32, #tpu.memory_space<hbm>> -> memref<128x128xf32, #tpu.memory_space<hbm>>
    %dma_wait3A_211 = arith.constant 0 : i32
    %dma_wait3A_212 = arith.constant 0 : i32
    %dma_wait3A_213 = tpu.memref_slice %arg6[%dma_wait3A_196, %dma_wait3A_211, %dma_wait3A_212] : memref<7x128x128xf32, #tpu.memory_space<vmem>> -> memref<1x128x128xf32, #tpu.memory_space<vmem>>
    %dma_wait3A_214 = tpu.memref_squeeze %dma_wait3A_213 : memref<1x128x128xf32, #tpu.memory_space<vmem>> -> memref<128x128xf32, #tpu.memory_space<vmem>>
    tpu.wait_dma2 semaphore(%dma_wait3A_207 : memref<!tpu.dma_semaphore, #tpu.memory_space<semaphore_mem>>) src(%dma_wait3A_214 : memref<128x128xf32, #tpu.memory_space<vmem>>) dst(%dma_wait3A_210 : memref<128x128xf32, #tpu.memory_space<hbm>>)
    return
  }
}

</mosaic_0001>

<sc_bundles>
// kernel: kernel.3.cloned.1.call-start
scs
__scs_entry_jumppad:
0x0: {  	(pc) =	sbr.rel $0x88, $3  }
0x1: {  	(tag) =	ssettag $0x0;
	lr =	simm.s32 $0x1  }
0x2: {  	[smem:$0x3F9F] =	sst lr;
	_ =	strace $0xD0000000  }
0x3: {  	_ = 	snop  }
0x4: {  	_ = 	snop  }
0x5: {  	_ = 	snop  }
0x6: {  	_ = 	snop  }
0x7: {  	_ = 	snop  }
__scs_overlays_trampoline_lowered:
0x8: {  	[smem:$0x3FAE] =	sst s0  }
0x9: {  	[smem:$0x3FAF] =	sst s1  }
0xa: {  	[smem:$0x3FB0] =	sst s2  }
0xb: {  	[smem:$0x3FB1] =	sst s3  }
0xc: {  	[smem:$0x3FB2] =	sst s4  }
0xd: {  	[smem:$0x3FB3] =	sst s5  }
0xe: {  	[smem:$0x3FB4] =	sst s6  }
0xf: {  	[smem:$0x3FB5] =	sst s7  }
0x10: {  	[smem:$0x3FB6] =	sst s8  }
0x11: {  	[smem:$0x3FB7] =	sst s9;
	s0 =	simm.s32 @!p0 $0x0  }
0x12: {  	s1 =	sld [smem:$0x3F9D];
	s0 =	simm.s32 @p0 $0x1  }
0x13: {  	[smem:$0x3FB8] =	sst s0;
	s0 =	simm.s32 @!p1 $0x0  }
0x14: {  	s2 =	sld [smem:$0x3F9C];
	s0 =	simm.s32 @p1 $0x1  }
0x15: {  	[smem:$0x3FB9] =	sst s0;
	s0 =	simm.s32 @!p2 $0x0  }
0x16: {  	s3 =	sld [smem:$0x3FDB];
	s0 =	simm.s32 @p2 $0x1  }
0x17: {  	s4 =	simm.s32 $0x1BF5;
	[smem:$0x3FBB] =	sst s0  }
0x18: {  	s0 =	sld [smem:$0x3F9E];
	_ =	swait.ge [sflag:s4], $0x0  }
0x19: {  	s7 =	sld [smem:$0x3F9F]  }
0x1a: {  	s8 =	sadd.s32 $0xFFFFE003, lr  }
0x1b: {  	s9 =	sadd.s32 $0xFFFFFEF7, lr;
	s5 =	simm.s32 $0xFFFFFFFF;
	p2 =	slt.u32 s8, $0xFFFFF086  }
0x1c: {  	p1 =	slt.u32 s9, $0xF7A;
	s5 =	simm.s32 @!p2 $0x0  }
0x1d: {  	s5 =	simm.s32 @p1 $0x1;
	p0 =	seq.s32 s7, s2  }
0x1e: {  	s7 =	smul.u32 @!p0 $0xF7A, s2;
	p2 =	seq.s32 @!p0 s5, $0x0  }
0x1f: {  	s9 =	smul.u32 $0xF7A, s1;
	s8 =	simm.s32 @!p0 $0x1BF5;
	p2 =	por !p2, p0  }
0x20: {  	[sflag:s8] =	ssyncset.s32 @!p0 $0xFFFFF086;
	s6 =	sadd.s32 @!p0 s3, s7;
	s7 =	simm.s32 @!p0 $0x108  }
0x21: {  	s3 =	sadd.s32 s3, s9;
	s6 =	sadd.s32 @!p0 $0x88, s6;
	s7 =	simm.s32 @p2 $0x1082  }
0x22: {  	[simem:s7], [sflag:s8] =	dma.local @!p0 [hbm:s6], $0xF7A  }
0x23: {  	s9 =	sor.u32 $0xD0000000, s2;
	s6 =	simm.s32 $0x108;
	_ =	swait.ge @!p0 [sflag:s8], $0x0  }
0x24: {  	s3 =	sadd.s32 $0x88, s3;
	s6 =	simm.s32 @!p1 $0x1082;
	[sflag:s4] =	ssyncset.s32 $0xFFFFF086  }
0x25: {  	[simem:s6], [sflag:s4] =	dma.local [hbm:s3], $0xF7A  }
0x26: {  	[smem:$0x3F9F] =	sst s1;
	(tag) =	ssettag s2;
	_ =	strace s9  }
0x27: {  	s1 =	sld [smem:$0x3FAF]  }
0x28: {  	s2 =	sld [smem:$0x3FB0]  }
0x29: {  	s4 =	sld [smem:$0x3FB2]  }
0x2a: {  	p0 =	seq.s32 s5, $0x0;
	s5 =	sld [smem:$0x3FB3]  }
0x2b: {  	s6 =	sld [smem:$0x3FB4]  }
0x2c: {  	s7 =	sld [smem:$0x3FB5]  }
0x2d: {  	s3 =	simm.s32 $0x108;
	s8 =	sld [smem:$0x3FB6]  }
0x2e: {  	s3 =	simm.s32 @!p0 $0x1082;
	s9 =	sld [smem:$0x3FB7]  }
0x2f: {  	lr =	sadd.s32 s0, s3;
	s0 =	sld [smem:$0x3FAE]  }
0x30: {  	s3 =	sld [smem:$0x3FB1]  }
0x31: {  	[smem:$0x3FBA] =	sst s10  }
0x32: {  	s10 =	sld [smem:$0x3FB8];
	_ =	sdelay $0x3  }
0x33: {  	p0 =	seq.s32 s10, $0x1;
	s10 =	sld [smem:$0x3FBA];
	_ =	sdelay $0x3  }
0x34: {  	[smem:$0x3FBA] =	sst s10  }
0x35: {  	s10 =	sld [smem:$0x3FB9];
	_ =	sdelay $0x3  }
0x36: {  	p1 =	seq.s32 s10, $0x1;
	s10 =	sld [smem:$0x3FBA];
	_ =	sdelay $0x3  }
0x37: {  	[smem:$0x3FBA] =	sst s10  }
0x38: {  	s10 =	sld [smem:$0x3FBB]  }
0x39: {  	_ = 	snop;
	(pc) =	sbr.ind lr, $3  }
0x3a: {  	_ = 	snop  }
0x3b: {  	_ = 	snop  }
0x3c: {  	p2 =	seq.s32 s10, $0x1;
	s10 =	sld [smem:$0x3FBA]  }
0x3d: {  	_ =	shalt  }
0x3e: {  	_ =	shalt  }
0x3f: {  	_ =	shalt  }
0x40: {  	_ =	shalt  }
0x41: {  	_ =	shalt  }
0x42: {  	_ =	shalt  }
0x43: {  	_ =	shalt  }
0x44: {  	_ =	shalt  }
0x45: {  	_ =	shalt  }
0x46: {  	_ =	shalt  }
0x47: {  	_ =	shalt  }
0x48: {  	_ =	shalt  }
0x49: {  	_ =	shalt  }
0x4a: {  	_ =	shalt  }
0x4b: {  	_ =	shalt  }
0x4c: {  	_ =	shalt  }
0x4d: {  	_ =	shalt  }
0x4e: {  	_ =	shalt  }
0x4f: {  	_ =	shalt  }
0x50: {  	_ =	shalt  }
0x51: {  	_ =	shalt  }
0x52: {  	_ =	shalt  }
0x53: {  	_ =	shalt  }
0x54: {  	_ =	shalt  }
0x55: {  	_ =	shalt  }
0x56: {  	_ =	shalt  }
0x57: {  	_ =	shalt  }
0x58: {  	_ =	shalt  }
0x59: {  	_ =	shalt  }
0x5a: {  	_ =	shalt  }
0x5b: {  	_ =	shalt  }
0x5c: {  	_ =	shalt  }
0x5d: {  	_ =	shalt  }
0x5e: {  	_ =	shalt  }
0x5f: {  	_ =	shalt  }
0x60: {  	_ =	shalt  }
0x61: {  	_ =	shalt  }
0x62: {  	_ =	shalt  }
0x63: {  	_ =	shalt  }
0x64: {  	_ =	shalt  }
0x65: {  	_ =	shalt  }
0x66: {  	_ =	shalt  }
0x67: {  	_ =	shalt  }
0x68: {  	_ =	shalt  }
0x69: {  	_ =	shalt  }
0x6a: {  	_ =	shalt  }
0x6b: {  	_ =	shalt  }
0x6c: {  	_ =	shalt  }
0x6d: {  	_ =	shalt  }
0x6e: {  	_ =	shalt  }
0x6f: {  	_ =	shalt  }
0x70: {  	_ =	shalt  }
0x71: {  	_ =	shalt  }
0x72: {  	_ =	shalt  }
0x73: {  	_ =	shalt  }
0x74: {  	_ =	shalt  }
0x75: {  	_ =	shalt  }
0x76: {  	_ =	shalt  }
0x77: {  	_ =	shalt  }
0x78: {  	_ =	shalt  }
0x79: {  	_ =	shalt  }
0x7a: {  	_ =	shalt  }
0x7b: {  	_ =	shalt  }
0x7c: {  	_ =	shalt  }
0x7d: {  	_ =	shalt  }
0x7e: {  	_ =	shalt  }
0x7f: {  	_ =	shalt  }
0x80: {  	_ =	shalt  }
0x81: {  	_ =	shalt  }
0x82: {  	_ =	shalt  }
0x83: {  	_ =	shalt  }
0x84: {  	_ =	shalt  }
0x85: {  	_ =	shalt  }
0x86: {  	_ =	shalt  }
0x87: {  	_ =	shalt  }
.Lfunc_end0:
.L_simem_size_0:
called_computation_lowered:
.L_overlay_start_0:
0x88: {  	s2 =	sld [smem:$0x3FD9]  }
0x89: {  	s3 =	sld [smem:$0x3FFE];
	_ =	sdelay $0x1  }
0x8a: {  	s1 =	srdreg.scid  }
0x8b: {  	s0 =	sand.u32 $0x1, s1  }
0x8c: {  	s18 =	sshll.u32 s0, $0xA;
	s2 =	sadd.s32 s3, s2  }
0x8d: {  	s2 =	sadd.s32 s2, s18  }
0x8e: {  	[smem:$0x3FC6] =	sst s2  }
0x8f: {  	_ = 	snop  }
0x90: {  	s2 =	sld [smem:$0x3FC9]  }
0x91: {  	s19 =	sld [smem:$0x3FC8]  }
0x92: {  	s4 =	sld [smem:$0x3FD0];
	(tm) =	ssettm $0x1  }
0x93: {  	s5 =	sld [smem:$0x3FFB];
	_ =	sdelay $0x3  }
0x94: {  	_ =	strace s5  }
0x95: {  	s5 =	sld [smem:$0x3FFC];
	_ =	sdelay $0x3  }
0x96: {  	_ =	strace s5  }
0x97: {  	s5 =	sld [smem:$0x3FFD];
	_ =	sdelay $0x3  }
0x98: {  	_ =	strace s5  }
0x99: {  	_ =	strace $0x8FFFFFFF  }
0x9a: {  	s20 =	sld [smem:$0x3FDB];
	_ =	sdelay $0x1  }
0x9b: {  	s6 =	simm.s32 $_scs_section_size  }
0x9c: {  	s7 =	simm.s32 $_size__tile_overlayer_lowered;
	s8 =	simm.s32 $_tile_overlayer_lowered  }
0x9d: {  	s23 =	simm.s32 $0x1BFF;
	s22 =	sshll.u32 s8, $0x1;
	s5 =	sadd.s32 s6, s20  }
0x9e: {  	s9 =	simm.s32 $0x0;
	s21 =	sshll.u32 s7, $0x1;
	s7 =	sadd.s32 s22, s5  }
0x9f: {  	[timem:s9], [sflag:s23] =	dma.local [hbm:s7], s21  }
0xa0: {  	_ =	swait.ge [sflag:s23], s21  }
0xa1: {  	s6 =	ssub.s32 $0x0, s21;
	[sflag:s23] =	ssyncset.done $0x0  }
0xa2: {  	[sflag:s23] =	ssyncadd.s32 s6;
	_ =	sdelay $0x1  }
0xa3: {  	s24 =	simm.s32 $0x1B8B  }
0xa4: {  	_ =	swait.ge [sflag:s24], $0x1  }
0xa5: {  	[sflag:s24] =	ssyncset.done $0x0  }
0xa6: {  	s25 =	simm.s32 $0x1B8E;
	[sflag:s24] =	ssyncadd.s32 $0xFFFFFFFF  }
0xa7: {  	s26 =	simm.s32 $execute0_lowered;
	[smem:$0x3FD2] =	sst s25  }
0xa8: {  	s6 =	sshll.u32 s26, $0x1;
	_ =	strace $0x80000046;
	[dreg:$0x1] =	wrdreg $0xFFFFFFFF  }
0xa9: {  	s28 =	simm.s32 $_size_execute0_lowered;
	s5 =	sadd.s32 s5, s6;
	[dreg:$0x0] =	wrdreg $0x0  }
0xaa: {  	s6 =	sshll.u32 s28, $0x1;
	[dreg:$0x2] =	wrdreg s5  }
0xab: {  	[dreg:$0x3] =	wrdreg s6  }
0xac: {  	[dreg:$0x4] =	wrdreg $0xC0  }
0xad: {  	_ =	task [dreg:s9], $0x5FFFF  }
0xae: {  	[dreg:$0x1] =	wrdreg $0xFFFFFFFF  }
0xaf: {  	[dreg:$0x0] =	wrdreg $0x60  }
0xb0: {  	[dreg:$0x2] =	wrdreg s2  }
0xb1: {  	[dreg:$0x3] =	wrdreg s19  }
0xb2: {  	[dreg:$0x4] =	wrdreg s4  }
0xb3: {  	[dreg:$0x5] =	wrdreg $0x9  }
0xb4: {  	_ =	task.clear_ibuf [dreg:s9], $0x6FFFF;
	_ =	strace $0x90000046  }
0xb5: {  	s29 =	simm.s32 $0x9;
	_ =	strace $0x80000048  }
0xb6: {  	_ =	swait.ge [sflag:s29], $0x1  }
0xb7: {  	[sflag:s29] =	ssyncadd.s32 $0xFFFFFFFF  }
0xb8: {  	_ =	strace $0x90000048  }
0xb9: {  	_ =	sfence  }
0xba: {  	s30 =	sld [smem:$0x0];
	_ =	sdelay $0x2  }
0xbb: {  	s31 =	sshll.u32 s1, $0xD;
	s1 =	sshrl.u32 s1, $0x2  }
0xbc: {  	s3 =	sand.u32 $0x4000, s31;
	s1 =	sadd.s32 s1, s30  }
0xbd: {  	s0 =	sor.u32 s3, s0;
	s1 =	sshll.u32 s1, $0x11  }
0xbe: {  	s0 =	sor.u32 s1, s0  }
0xbf: {  	s0 =	sadd.s32 $0x8F2B, s0  }
0xc0: {  	[sflag:s0] =	ssyncadd.remote.s32 $0x1  }
0xc1: {  	_ =	sfence.sel $0xFFFF  }
0xc2: {  	[dreg:$0x0] =	wrdreg $0xFFFFFFFF;
	(pc) =	sbr.abs _section_cstart, $3  }
0xc3: {  	[dreg:$0x1] =	wrdreg $0xFFFFFFFF  }
0xc4: {  	_ =	task.clear_ibuf [dreg:s9], $0x2FFFF;
	_ =	strace $0x9FFFFFFF  }
0xc5: {  	(tm) =	ssettm $0x7FFFFFFF  }
tec
execute0_lowered:
.L_overlay_start_1:
0x0: {  	(tag) =	ssettag $0x1  }
0x1: {  	s0 =	rddreg [dreg:$0x0]  }
0x2: {  	s1 =	rddreg [dreg:$0x1]  }
0x3: {  	s2 =	rddreg [dreg:$0x2]  }
0x4: {  	s4 =	srdreg.scid;
	s3 =	simm.s32 $0x0;
	s5 =	stileid.u32  }
0x5: {  	s12 =	simm.s32 $0x80;
	s23 =	simm.s32 $0xC;
	s24 =	simm.s32 $0xD  }
0x6: {  	s25 =	simm.s32 $0xE;
	s28 =	simm.s32 $0x0;
	s4 =	sand.u32 $0x1, s4  }
0x7: {  	[smem:$0x7FF] =	sst s3;
	s5 =	sshll.u32 s5, $0x8;
	s6 =	sshll.u32 s4, $0x7  }
.Ltmp0:
0x8: {  	s4 =	ssub.s32 $0x2, s4;
	s5 =	sor.u32 s6, s5;
	(pc) =	sbr.rel .LBB2_1-.Ltmp0, $4  }
0x9: {  	_ =	strace $0x80000047;
	s26 =	sshrl.u32 s4, $0x1;
	s7 =	sadd.s32 s0, s5  }
0xa: {  	s4 =	ssub.s32 s4, s26;
	[dreg:$0x4] =	wrdreg s7;
	s30 =	sadd.s32 $0x6000, s7  }
0xb: {  	s29 =	sshll.u32 s5, $0x4;
	s31 =	smax.u32 s4, $0x1;
	[dreg:$0x5] =	wrdreg s30  }
0xc: {  	s26 =	simm.s32 $0x8;
	s6 =	sadd.s32 s2, s29;
	[dreg:$0x6] =	wrdreg s31  }
.LBB2_7:
0xd: {  	s0 =	simm.s32 $0x9  }
0xe: {  	_ =	swait.ge [sflag:s0], $0x4000  }
0xf: {  	[sflag:s0] =	ssyncset.done $0x0  }
0x10: {  	s29 =	simm.s32 $0xA;
	[sflag:s0] =	ssyncadd.s32 $0xFFFFC000  }
0x11: {  	_ =	swait.ge [sflag:s29], $0x4000  }
0x12: {  	[sflag:s29] =	ssyncset.done $0x0  }
0x13: {  	s30 =	simm.s32 $0xB;
	[sflag:s29] =	ssyncadd.s32 $0xFFFFC000  }
0x14: {  	_ =	swait.ge [sflag:s30], $0x4000  }
0x15: {  	[sflag:s30] =	ssyncset.done $0x0  }
0x16: {  	[sflag:s30] =	ssyncadd.s32 $0xFFFFC000  }
0x17: {  	_ =	swait.ge [sflag:s23], $0x4000  }
0x18: {  	[sflag:s23] =	ssyncset.done $0x0  }
0x19: {  	[sflag:s23] =	ssyncadd.s32 $0xFFFFC000  }
0x1a: {  	_ =	swait.ge [sflag:s24], $0x4000  }
0x1b: {  	[sflag:s24] =	ssyncset.done $0x0  }
0x1c: {  	[sflag:s24] =	ssyncadd.s32 $0xFFFFC000  }
0x1d: {  	_ =	swait.ge [sflag:s25], $0x4000  }
0x1e: {  	[sflag:s25] =	ssyncset.done $0x0  }
0x1f: {  	[sflag:s25] =	ssyncadd.s32 $0xFFFFC000  }
0x20: {  	_ =	swait.ge [sflag:s26], $0x4000  }
0x21: {  	s28 =	sadd.s32 $0x1, s28;
	s31 =	rddreg [dreg:$0x6]  }
0x22: {  	p0 =	sne.s32 s28, s31  }
.Ltmp1:
0x23: {  	_ = 	snop;
	(pc) =	sbr.rel @!p0 .LBB2_8-.Ltmp1, $3  }
0x24: {  	_ =	sdelay $0x1  }
0x25: {  	[sflag:s26] =	ssyncset.done $0x0  }
0x26: {  	[sflag:s26] =	ssyncadd.s32 $0xFFFFC000  }
.LBB2_1:
0x27: {  	s0 =	rddreg [dreg:$0x4];
	s2 =	simm.s32 $0x400;
	s4 =	simm.s32 $0x8000  }
0x28: {  	[tilespmem:s3], [sflag:$0xF] =	stream.strided.gather [hbm4b:s0+s2], $0x1800, s4, s2, $0x38;
	[tilespmem:$0x1DC00] =	vst v63  }
0x29: {  	s14 =	rddreg [dreg:$0x5];
	s15 =	simm.s32 $0x1800;
	s16 =	simm.s32 $0xF  }
0x2a: {  	[tilespmem:s15], [sflag:$0xF] =	stream.linear.gather [hbm4b:s14+s3], $0x100, $0x38;
	[tilespmem:$0x1DC00] =	vst v63  }
0x2b: {  	_ =	swait.ge [sflag:s16], $0x1900  }
0x2c: {  	[sflag:s16] =	ssyncset.done $0x0  }
0x2d: {  	s29 =	simm.s32 $0x1C00;
	[sflag:s16] =	ssyncadd.s32 $0xFFFFE700  }
0x2e: {  	[tilespmem:s29], [sflag:$0x1] =	stream.indirect.gather [hbm4b:s1+s12], $0x80, s3, s12, $0xb8;
	[tilespmem:$0x1DC00] =	vst v63  }
0x2f: {  	s17 =	simm.s32 $0x5C00  }
0x30: {  	[tilespmem:s17], [sflag:$0x2] =	stream.indirect.gather [hbm4b:s1+s12], $0x80, s12, s12, $0xb8;
	[tilespmem:$0x1DC00] =	vst v63  }
0x31: {  	s18 =	simm.s32 $0x100;
	s19 =	simm.s32 $0x9C00  }
0x32: {  	[tilespmem:s19], [sflag:$0x3] =	stream.indirect.gather [hbm4b:s1+s12], $0x80, s18, s12, $0xb8;
	[tilespmem:$0x1DC00] =	vst v63  }
.Ltmp2:
0x33: {  	_ = 	snop;
	(pc) =	sbr.rel .LBB2_2-.Ltmp2, $4  }
0x34: {  	s20 =	simm.s32 $0x180;
	s21 =	simm.s32 $0xDC00;
	s22 =	simm.s32 $0x200  }
0x35: {  	[tilespmem:s21], [sflag:$0x4] =	stream.indirect.gather [hbm4b:s1+s12], $0x80, s20, s12, $0xb8;
	[tilespmem:$0x1DC00] =	vst v63  }
0x36: {  	s30 =	simm.s32 $0x11C00;
	s8 =	simm.s32 $0x0;
	s31 =	simm.s32 $0x0  }
0x37: {  	[tilespmem:s30], [sflag:$0x5] =	stream.indirect.gather [hbm4b:s1+s12], $0x80, s22, s12, $0xb8;
	[tilespmem:$0x1DC00] =	vst v63  }
.LBB2_6:
0x38: {  	s4 =	sshll.u32 s31, $0x10;
	s31 =	sadd.s32 $0x1, s31  }
0x39: {  	p0 =	sne.s32 s31, $0x32  }
.Ltmp3:
0x3a: {  	_ = 	snop;
	(pc) =	sbr.rel @!p0 .LBB2_7-.Ltmp3, $4  }
0x3b: {  	_ = 	snop  }
0x3c: {  	s2 =	sshll.u32 s0, $0xE;
	s30 =	sadd.s32 $0x8, s0;
	s8 =	sadd.s32 $0x80, s8  }
0x3d: {  	s29 =	sadd.s32 $0x4000, s29;
	s2 =	sor.u32 $0x1C00, s2;
	s4 =	sadd.s32 s4, s6  }
0x3e: {  	[hbm4b:s4+s3] =	stream.linear.scatter [tilespmem:s2], [sflag:s30], $0x4000, $0x38;
	[tilespmem:$0x1DC00] =	vst v63  }
.LBB2_2:
0x3f: {  	s0 =	smul.u32 $0x25, s31;
	_ =	sdelay $0x1  }
0x40: {  	s2 =	sadd.s32 $0xB9, s0  }
0x41: {  	s4 =	sadd.s32 $0x5, s31;
	s2 =	sshrl.u32 s2, $0x8  }
0x42: {  	s5 =	ssub.s32 s4, s2  }
0x43: {  	s0 =	sshrl.u32 s0, $0x8;
	s5 =	sand.u32 $0xFE, s5  }
0x44: {  	s7 =	ssub.s32 s31, s0;
	s5 =	sshrl.u32 s5, $0x1  }
0x45: {  	s20 =	sand.u32 $0xFE, s7;
	s2 =	sadd.s32 s2, s5  }
0x46: {  	s5 =	sshrl.u32 s20, $0x1;
	s2 =	sand.u32 $0xFC, s2  }
0x47: {  	s0 =	sadd.s32 s0, s5;
	s2 =	sshrl.u32 s2, $0x2  }
0x48: {  	s0 =	sand.u32 $0xFC, s0;
	s2 =	smul.u32 $0x7, s2  }
0x49: {  	p0 =	sgt.u32 s31, $0x2C;
	s0 =	sshrl.u32 s0, $0x2  }
0x4a: {  	p1 =	slt.u32 @!p0 s31, $0x2;
	s0 =	smul.u32 $0x7, s0;
	s2 =	ssub.s32 s4, s2  }
0x4b: {  	p1 =	por p1, p0;
	s4 =	sshll.u32 @!p0 s4, $0x7;
	s2 =	sand.u32 $0xFF, s2  }
0x4c: {  	s0 =	ssub.s32 s31, s0;
	s4 =	sand.u32 @!p0 $0x3FFFFF80, s4;
	s5 =	sadd.s32 @!p1 $0x8, s2  }
0x4d: {  	s0 =	sand.u32 $0xFF, s0;
	s7 =	sshll.u32 @!p0 s2, $0xE;
	_ =	swait.ge @!p1 [sflag:s5], $0x4000  }
0x4e: {  	s2 =	sadd.s32 @!p0 $0x1, s2;
	s21 =	sadd.s32 $0x1, s0;
	[sflag:s5] =	ssyncset.done @!p1 $0x0  }
0x4f: {  	[sflag:s5] =	ssyncadd.s32 @!p1 $0xFFFFC000;
	s5 =	sor.u32 @!p0 $0x1C00, s7;
	s7 =	simm.s32 @!p0 $0x80  }
0x50: {  	[tilespmem:s5], [sflag:s2] =	stream.indirect.gather @!p0 [hbm4b:s1+s7], $0x80, s4, s7, $0xb8;
	[tilespmem:$0x1DC00] =	vst v63  }
0x51: {  	_ =	swait.ge [sflag:s21], $0x4000  }
0x52: {  	s22 =	sshll.u32 s31, $0x7;
	[sflag:s21] =	ssyncset.done $0x0  }
0x53: {  	s30 =	sand.u32 $0x3FFFFF80, s22;
	[sflag:s21] =	ssyncadd.s32 $0xFFFFC000  }
0x54: {  	v0 =	vld [tilespmem:s30+$0x0]  }
0x55: {  	v1 =	vld [tilespmem:s30+$0x10];
	_ =	sdelay $0x1  }
0x56: {  	v2 =	vld [tilespmem:s30+$0x20];
	_ =	sdelay $0x1  }
0x57: {  	v3 =	vld [tilespmem:s30+$0x30]  }
0x58: {  	vm0 =	vlt.s32 v0, v1  }
0x59: {  	v60 =	vld [tilespmem:s30+$0x40];
	v0 =	vsel vm0, v0, v1  }
0x5a: {  	vm0 =	vlt.s32 v0, v2  }
0x5b: {  	v61 =	vld [tilespmem:s30+$0x50];
	v0 =	vsel vm0, v0, v2  }
0x5c: {  	vm0 =	vlt.s32 v0, v3  }
0x5d: {  	v62 =	vld [tilespmem:s30+$0x60];
	v0 =	vsel vm0, v0, v3  }
0x5e: {  	vm0 =	vlt.s32 v0, v60  }
0x5f: {  	v63 =	vld [tilespmem:s30+$0x70];
	v0 =	vsel vm0, v0, v60  }
0x60: {  	vm0 =	vlt.s32 v0, v61  }
0x61: {  	v0 =	vsel vm0, v0, v61  }
0x62: {  	vm0 =	vlt.s32 v0, v62  }
0x63: {  	v0 =	vsel vm0, v0, v62  }
0x64: {  	vm0 =	vlt.s32 v0, v63  }
0x65: {  	v0 =	vsel vm0, v0, v63  }
0x66: {  	(v2sf) =	vpush v0, $0x0  }
0x67: {  	(v2sf) =	vpush v0, $0x1;
	_ =	sdelay $0x1  }
0x68: {  	(v2sf) =	vpush v0, $0x2;
	_ =	sdelay $0x1  }
0x69: {  	(v2sf) =	vpush v0, $0x3;
	_ =	sdelay $0x1  }
0x6a: {  	(v2sf) =	vpush v0, $0x4;
	_ =	sdelay $0x1  }
0x6b: {  	(v2sf) =	vpush v0, $0x5;
	_ =	sdelay $0x1  }
0x6c: {  	(v2sf) =	vpush v0, $0x6;
	_ =	sdelay $0x1  }
0x6d: {  	(v2sf) =	vpush v0, $0x7;
	_ =	sdelay $0x1  }
0x6e: {  	s2 =	spop (v2sf);
	(v2sf) =	vpush v0, $0x8  }
0x6f: {  	s4 =	spop (v2sf)  }
0x70: {  	(v2sf) =	vpush v0, $0x9;
	p0 =	slt.s32 s2, s4  }
0x71: {  	s4 =	smov.u32 @p0 s2;
	s2 =	spop (v2sf)  }
0x72: {  	(v2sf) =	vpush v0, $0xA;
	p0 =	slt.s32 s4, s2  }
0x73: {  	s2 =	smov.u32 @p0 s4;
	s4 =	spop (v2sf)  }
0x74: {  	(v2sf) =	vpush v0, $0xB;
	p0 =	slt.s32 s2, s4  }
0x75: {  	s4 =	smov.u32 @p0 s2;
	s2 =	spop (v2sf)  }
0x76: {  	(v2sf) =	vpush v0, $0xC;
	p0 =	slt.s32 s4, s2  }
0x77: {  	s2 =	smov.u32 @p0 s4;
	s4 =	spop (v2sf)  }
0x78: {  	(v2sf) =	vpush v0, $0xD;
	p0 =	slt.s32 s2, s4  }
0x79: {  	s4 =	smov.u32 @p0 s2;
	s2 =	spop (v2sf)  }
0x7a: {  	(v2sf) =	vpush v0, $0xE;
	p0 =	slt.s32 s4, s2  }
0x7b: {  	s2 =	smov.u32 @p0 s4;
	s4 =	spop (v2sf)  }
0x7c: {  	(v2sf) =	vpush v0, $0xF;
	p0 =	slt.s32 s2, s4  }
0x7d: {  	s5 =	spop (v2sf);
	s4 =	smov.u32 @p0 s2  }
0x7e: {  	p0 =	slt.s32 s4, s5  }
0x7f: {  	s2 =	spop (v2sf);
	s5 =	smov.u32 @p0 s4  }
0x80: {  	p0 =	slt.s32 s5, s2  }
0x81: {  	s4 =	spop (v2sf);
	s2 =	smov.u32 @p0 s5  }
0x82: {  	p0 =	slt.s32 s2, s4  }
0x83: {  	s5 =	spop (v2sf);
	s4 =	smov.u32 @p0 s2  }
0x84: {  	p0 =	slt.s32 s4, s5  }
0x85: {  	s2 =	spop (v2sf);
	s5 =	smov.u32 @p0 s4  }
0x86: {  	p0 =	slt.s32 s5, s2  }
0x87: {  	s4 =	spop (v2sf);
	s2 =	smov.u32 @p0 s5  }
0x88: {  	p0 =	slt.s32 s2, s4  }
0x89: {  	s5 =	spop (v2sf);
	s4 =	smov.u32 @p0 s2  }
0x8a: {  	p0 =	slt.s32 s4, s5  }
0x8b: {  	s2 =	spop (v2sf);
	s5 =	smov.u32 @p0 s4  }
0x8c: {  	p0 =	slt.s32 s5, s2  }
0x8d: {  	s2 =	smov.u32 @p0 s5  }
0x8e: {  	p0 =	sne.s32 s2, $0x0  }
.Ltmp4:
0x8f: {  	_ = 	snop;
	(pc) =	sbr.rel @p0 .LBB2_6-.Ltmp4, $1  }
0x90: {  	_ =	sdelay $0x3  }
0x91: {  	v1 =	vld [tilespmem:s8+$0x0];
	_ =	sdelay $0x4  }
0x92: {  	(v2sf) =	vpush v1, $0x0;
	_ =	sdelay $0x2  }
0x93: {  	s2 =	smulhi.u32 $0x24924925, s31;
	_ =	sdelay $0x1  }
0x94: {  	s4 =	ssub.s32 s31, s2  }
0x95: {  	s4 =	sshrl.u32 s4, $0x1  }
0x96: {  	s2 =	sadd.s32 s2, s4  }
0x97: {  	s2 =	sshrl.u32 s2, $0x2;
	(v2sf) =	vpush v1, $0x1  }
0x98: {  	s2 =	smul.u32 $0xFFF90000, s2;
	_ =	sdelay $0x1  }
0x99: {  	s2 =	sshra.s32 s2, $0x2  }
0x9a: {  	s2 =	sadd.s32 s2, s29  }
0x9b: {  	v0 =	vmov s2;
	_ =	sdelay $0x1  }
0x9c: {  	s4 =	spop (v2sf)  }
0x9d: {  	(v2sf) =	vpush v1, $0x2;
	p0 =	sne.s32 s4, $0x0  }
0x9e: {  	s2 =	simm.s32 @!p0 $0x0;
	v2 =	vimm.f32 @!p0 $0.0e+00  }
0x9f: {  	[tilespmem:v0+s2+$0x0 ss:$0x1] =	vst.idx.msk @!p0 $0xffff, v2  }
0xa0: {  	[tilespmem:v0+s2+$0x10 ss:$0x1] =	vst.idx.msk @!p0 $0xffff, v2  }
0xa1: {  	[tilespmem:v0+s2+$0x20 ss:$0x1] =	vst.idx.msk @!p0 $0xffff, v2  }
0xa2: {  	[tilespmem:v0+s2+$0x30 ss:$0x1] =	vst.idx.msk @!p0 $0xffff, v2  }
0xa3: {  	[tilespmem:v0+s2+$0x40 ss:$0x1] =	vst.idx.msk @!p0 $0xffff, v2  }
0xa4: {  	s5 =	spop (v2sf);
	[tilespmem:v0+s2+$0x50 ss:$0x1] =	vst.idx.msk @!p0 $0xffff, v2  }
0xa5: {  	(v2sf) =	vpush v1, $0x3;
	p1 =	sne.s32 s5, $0x0;
	[tilespmem:v0+s2+$0x60 ss:$0x1] =	vst.idx.msk @!p0 $0xffff, v2  }
0xa6: {  	[tilespmem:v0+s2+$0x70 ss:$0x1] =	vst.idx.msk @!p0 $0xffff, v2;
	s2 =	simm.s32 @!p1 $0x0;
	v2 =	vimm.f32 @!p1 $0.0e+00  }
0xa7: {  	[tilespmem:v0+s2+$0x80 ss:$0x1] =	vst.idx.msk @!p1 $0xffff, v2  }
0xa8: {  	[tilespmem:v0+s2+$0x90 ss:$0x1] =	vst.idx.msk @!p1 $0xffff, v2  }
0xa9: {  	[tilespmem:v0+s2+$0xA0 ss:$0x1] =	vst.idx.msk @!p1 $0xffff, v2  }
0xaa: {  	[tilespmem:v0+s2+$0xB0 ss:$0x1] =	vst.idx.msk @!p1 $0xffff, v2  }
0xab: {  	[tilespmem:v0+s2+$0xC0 ss:$0x1] =	vst.idx.msk @!p1 $0xffff, v2  }
0xac: {  	s7 =	spop (v2sf);
	[tilespmem:v0+s2+$0xD0 ss:$0x1] =	vst.idx.msk @!p1 $0xffff, v2  }
0xad: {  	(v2sf) =	vpush v1, $0x4;
	p0 =	sne.s32 s7, $0x0;
	[tilespmem:v0+s2+$0xE0 ss:$0x1] =	vst.idx.msk @!p1 $0xffff, v2  }
0xae: {  	[tilespmem:v0+s2+$0xF0 ss:$0x1] =	vst.idx.msk @!p1 $0xffff, v2;
	s2 =	simm.s32 @!p0 $0x0;
	v2 =	vimm.f32 @!p0 $0.0e+00  }
0xaf: {  	[tilespmem:v0+s2+$0x100 ss:$0x1] =	vst.idx.msk @!p0 $0xffff, v2  }
0xb0: {  	[tilespmem:v0+s2+$0x110 ss:$0x1] =	vst.idx.msk @!p0 $0xffff, v2  }
0xb1: {  	[tilespmem:v0+s2+$0x120 ss:$0x1] =	vst.idx.msk @!p0 $0xffff, v2  }
0xb2: {  	[tilespmem:v0+s2+$0x130 ss:$0x1] =	vst.idx.msk @!p0 $0xffff, v2  }
0xb3: {  	[tilespmem:v0+s2+$0x140 ss:$0x1] =	vst.idx.msk @!p0 $0xffff, v2  }
0xb4: {  	s9 =	spop (v2sf);
	[tilespmem:v0+s2+$0x150 ss:$0x1] =	vst.idx.msk @!p0 $0xffff, v2  }
0xb5: {  	(v2sf) =	vpush v1, $0x5;
	p1 =	sne.s32 s9, $0x0;
	[tilespmem:v0+s2+$0x160 ss:$0x1] =	vst.idx.msk @!p0 $0xffff, v2  }
0xb6: {  	[tilespmem:v0+s2+$0x170 ss:$0x1] =	vst.idx.msk @!p0 $0xffff, v2;
	s2 =	simm.s32 @!p1 $0x0;
	v2 =	vimm.f32 @!p1 $0.0e+00  }
0xb7: {  	[tilespmem:v0+s2+$0x180 ss:$0x1] =	vst.idx.msk @!p1 $0xffff, v2  }
0xb8: {  	[tilespmem:v0+s2+$0x190 ss:$0x1] =	vst.idx.msk @!p1 $0xffff, v2  }
0xb9: {  	[tilespmem:v0+s2+$0x1A0 ss:$0x1] =	vst.idx.msk @!p1 $0xffff, v2  }
0xba: {  	[tilespmem:v0+s2+$0x1B0 ss:$0x1] =	vst.idx.msk @!p1 $0xffff, v2  }
0xbb: {  	[tilespmem:v0+s2+$0x1C0 ss:$0x1] =	vst.idx.msk @!p1 $0xffff, v2  }
0xbc: {  	s10 =	spop (v2sf);
	[tilespmem:v0+s2+$0x1D0 ss:$0x1] =	vst.idx.msk @!p1 $0xffff, v2  }
0xbd: {  	(v2sf) =	vpush v1, $0x6;
	p0 =	sne.s32 s10, $0x0;
	[tilespmem:v0+s2+$0x1E0 ss:$0x1] =	vst.idx.msk @!p1 $0xffff, v2  }
0xbe: {  	[tilespmem:v0+s2+$0x1F0 ss:$0x1] =	vst.idx.msk @!p1 $0xffff, v2;
	s2 =	simm.s32 @!p0 $0x0;
	v2 =	vimm.f32 @!p0 $0.0e+00  }
0xbf: {  	[tilespmem:v0+s2+$0x200 ss:$0x1] =	vst.idx.msk @!p0 $0xffff, v2  }
0xc0: {  	[tilespmem:v0+s2+$0x210 ss:$0x1] =	vst.idx.msk @!p0 $0xffff, v2  }
0xc1: {  	[tilespmem:v0+s2+$0x220 ss:$0x1] =	vst.idx.msk @!p0 $0xffff, v2  }
0xc2: {  	[tilespmem:v0+s2+$0x230 ss:$0x1] =	vst.idx.msk @!p0 $0xffff, v2  }
0xc3: {  	[tilespmem:v0+s2+$0x240 ss:$0x1] =	vst.idx.msk @!p0 $0xffff, v2  }
0xc4: {  	s11 =	spop (v2sf);
	[tilespmem:v0+s2+$0x250 ss:$0x1] =	vst.idx.msk @!p0 $0xffff, v2  }
0xc5: {  	(v2sf) =	vpush v1, $0x7;
	p1 =	sne.s32 s11, $0x0;
	[tilespmem:v0+s2+$0x260 ss:$0x1] =	vst.idx.msk @!p0 $0xffff, v2  }
0xc6: {  	[tilespmem:v0+s2+$0x270 ss:$0x1] =	vst.idx.msk @!p0 $0xffff, v2;
	s2 =	simm.s32 @!p1 $0x0;
	v2 =	vimm.f32 @!p1 $0.0e+00  }
0xc7: {  	[tilespmem:v0+s2+$0x280 ss:$0x1] =	vst.idx.msk @!p1 $0xffff, v2  }
0xc8: {  	[tilespmem:v0+s2+$0x290 ss:$0x1] =	vst.idx.msk @!p1 $0xffff, v2  }
0xc9: {  	[tilespmem:v0+s2+$0x2A0 ss:$0x1] =	vst.idx.msk @!p1 $0xffff, v2  }
0xca: {  	[tilespmem:v0+s2+$0x2B0 ss:$0x1] =	vst.idx.msk @!p1 $0xffff, v2  }
0xcb: {  	[tilespmem:v0+s2+$0x2C0 ss:$0x1] =	vst.idx.msk @!p1 $0xffff, v2  }
0xcc: {  	s13 =	spop (v2sf);
	[tilespmem:v0+s2+$0x2D0 ss:$0x1] =	vst.idx.msk @!p1 $0xffff, v2  }
0xcd: {  	(v2sf) =	vpush v1, $0x8;
	p0 =	sne.s32 s13, $0x0;
	[tilespmem:v0+s2+$0x2E0 ss:$0x1] =	vst.idx.msk @!p1 $0xffff, v2  }
0xce: {  	[tilespmem:v0+s2+$0x2F0 ss:$0x1] =	vst.idx.msk @!p1 $0xffff, v2;
	s2 =	simm.s32 @!p0 $0x0;
	v2 =	vimm.f32 @!p0 $0.0e+00  }
0xcf: {  	[tilespmem:v0+s2+$0x300 ss:$0x1] =	vst.idx.msk @!p0 $0xffff, v2  }
0xd0: {  	[tilespmem:v0+s2+$0x310 ss:$0x1] =	vst.idx.msk @!p0 $0xffff, v2  }
0xd1: {  	[tilespmem:v0+s2+$0x320 ss:$0x1] =	vst.idx.msk @!p0 $0xffff, v2  }
0xd2: {  	[tilespmem:v0+s2+$0x330 ss:$0x1] =	vst.idx.msk @!p0 $0xffff, v2  }
0xd3: {  	[tilespmem:v0+s2+$0x340 ss:$0x1] =	vst.idx.msk @!p0 $0xffff, v2  }
0xd4: {  	s14 =	spop (v2sf);
	[tilespmem:v0+s2+$0x350 ss:$0x1] =	vst.idx.msk @!p0 $0xffff, v2  }
0xd5: {  	(v2sf) =	vpush v1, $0x9;
	p1 =	sne.s32 s14, $0x0;
	[tilespmem:v0+s2+$0x360 ss:$0x1] =	vst.idx.msk @!p0 $0xffff, v2  }
0xd6: {  	[tilespmem:v0+s2+$0x370 ss:$0x1] =	vst.idx.msk @!p0 $0xffff, v2;
	s2 =	simm.s32 @!p1 $0x0;
	v2 =	vimm.f32 @!p1 $0.0e+00  }
0xd7: {  	[tilespmem:v0+s2+$0x380 ss:$0x1] =	vst.idx.msk @!p1 $0xffff, v2  }
0xd8: {  	[tilespmem:v0+s2+$0x390 ss:$0x1] =	vst.idx.msk @!p1 $0xffff, v2  }
0xd9: {  	[tilespmem:v0+s2+$0x3A0 ss:$0x1] =	vst.idx.msk @!p1 $0xffff, v2  }
0xda: {  	[tilespmem:v0+s2+$0x3B0 ss:$0x1] =	vst.idx.msk @!p1 $0xffff, v2  }
0xdb: {  	[tilespmem:v0+s2+$0x3C0 ss:$0x1] =	vst.idx.msk @!p1 $0xffff, v2  }
0xdc: {  	s15 =	spop (v2sf);
	[tilespmem:v0+s2+$0x3D0 ss:$0x1] =	vst.idx.msk @!p1 $0xffff, v2  }
0xdd: {  	(v2sf) =	vpush v1, $0xA;
	p0 =	sne.s32 s15, $0x0;
	[tilespmem:v0+s2+$0x3E0 ss:$0x1] =	vst.idx.msk @!p1 $0xffff, v2  }
0xde: {  	[tilespmem:v0+s2+$0x3F0 ss:$0x1] =	vst.idx.msk @!p1 $0xffff, v2;
	s2 =	simm.s32 @!p0 $0x0;
	v2 =	vimm.f32 @!p0 $0.0e+00  }
0xdf: {  	[tilespmem:v0+s2+$0x400 ss:$0x1] =	vst.idx.msk @!p0 $0xffff, v2  }
0xe0: {  	[tilespmem:v0+s2+$0x410 ss:$0x1] =	vst.idx.msk @!p0 $0xffff, v2  }
0xe1: {  	[tilespmem:v0+s2+$0x420 ss:$0x1] =	vst.idx.msk @!p0 $0xffff, v2  }
0xe2: {  	[tilespmem:v0+s2+$0x430 ss:$0x1] =	vst.idx.msk @!p0 $0xffff, v2  }
0xe3: {  	[tilespmem:v0+s2+$0x440 ss:$0x1] =	vst.idx.msk @!p0 $0xffff, v2  }
0xe4: {  	s16 =	spop (v2sf);
	[tilespmem:v0+s2+$0x450 ss:$0x1] =	vst.idx.msk @!p0 $0xffff, v2  }
0xe5: {  	(v2sf) =	vpush v1, $0xB;
	p1 =	sne.s32 s16, $0x0;
	[tilespmem:v0+s2+$0x460 ss:$0x1] =	vst.idx.msk @!p0 $0xffff, v2  }
0xe6: {  	[tilespmem:v0+s2+$0x470 ss:$0x1] =	vst.idx.msk @!p0 $0xffff, v2;
	s2 =	simm.s32 @!p1 $0x0;
	v2 =	vimm.f32 @!p1 $0.0e+00  }
0xe7: {  	[tilespmem:v0+s2+$0x480 ss:$0x1] =	vst.idx.msk @!p1 $0xffff, v2  }
0xe8: {  	[tilespmem:v0+s2+$0x490 ss:$0x1] =	vst.idx.msk @!p1 $0xffff, v2  }
0xe9: {  	[tilespmem:v0+s2+$0x4A0 ss:$0x1] =	vst.idx.msk @!p1 $0xffff, v2  }
0xea: {  	[tilespmem:v0+s2+$0x4B0 ss:$0x1] =	vst.idx.msk @!p1 $0xffff, v2  }
0xeb: {  	[tilespmem:v0+s2+$0x4C0 ss:$0x1] =	vst.idx.msk @!p1 $0xffff, v2  }
0xec: {  	s17 =	spop (v2sf);
	[tilespmem:v0+s2+$0x4D0 ss:$0x1] =	vst.idx.msk @!p1 $0xffff, v2  }
0xed: {  	(v2sf) =	vpush v1, $0xC;
	p0 =	sne.s32 s17, $0x0;
	[tilespmem:v0+s2+$0x4E0 ss:$0x1] =	vst.idx.msk @!p1 $0xffff, v2  }
0xee: {  	[tilespmem:v0+s2+$0x4F0 ss:$0x1] =	vst.idx.msk @!p1 $0xffff, v2;
	s2 =	simm.s32 @!p0 $0x0;
	v2 =	vimm.f32 @!p0 $0.0e+00  }
0xef: {  	[tilespmem:v0+s2+$0x500 ss:$0x1] =	vst.idx.msk @!p0 $0xffff, v2  }
0xf0: {  	[tilespmem:v0+s2+$0x510 ss:$0x1] =	vst.idx.msk @!p0 $0xffff, v2  }
0xf1: {  	[tilespmem:v0+s2+$0x520 ss:$0x1] =	vst.idx.msk @!p0 $0xffff, v2  }
0xf2: {  	[tilespmem:v0+s2+$0x530 ss:$0x1] =	vst.idx.msk @!p0 $0xffff, v2  }
0xf3: {  	[tilespmem:v0+s2+$0x540 ss:$0x1] =	vst.idx.msk @!p0 $0xffff, v2  }
0xf4: {  	s18 =	spop (v2sf);
	[tilespmem:v0+s2+$0x550 ss:$0x1] =	vst.idx.msk @!p0 $0xffff, v2  }
0xf5: {  	(v2sf) =	vpush v1, $0xD;
	p1 =	sne.s32 s18, $0x0;
	[tilespmem:v0+s2+$0x560 ss:$0x1] =	vst.idx.msk @!p0 $0xffff, v2  }
0xf6: {  	[tilespmem:v0+s2+$0x570 ss:$0x1] =	vst.idx.msk @!p0 $0xffff, v2;
	s2 =	simm.s32 @!p1 $0x0;
	v2 =	vimm.f32 @!p1 $0.0e+00  }
0xf7: {  	[tilespmem:v0+s2+$0x580 ss:$0x1] =	vst.idx.msk @!p1 $0xffff, v2  }
0xf8: {  	[tilespmem:v0+s2+$0x590 ss:$0x1] =	vst.idx.msk @!p1 $0xffff, v2  }
0xf9: {  	[tilespmem:v0+s2+$0x5A0 ss:$0x1] =	vst.idx.msk @!p1 $0xffff, v2  }
0xfa: {  	[tilespmem:v0+s2+$0x5B0 ss:$0x1] =	vst.idx.msk @!p1 $0xffff, v2  }
0xfb: {  	[tilespmem:v0+s2+$0x5C0 ss:$0x1] =	vst.idx.msk @!p1 $0xffff, v2  }
0xfc: {  	s19 =	spop (v2sf);
	[tilespmem:v0+s2+$0x5D0 ss:$0x1] =	vst.idx.msk @!p1 $0xffff, v2  }
0xfd: {  	(v2sf) =	vpush v1, $0xE;
	p0 =	sne.s32 s19, $0x0;
	[tilespmem:v0+s2+$0x5E0 ss:$0x1] =	vst.idx.msk @!p1 $0xffff, v2  }
0xfe: {  	[tilespmem:v0+s2+$0x5F0 ss:$0x1] =	vst.idx.msk @!p1 $0xffff, v2;
	s2 =	simm.s32 @!p0 $0x0;
	v2 =	vimm.f32 @!p0 $0.0e+00  }
0xff: {  	[tilespmem:v0+s2+$0x600 ss:$0x1] =	vst.idx.msk @!p0 $0xffff, v2  }
0x100: {  	[tilespmem:v0+s2+$0x610 ss:$0x1] =	vst.idx.msk @!p0 $0xffff, v2  }
0x101: {  	[tilespmem:v0+s2+$0x620 ss:$0x1] =	vst.idx.msk @!p0 $0xffff, v2  }
0x102: {  	[tilespmem:v0+s2+$0x630 ss:$0x1] =	vst.idx.msk @!p0 $0xffff, v2  }
0x103: {  	[tilespmem:v0+s2+$0x640 ss:$0x1] =	vst.idx.msk @!p0 $0xffff, v2  }
0x104: {  	s20 =	spop (v2sf);
	[tilespmem:v0+s2+$0x650 ss:$0x1] =	vst.idx.msk @!p0 $0xffff, v2  }
0x105: {  	(v2sf) =	vpush v1, $0xF;
	p1 =	sne.s32 s20, $0x0;
	[tilespmem:v0+s2+$0x660 ss:$0x1] =	vst.idx.msk @!p0 $0xffff, v2  }
0x106: {  	v1 =	vimm.f32 @!p1 $0.0e+00;
	[tilespmem:v0+s2+$0x670 ss:$0x1] =	vst.idx.msk @!p0 $0xffff, v2;
	s2 =	simm.s32 @!p1 $0x0  }
0x107: {  	[tilespmem:v0+s2+$0x680 ss:$0x1] =	vst.idx.msk @!p1 $0xffff, v1  }
0x108: {  	[tilespmem:v0+s2+$0x690 ss:$0x1] =	vst.idx.msk @!p1 $0xffff, v1  }
0x109: {  	[tilespmem:v0+s2+$0x6A0 ss:$0x1] =	vst.idx.msk @!p1 $0xffff, v1  }
0x10a: {  	[tilespmem:v0+s2+$0x6B0 ss:$0x1] =	vst.idx.msk @!p1 $0xffff, v1  }
0x10b: {  	[tilespmem:v0+s2+$0x6C0 ss:$0x1] =	vst.idx.msk @!p1 $0xffff, v1  }
0x10c: {  	s21 =	spop (v2sf);
	[tilespmem:v0+s2+$0x6D0 ss:$0x1] =	vst.idx.msk @!p1 $0xffff, v1  }
0x10d: {  	p0 =	sne.s32 s21, $0x0;
	[tilespmem:v0+s2+$0x6E0 ss:$0x1] =	vst.idx.msk @!p1 $0xffff, v1  }
0x10e: {  	[tilespmem:v0+s2+$0x6F0 ss:$0x1] =	vst.idx.msk @!p1 $0xffff, v1;
	s2 =	simm.s32 @!p0 $0x0;
	v1 =	vimm.f32 @!p0 $0.0e+00  }
0x10f: {  	[tilespmem:v0+s2+$0x700 ss:$0x1] =	vst.idx.msk @!p0 $0xffff, v1  }
0x110: {  	[tilespmem:v0+s2+$0x710 ss:$0x1] =	vst.idx.msk @!p0 $0xffff, v1  }
0x111: {  	[tilespmem:v0+s2+$0x720 ss:$0x1] =	vst.idx.msk @!p0 $0xffff, v1  }
0x112: {  	[tilespmem:v0+s2+$0x730 ss:$0x1] =	vst.idx.msk @!p0 $0xffff, v1  }
0x113: {  	[tilespmem:v0+s2+$0x740 ss:$0x1] =	vst.idx.msk @!p0 $0xffff, v1  }
0x114: {  	s22 =	spop (v2sf);
	[tilespmem:v0+s2+$0x750 ss:$0x1] =	vst.idx.msk @!p0 $0xffff, v1  }
0x115: {  	p1 =	sne.s32 s22, $0x0;
	[tilespmem:v0+s2+$0x760 ss:$0x1] =	vst.idx.msk @!p0 $0xffff, v1  }
0x116: {  	s4 =	simm.s32 @!p1 $0x0;
	[tilespmem:v0+s2+$0x770 ss:$0x1] =	vst.idx.msk @!p0 $0xffff, v1;
	v1 =	vimm.f32 @!p1 $0.0e+00  }
0x117: {  	[tilespmem:v0+s4+$0x780 ss:$0x1] =	vst.idx.msk @!p1 $0xffff, v1  }
0x118: {  	[tilespmem:v0+s4+$0x790 ss:$0x1] =	vst.idx.msk @!p1 $0xffff, v1  }
0x119: {  	[tilespmem:v0+s4+$0x7A0 ss:$0x1] =	vst.idx.msk @!p1 $0xffff, v1  }
0x11a: {  	[tilespmem:v0+s4+$0x7B0 ss:$0x1] =	vst.idx.msk @!p1 $0xffff, v1  }
0x11b: {  	[tilespmem:v0+s4+$0x7C0 ss:$0x1] =	vst.idx.msk @!p1 $0xffff, v1  }
0x11c: {  	[tilespmem:v0+s4+$0x7D0 ss:$0x1] =	vst.idx.msk @!p1 $0xffff, v1  }
0x11d: {  	s30 =	smov.u32 s8;
	s2 =	simm.s32 $0x2000;
	[tilespmem:v0+s4+$0x7E0 ss:$0x1] =	vst.idx.msk @!p1 $0xffff, v1  }
.LBB2_4:
0x11e: {  	[tilespmem:v0+s4+$0x7F0 ss:$0x1] =	vst.idx.msk @!p1 $0xffff, v1;
	s30 =	sadd.s32 $0x10, s30;
	s9 =	smov.u32 s2;
	s2 =	sadd.s32 $0x2000, s2  }
0x11f: {  	v1 =	vld [tilespmem:s30+$0x0];
	p0 =	sne.s32 s2, $0x10000;
	_ =	sdelay $0x4  }
0x120: {  	(v2sf) =	vpush v1, $0x0  }
0x121: {  	(v2sf) =	vpush v1, $0x1  }
0x122: {  	(v2sf) =	vpush v1, $0x2  }
0x123: {  	(v2sf) =	vpush v1, $0x3  }
0x124: {  	(v2sf) =	vpush v1, $0x4  }
0x125: {  	(v2sf) =	vpush v1, $0x5  }
0x126: {  	(v2sf) =	vpush v1, $0x6  }
0x127: {  	(v2sf) =	vpush v1, $0x7  }
0x128: {  	(v2sf) =	vpush v1, $0x8  }
0x129: {  	(v2sf) =	vpush v1, $0x9  }
0x12a: {  	(v2sf) =	vpush v1, $0xA  }
0x12b: {  	(v2sf) =	vpush v1, $0xB  }
0x12c: {  	(v2sf) =	vpush v1, $0xC  }
0x12d: {  	(v2sf) =	vpush v1, $0xD  }
0x12e: {  	(v2sf) =	vpush v1, $0xE  }
0x12f: {  	s4 =	spop (v2sf);
	(v2sf) =	vpush v1, $0xF  }
0x130: {  	p1 =	sne.s32 s4, $0x0;
	s10 =	spop (v2sf)  }
0x131: {  	s13 =	sshra.s32 @!p1 s9, $0x2;
	v1 =	vimm.f32 @!p1 $0.0e+00;
	s21 =	spop (v2sf)  }
0x132: {  	[tilespmem:v0+s13+$0x0 ss:$0x1] =	vst.idx.msk @!p1 $0xffff, v1;
	s20 =	spop (v2sf)  }
0x133: {  	[tilespmem:v0+s13+$0x10 ss:$0x1] =	vst.idx.msk @!p1 $0xffff, v1;
	s11 =	spop (v2sf)  }
0x134: {  	[tilespmem:v0+s13+$0x20 ss:$0x1] =	vst.idx.msk @!p1 $0xffff, v1;
	s4 =	spop (v2sf)  }
0x135: {  	[tilespmem:v0+s13+$0x30 ss:$0x1] =	vst.idx.msk @!p1 $0xffff, v1;
	s7 =	spop (v2sf)  }
0x136: {  	[tilespmem:v0+s13+$0x40 ss:$0x1] =	vst.idx.msk @!p1 $0xffff, v1;
	s5 =	spop (v2sf)  }
0x137: {  	[tilespmem:v0+s13+$0x50 ss:$0x1] =	vst.idx.msk @!p1 $0xffff, v1;
	s19 =	spop (v2sf)  }
0x138: {  	p2 =	sne.s32 s10, $0x0;
	[tilespmem:v0+s13+$0x60 ss:$0x1] =	vst.idx.msk @!p1 $0xffff, v1;
	s18 =	spop (v2sf)  }
0x139: {  	s22 =	sshra.s32 @!p2 s9, $0x2;
	[tilespmem:v0+s13+$0x70 ss:$0x1] =	vst.idx.msk @!p1 $0xffff, v1;
	v1 =	vimm.f32 @!p2 $0.0e+00;
	s17 =	spop (v2sf)  }
0x13a: {  	[tilespmem:v0+s22+$0x80 ss:$0x1] =	vst.idx.msk @!p2 $0xffff, v1;
	s16 =	spop (v2sf)  }
0x13b: {  	[tilespmem:v0+s22+$0x90 ss:$0x1] =	vst.idx.msk @!p2 $0xffff, v1;
	s15 =	spop (v2sf)  }
0x13c: {  	[tilespmem:v0+s22+$0xA0 ss:$0x1] =	vst.idx.msk @!p2 $0xffff, v1;
	s14 =	spop (v2sf)  }
0x13d: {  	[tilespmem:v0+s22+$0xB0 ss:$0x1] =	vst.idx.msk @!p2 $0xffff, v1;
	s13 =	spop (v2sf)  }
0x13e: {  	[tilespmem:v0+s22+$0xC0 ss:$0x1] =	vst.idx.msk @!p2 $0xffff, v1;
	s10 =	spop (v2sf)  }
0x13f: {  	[tilespmem:v0+s22+$0xD0 ss:$0x1] =	vst.idx.msk @!p2 $0xffff, v1  }
0x140: {  	p1 =	sne.s32 s21, $0x0;
	[tilespmem:v0+s22+$0xE0 ss:$0x1] =	vst.idx.msk @!p2 $0xffff, v1  }
0x141: {  	s21 =	sshra.s32 @!p1 s9, $0x2;
	[tilespmem:v0+s22+$0xF0 ss:$0x1] =	vst.idx.msk @!p2 $0xffff, v1;
	v1 =	vimm.f32 @!p1 $0.0e+00  }
0x142: {  	[tilespmem:v0+s21+$0x100 ss:$0x1] =	vst.idx.msk @!p1 $0xffff, v1  }
0x143: {  	[tilespmem:v0+s21+$0x110 ss:$0x1] =	vst.idx.msk @!p1 $0xffff, v1  }
0x144: {  	[tilespmem:v0+s21+$0x120 ss:$0x1] =	vst.idx.msk @!p1 $0xffff, v1  }
0x145: {  	[tilespmem:v0+s21+$0x130 ss:$0x1] =	vst.idx.msk @!p1 $0xffff, v1  }
0x146: {  	[tilespmem:v0+s21+$0x140 ss:$0x1] =	vst.idx.msk @!p1 $0xffff, v1  }
0x147: {  	[tilespmem:v0+s21+$0x150 ss:$0x1] =	vst.idx.msk @!p1 $0xffff, v1  }
0x148: {  	p2 =	sne.s32 s20, $0x0;
	[tilespmem:v0+s21+$0x160 ss:$0x1] =	vst.idx.msk @!p1 $0xffff, v1  }
0x149: {  	s20 =	sshra.s32 @!p2 s9, $0x2;
	[tilespmem:v0+s21+$0x170 ss:$0x1] =	vst.idx.msk @!p1 $0xffff, v1;
	v1 =	vimm.f32 @!p2 $0.0e+00  }
0x14a: {  	[tilespmem:v0+s20+$0x180 ss:$0x1] =	vst.idx.msk @!p2 $0xffff, v1  }
0x14b: {  	[tilespmem:v0+s20+$0x190 ss:$0x1] =	vst.idx.msk @!p2 $0xffff, v1  }
0x14c: {  	[tilespmem:v0+s20+$0x1A0 ss:$0x1] =	vst.idx.msk @!p2 $0xffff, v1  }
0x14d: {  	[tilespmem:v0+s20+$0x1B0 ss:$0x1] =	vst.idx.msk @!p2 $0xffff, v1  }
0x14e: {  	[tilespmem:v0+s20+$0x1C0 ss:$0x1] =	vst.idx.msk @!p2 $0xffff, v1  }
0x14f: {  	[tilespmem:v0+s20+$0x1D0 ss:$0x1] =	vst.idx.msk @!p2 $0xffff, v1  }
0x150: {  	p1 =	sne.s32 s11, $0x0;
	[tilespmem:v0+s20+$0x1E0 ss:$0x1] =	vst.idx.msk @!p2 $0xffff, v1  }
0x151: {  	s11 =	sshra.s32 @!p1 s9, $0x2;
	[tilespmem:v0+s20+$0x1F0 ss:$0x1] =	vst.idx.msk @!p2 $0xffff, v1;
	v1 =	vimm.f32 @!p1 $0.0e+00  }
0x152: {  	[tilespmem:v0+s11+$0x200 ss:$0x1] =	vst.idx.msk @!p1 $0xffff, v1  }
0x153: {  	[tilespmem:v0+s11+$0x210 ss:$0x1] =	vst.idx.msk @!p1 $0xffff, v1  }
0x154: {  	[tilespmem:v0+s11+$0x220 ss:$0x1] =	vst.idx.msk @!p1 $0xffff, v1  }
0x155: {  	[tilespmem:v0+s11+$0x230 ss:$0x1] =	vst.idx.msk @!p1 $0xffff, v1  }
0x156: {  	[tilespmem:v0+s11+$0x240 ss:$0x1] =	vst.idx.msk @!p1 $0xffff, v1  }
0x157: {  	[tilespmem:v0+s11+$0x250 ss:$0x1] =	vst.idx.msk @!p1 $0xffff, v1  }
0x158: {  	p2 =	sne.s32 s4, $0x0;
	[tilespmem:v0+s11+$0x260 ss:$0x1] =	vst.idx.msk @!p1 $0xffff, v1  }
0x159: {  	s4 =	sshra.s32 @!p2 s9, $0x2;
	[tilespmem:v0+s11+$0x270 ss:$0x1] =	vst.idx.msk @!p1 $0xffff, v1;
	v1 =	vimm.f32 @!p2 $0.0e+00  }
0x15a: {  	[tilespmem:v0+s4+$0x280 ss:$0x1] =	vst.idx.msk @!p2 $0xffff, v1  }
0x15b: {  	[tilespmem:v0+s4+$0x290 ss:$0x1] =	vst.idx.msk @!p2 $0xffff, v1  }
0x15c: {  	[tilespmem:v0+s4+$0x2A0 ss:$0x1] =	vst.idx.msk @!p2 $0xffff, v1  }
0x15d: {  	[tilespmem:v0+s4+$0x2B0 ss:$0x1] =	vst.idx.msk @!p2 $0xffff, v1  }
0x15e: {  	[tilespmem:v0+s4+$0x2C0 ss:$0x1] =	vst.idx.msk @!p2 $0xffff, v1  }
0x15f: {  	[tilespmem:v0+s4+$0x2D0 ss:$0x1] =	vst.idx.msk @!p2 $0xffff, v1  }
0x160: {  	p1 =	sne.s32 s7, $0x0;
	[tilespmem:v0+s4+$0x2E0 ss:$0x1] =	vst.idx.msk @!p2 $0xffff, v1  }
0x161: {  	[tilespmem:v0+s4+$0x2F0 ss:$0x1] =	vst.idx.msk @!p2 $0xffff, v1;
	s4 =	sshra.s32 @!p1 s9, $0x2;
	v1 =	vimm.f32 @!p1 $0.0e+00  }
0x162: {  	[tilespmem:v0+s4+$0x300 ss:$0x1] =	vst.idx.msk @!p1 $0xffff, v1  }
0x163: {  	[tilespmem:v0+s4+$0x310 ss:$0x1] =	vst.idx.msk @!p1 $0xffff, v1  }
0x164: {  	[tilespmem:v0+s4+$0x320 ss:$0x1] =	vst.idx.msk @!p1 $0xffff, v1  }
0x165: {  	[tilespmem:v0+s4+$0x330 ss:$0x1] =	vst.idx.msk @!p1 $0xffff, v1  }
0x166: {  	[tilespmem:v0+s4+$0x340 ss:$0x1] =	vst.idx.msk @!p1 $0xffff, v1  }
0x167: {  	[tilespmem:v0+s4+$0x350 ss:$0x1] =	vst.idx.msk @!p1 $0xffff, v1  }
0x168: {  	p2 =	sne.s32 s5, $0x0;
	[tilespmem:v0+s4+$0x360 ss:$0x1] =	vst.idx.msk @!p1 $0xffff, v1  }
0x169: {  	[tilespmem:v0+s4+$0x370 ss:$0x1] =	vst.idx.msk @!p1 $0xffff, v1;
	s4 =	sshra.s32 @!p2 s9, $0x2;
	v1 =	vimm.f32 @!p2 $0.0e+00  }
0x16a: {  	[tilespmem:v0+s4+$0x380 ss:$0x1] =	vst.idx.msk @!p2 $0xffff, v1  }
0x16b: {  	[tilespmem:v0+s4+$0x390 ss:$0x1] =	vst.idx.msk @!p2 $0xffff, v1  }
0x16c: {  	[tilespmem:v0+s4+$0x3A0 ss:$0x1] =	vst.idx.msk @!p2 $0xffff, v1  }
0x16d: {  	[tilespmem:v0+s4+$0x3B0 ss:$0x1] =	vst.idx.msk @!p2 $0xffff, v1  }
0x16e: {  	[tilespmem:v0+s4+$0x3C0 ss:$0x1] =	vst.idx.msk @!p2 $0xffff, v1  }
0x16f: {  	[tilespmem:v0+s4+$0x3D0 ss:$0x1] =	vst.idx.msk @!p2 $0xffff, v1  }
0x170: {  	p1 =	sne.s32 s19, $0x0;
	[tilespmem:v0+s4+$0x3E0 ss:$0x1] =	vst.idx.msk @!p2 $0xffff, v1  }
0x171: {  	[tilespmem:v0+s4+$0x3F0 ss:$0x1] =	vst.idx.msk @!p2 $0xffff, v1;
	s4 =	sshra.s32 @!p1 s9, $0x2;
	v1 =	vimm.f32 @!p1 $0.0e+00  }
0x172: {  	[tilespmem:v0+s4+$0x400 ss:$0x1] =	vst.idx.msk @!p1 $0xffff, v1  }
0x173: {  	[tilespmem:v0+s4+$0x410 ss:$0x1] =	vst.idx.msk @!p1 $0xffff, v1  }
0x174: {  	[tilespmem:v0+s4+$0x420 ss:$0x1] =	vst.idx.msk @!p1 $0xffff, v1  }
0x175: {  	[tilespmem:v0+s4+$0x430 ss:$0x1] =	vst.idx.msk @!p1 $0xffff, v1  }
0x176: {  	[tilespmem:v0+s4+$0x440 ss:$0x1] =	vst.idx.msk @!p1 $0xffff, v1  }
0x177: {  	[tilespmem:v0+s4+$0x450 ss:$0x1] =	vst.idx.msk @!p1 $0xffff, v1  }
0x178: {  	p2 =	sne.s32 s18, $0x0;
	[tilespmem:v0+s4+$0x460 ss:$0x1] =	vst.idx.msk @!p1 $0xffff, v1  }
0x179: {  	[tilespmem:v0+s4+$0x470 ss:$0x1] =	vst.idx.msk @!p1 $0xffff, v1;
	s4 =	sshra.s32 @!p2 s9, $0x2;
	v1 =	vimm.f32 @!p2 $0.0e+00  }
0x17a: {  	[tilespmem:v0+s4+$0x480 ss:$0x1] =	vst.idx.msk @!p2 $0xffff, v1  }
0x17b: {  	[tilespmem:v0+s4+$0x490 ss:$0x1] =	vst.idx.msk @!p2 $0xffff, v1  }
0x17c: {  	[tilespmem:v0+s4+$0x4A0 ss:$0x1] =	vst.idx.msk @!p2 $0xffff, v1  }
0x17d: {  	[tilespmem:v0+s4+$0x4B0 ss:$0x1] =	vst.idx.msk @!p2 $0xffff, v1  }
0x17e: {  	[tilespmem:v0+s4+$0x4C0 ss:$0x1] =	vst.idx.msk @!p2 $0xffff, v1  }
0x17f: {  	[tilespmem:v0+s4+$0x4D0 ss:$0x1] =	vst.idx.msk @!p2 $0xffff, v1  }
0x180: {  	p1 =	sne.s32 s17, $0x0;
	[tilespmem:v0+s4+$0x4E0 ss:$0x1] =	vst.idx.msk @!p2 $0xffff, v1  }
0x181: {  	[tilespmem:v0+s4+$0x4F0 ss:$0x1] =	vst.idx.msk @!p2 $0xffff, v1;
	s4 =	sshra.s32 @!p1 s9, $0x2;
	v1 =	vimm.f32 @!p1 $0.0e+00  }
0x182: {  	[tilespmem:v0+s4+$0x500 ss:$0x1] =	vst.idx.msk @!p1 $0xffff, v1  }
0x183: {  	[tilespmem:v0+s4+$0x510 ss:$0x1] =	vst.idx.msk @!p1 $0xffff, v1  }
0x184: {  	[tilespmem:v0+s4+$0x520 ss:$0x1] =	vst.idx.msk @!p1 $0xffff, v1  }
0x185: {  	[tilespmem:v0+s4+$0x530 ss:$0x1] =	vst.idx.msk @!p1 $0xffff, v1  }
0x186: {  	[tilespmem:v0+s4+$0x540 ss:$0x1] =	vst.idx.msk @!p1 $0xffff, v1  }
0x187: {  	[tilespmem:v0+s4+$0x550 ss:$0x1] =	vst.idx.msk @!p1 $0xffff, v1  }
0x188: {  	p2 =	sne.s32 s16, $0x0;
	[tilespmem:v0+s4+$0x560 ss:$0x1] =	vst.idx.msk @!p1 $0xffff, v1  }
0x189: {  	[tilespmem:v0+s4+$0x570 ss:$0x1] =	vst.idx.msk @!p1 $0xffff, v1;
	s4 =	sshra.s32 @!p2 s9, $0x2;
	v1 =	vimm.f32 @!p2 $0.0e+00  }
0x18a: {  	[tilespmem:v0+s4+$0x580 ss:$0x1] =	vst.idx.msk @!p2 $0xffff, v1  }
0x18b: {  	[tilespmem:v0+s4+$0x590 ss:$0x1] =	vst.idx.msk @!p2 $0xffff, v1  }
0x18c: {  	[tilespmem:v0+s4+$0x5A0 ss:$0x1] =	vst.idx.msk @!p2 $0xffff, v1  }
0x18d: {  	[tilespmem:v0+s4+$0x5B0 ss:$0x1] =	vst.idx.msk @!p2 $0xffff, v1  }
0x18e: {  	[tilespmem:v0+s4+$0x5C0 ss:$0x1] =	vst.idx.msk @!p2 $0xffff, v1  }
0x18f: {  	[tilespmem:v0+s4+$0x5D0 ss:$0x1] =	vst.idx.msk @!p2 $0xffff, v1  }
0x190: {  	p1 =	sne.s32 s15, $0x0;
	[tilespmem:v0+s4+$0x5E0 ss:$0x1] =	vst.idx.msk @!p2 $0xffff, v1  }
0x191: {  	[tilespmem:v0+s4+$0x5F0 ss:$0x1] =	vst.idx.msk @!p2 $0xffff, v1;
	s4 =	sshra.s32 @!p1 s9, $0x2;
	v1 =	vimm.f32 @!p1 $0.0e+00  }
0x192: {  	[tilespmem:v0+s4+$0x600 ss:$0x1] =	vst.idx.msk @!p1 $0xffff, v1  }
0x193: {  	[tilespmem:v0+s4+$0x610 ss:$0x1] =	vst.idx.msk @!p1 $0xffff, v1  }
0x194: {  	[tilespmem:v0+s4+$0x620 ss:$0x1] =	vst.idx.msk @!p1 $0xffff, v1  }
0x195: {  	[tilespmem:v0+s4+$0x630 ss:$0x1] =	vst.idx.msk @!p1 $0xffff, v1  }
0x196: {  	[tilespmem:v0+s4+$0x640 ss:$0x1] =	vst.idx.msk @!p1 $0xffff, v1  }
0x197: {  	[tilespmem:v0+s4+$0x650 ss:$0x1] =	vst.idx.msk @!p1 $0xffff, v1  }
0x198: {  	p2 =	sne.s32 s14, $0x0;
	[tilespmem:v0+s4+$0x660 ss:$0x1] =	vst.idx.msk @!p1 $0xffff, v1  }
0x199: {  	[tilespmem:v0+s4+$0x670 ss:$0x1] =	vst.idx.msk @!p1 $0xffff, v1;
	s4 =	sshra.s32 @!p2 s9, $0x2;
	v1 =	vimm.f32 @!p2 $0.0e+00  }
0x19a: {  	[tilespmem:v0+s4+$0x680 ss:$0x1] =	vst.idx.msk @!p2 $0xffff, v1  }
0x19b: {  	[tilespmem:v0+s4+$0x690 ss:$0x1] =	vst.idx.msk @!p2 $0xffff, v1  }
0x19c: {  	[tilespmem:v0+s4+$0x6A0 ss:$0x1] =	vst.idx.msk @!p2 $0xffff, v1  }
0x19d: {  	[tilespmem:v0+s4+$0x6B0 ss:$0x1] =	vst.idx.msk @!p2 $0xffff, v1  }
0x19e: {  	[tilespmem:v0+s4+$0x6C0 ss:$0x1] =	vst.idx.msk @!p2 $0xffff, v1  }
0x19f: {  	[tilespmem:v0+s4+$0x6D0 ss:$0x1] =	vst.idx.msk @!p2 $0xffff, v1  }
0x1a0: {  	p3 =	sne.s32 s13, $0x0;
	[tilespmem:v0+s4+$0x6E0 ss:$0x1] =	vst.idx.msk @!p2 $0xffff, v1  }
0x1a1: {  	[tilespmem:v0+s4+$0x6F0 ss:$0x1] =	vst.idx.msk @!p2 $0xffff, v1;
	s4 =	sshra.s32 @!p3 s9, $0x2;
	v1 =	vimm.f32 @!p3 $0.0e+00  }
0x1a2: {  	[tilespmem:v0+s4+$0x700 ss:$0x1] =	vst.idx.msk @!p3 $0xffff, v1  }
0x1a3: {  	[tilespmem:v0+s4+$0x710 ss:$0x1] =	vst.idx.msk @!p3 $0xffff, v1  }
0x1a4: {  	[tilespmem:v0+s4+$0x720 ss:$0x1] =	vst.idx.msk @!p3 $0xffff, v1  }
0x1a5: {  	[tilespmem:v0+s4+$0x730 ss:$0x1] =	vst.idx.msk @!p3 $0xffff, v1  }
0x1a6: {  	[tilespmem:v0+s4+$0x740 ss:$0x1] =	vst.idx.msk @!p3 $0xffff, v1  }
0x1a7: {  	[tilespmem:v0+s4+$0x750 ss:$0x1] =	vst.idx.msk @!p3 $0xffff, v1  }
0x1a8: {  	p1 =	sne.s32 s10, $0x0;
	[tilespmem:v0+s4+$0x760 ss:$0x1] =	vst.idx.msk @!p3 $0xffff, v1  }
0x1a9: {  	[tilespmem:v0+s4+$0x770 ss:$0x1] =	vst.idx.msk @!p3 $0xffff, v1;
	s4 =	sshra.s32 @!p1 s9, $0x2;
	v1 =	vimm.f32 @!p1 $0.0e+00  }
0x1aa: {  	[tilespmem:v0+s4+$0x780 ss:$0x1] =	vst.idx.msk @!p1 $0xffff, v1  }
0x1ab: {  	[tilespmem:v0+s4+$0x790 ss:$0x1] =	vst.idx.msk @!p1 $0xffff, v1  }
.Ltmp5:
0x1ac: {  	[tilespmem:v0+s4+$0x7A0 ss:$0x1] =	vst.idx.msk @!p1 $0xffff, v1;
	(pc) =	sbr.rel @p0 .LBB2_4-.Ltmp5, $4  }
0x1ad: {  	[tilespmem:v0+s4+$0x7B0 ss:$0x1] =	vst.idx.msk @!p1 $0xffff, v1  }
0x1ae: {  	[tilespmem:v0+s4+$0x7C0 ss:$0x1] =	vst.idx.msk @!p1 $0xffff, v1  }
0x1af: {  	[tilespmem:v0+s4+$0x7D0 ss:$0x1] =	vst.idx.msk @!p1 $0xffff, v1  }
0x1b0: {  	[tilespmem:v0+s4+$0x7E0 ss:$0x1] =	vst.idx.msk @!p1 $0xffff, v1  }
.Ltmp6:
0x1b1: {  	_ = 	snop;
	(pc) =	sbr.rel .LBB2_6-.Ltmp6, $2  }
0x1b2: {  	_ =	sdelay $0x2  }
0x1b3: {  	[tilespmem:v0+s4+$0x7F0 ss:$0x1] =	vst.idx.msk @!p1 $0xffff, v1  }
.LBB2_8:
0x1b4: {  	_ =	sfence.sel $0x180000  }
0x1b5: {  	[bflag:$0x0] =	sbarrier.arrive $0xFFFF  }
0x1b6: {  	_ =	strace $0x90000047  }
0x1b7: {  	s0 =	stileid.u32;
	[bflag:$0x2] =	sbarrier.arrive $0xFFFF  }
0x1b8: {  	p0 =	sne.s32 s0, $0x0;
	s0 =	rddreg [dreg:$0x3]  }
0x1b9: {  	s0 =	sadd.s32 @!p0 $0x100000, s0  }
0x1ba: {  	[sflag:s0] =	ssyncadd.tile.s32 @!p0 $0x1;
	_ =	shalt  }
.Lfunc_end2:
_tile_overlayer_lowered:
.L_overlay_start_2:
0x1bb: {  	(tag) =	ssettag $0x2  }
0x1bc: {  	s0 =	rddreg [dreg:$0x0];
	s2 =	stileid.u32  }
0x1bd: {  	s1 =	rddreg [dreg:$0x1];
	p0 =	sne.s32 s2, $0x0  }
0x1be: {  	s3 =	rddreg [dreg:$0x2];
	[bflag:$0x3] =	sbarrier.arrive $0xFFFF;
	s2 =	simm.s32 @!p0 $0x1C0F  }
0x1bf: {  	[timem:s3], [sflag:s2] =	dma.local @!p0 [hbm:s0], s1  }
0x1c0: {  	s0 =	simm.s32 @!p0 $0xF  }
0x1c1: {  	_ =	swait.ge @!p0 [sflag:s0], s1  }
0x1c2: {  	s1 =	ssub.s32 @!p0 $0x0, s1;
	[sflag:s0] =	ssyncset.done @!p0 $0x0  }
0x1c3: {  	[sflag:s0] =	ssyncadd.s32 @!p0 s1  }
0x1c4: {  	[bflag:$0x3] =	sbarrier.arrive $0xFFFF  }
0x1c5: {  	_ =	shalt  }

</sc_bundles>
